<compile_context>
chip_gen: v7x
topology: tpu7x:2x2x1
jax: 0.10.2.dev20260603
libtpu: 0.0.44.dev20260713+nightly
codegen_flags: <defaults>
</compile_context>

<pallas_src>
import functools

import jax
import jax.numpy as jnp
from jax import lax
from jax.experimental import pallas as pl
from jax.experimental.pallas import tpu as pltpu
from jax.experimental.pallas import tpu_sc as plsc

NC = 2
NS = 16
L = 16
EMBED = 128
HALF = EMBED // 2
BLK = 128
NBUF = 2


def _rtne_bf16_bits(u):
    lsb = lax.bitwise_and(lax.shift_right_logical(u, 16), jnp.int32(1))
    return u + jnp.int32(0x7FFF) + lsb


def _pack_halves(x):
    u = lax.bitcast_convert_type(x, jnp.int32)
    lo = _rtne_bf16_bits(u[..., :HALF])
    hi = _rtne_bf16_bits(u[..., HALF:])
    lo16 = lax.bitwise_and(lax.shift_right_logical(lo, 16), jnp.int32(0xFFFF))
    hi16 = lax.bitwise_and(hi, jnp.int32(-65536))
    return lax.bitwise_or(lo16, hi16)


def _pack_word_body(x_ref, out_ref):
    out_ref[...] = _pack_halves(x_ref[...])


def _pack_word(x):
    n, e = x.shape
    rows = 1000
    return pl.pallas_call(
        _pack_word_body,
        grid=(n // rows,),
        in_specs=[pl.BlockSpec((rows, e), lambda i: (i, 0))],
        out_specs=pl.BlockSpec((rows, e // 2), lambda i: (i, 0)),
        out_shape=jax.ShapeDtypeStruct((n, e // 2), jnp.int32),
    )(x)


def _fuse_tables_body(typ_ref, pos_ref, out_ref):
    p = pos_ref[...]
    t = typ_ref[...]
    out_ref[...] = _pack_halves(t[:, None, :] + p[None, :, :])


def _fuse_tables(type_emb, pos_emb):
    tv, e = type_emb.shape
    mp, _ = pos_emb.shape
    out = pl.pallas_call(
        _fuse_tables_body,
        out_shape=jax.ShapeDtypeStruct((tv, mp, e // 2), jnp.int32),
    )(type_emb, pos_emb)
    return out.reshape(tv * mp, e // 2)


def _expand(v):
    a = lax.bitcast_convert_type(lax.shift_left(v, 16), jnp.float32)
    b = lax.bitcast_convert_type(
        lax.bitwise_and(v, jnp.int32(-65536)), jnp.float32)
    return a, b


def _sc_body(nblk, max_pos, ids_hbm, pid_hbm, tt_hbm, word_hbm, fused_hbm,
             out_hbm, ids_v, pid_v, tt_v, fidx_v, wbuf, pbuf, obuf, sem_i,
             sem_w0, sem_w1, sem_w2, sem_w3,
             sem_p0, sem_p1, sem_p2, sem_p3,
             sem_o0, sem_o1, sem_o2, sem_o3):
    sems_w = (sem_w0, sem_w1, sem_w2, sem_w3)
    sems_p = (sem_p0, sem_p1, sem_p2, sem_p3)
    sems_o = (sem_o0, sem_o1, sem_o2, sem_o3)
    wid = lax.axis_index("s") * NC + lax.axis_index("c")
    base = wid * (nblk * BLK)

    def issue(g, s):
        t0 = base + g * BLK
        c1 = pltpu.async_copy(ids_hbm.at[pl.ds(t0, BLK)], ids_v.at[s], sem_i)
        c2 = pltpu.async_copy(pid_hbm.at[pl.ds(t0, BLK)], pid_v.at[s], sem_i)
        c3 = pltpu.async_copy(tt_hbm.at[pl.ds(t0, BLK)], tt_v.at[s], sem_i)
        c1.wait()
        c2.wait()
        c3.wait()
        for k in range(BLK // L):
            sl = pl.ds(k * L, L)
            fidx_v[s, sl] = tt_v[s, sl] * max_pos + pid_v[s, sl]
        pltpu.async_copy(word_hbm.at[ids_v.at[s]], wbuf.at[s], sems_w[s])
        pltpu.async_copy(fused_hbm.at[fidx_v.at[s]], pbuf.at[s], sems_p[s])

    def wait_gathers(s):
        pltpu.make_async_copy(word_hbm.at[ids_v.at[s]], wbuf.at[s],
                              sems_w[s]).wait()
        pltpu.make_async_copy(fused_hbm.at[fidx_v.at[s]], pbuf.at[s],
                              sems_p[s]).wait()

    def wait_out(s):
        pltpu.make_async_copy(obuf.at[s], out_hbm.at[pl.ds(base, BLK)],
                              sems_o[s]).wait()

    def add_and_store(g, s):
        @plsc.parallel_loop(0, BLK, unroll=8)
        def ak(j):
            for c in range(HALF // L):
                sl = pl.ds(c * L, L)
                aw, bw = _expand(wbuf[s, j, sl])
                ap, bp = _expand(pbuf[s, j, sl])
                obuf[s, j, sl] = aw + ap
                obuf[s, j, pl.ds(HALF + c * L, L)] = bw + bp
        t0 = base + g * BLK
        pltpu.async_copy(obuf.at[s], out_hbm.at[pl.ds(t0, BLK)], sems_o[s])

    nout = nblk // NBUF
    issue(0, 0)

    def outer(g0, carry):
        for b in range(NBUF):
            g = g0 * NBUF + b
            s = b
            ns = (b + 1) % NBUF
            if b < NBUF - 1:
                issue(g + 1, ns)
            else:
                @pl.when(g0 < nout - 1)
                def _():
                    issue(g + 1, ns)
            wait_gathers(s)
            @pl.when(g0 >= 1)
            def _():
                wait_out(s)
            add_and_store(g, s)
        return carry

    lax.fori_loop(0, nout, outer, 0)
    for s in range(NBUF):
        wait_out(s)


def kernel(input_ids, position_ids, token_type_ids, word_embeddings,
           position_embeddings, token_type_embeddings):
    batch, seqlen = input_ids.shape
    tok = batch * seqlen
    nw = NC * NS
    per_w = tok // nw
    nblk = per_w // BLK
    max_pos = position_embeddings.shape[0]

    ids = input_ids.reshape(-1).astype(jnp.int32)
    pid = position_ids.reshape(-1).astype(jnp.int32)
    tt = token_type_ids.reshape(-1).astype(jnp.int32)

    word_p = _pack_word(word_embeddings)
    fused_p = _fuse_tables(token_type_embeddings, position_embeddings)

    mesh = plsc.VectorSubcoreMesh(core_axis_name="c", subcore_axis_name="s")
    sc = pl.kernel(
        functools.partial(_sc_body, nblk, max_pos),
        out_type=jax.ShapeDtypeStruct((tok, EMBED), jnp.float32),
        mesh=mesh,
        compiler_params=pltpu.CompilerParams(needs_layout_passes=False,
                                             use_tc_tiling_on_sc=False),
        scratch_types=[
            pltpu.VMEM((NBUF, BLK), jnp.int32),
            pltpu.VMEM((NBUF, BLK), jnp.int32),
            pltpu.VMEM((NBUF, BLK), jnp.int32),
            pltpu.VMEM((NBUF, BLK), jnp.int32),
            pltpu.VMEM((NBUF, BLK, HALF), jnp.int32),
            pltpu.VMEM((NBUF, BLK, HALF), jnp.int32),
            pltpu.VMEM((NBUF, BLK, EMBED), jnp.float32),
        ] + [pltpu.SemaphoreType.DMA] * 13,
    )
    out = sc(ids, pid, tt, word_p, fused_p)
    return out.reshape(batch, seqlen, EMBED)

# --- scband reference (transcript-rebuilt; emitter-appended) ---
"""Pipeline reference for scband-bert-embeddings-37263136260892 (READ-ONLY COPY).

The authoritative reference and input builder live on the scoring server;
editing this copy changes nothing except your own understanding.
"""

import jax, jax.numpy as jnp
import numpy as np

VOCAB = 100000
EMBED = 128
MAX_POS = 512
TYPE_VOCAB = 2
BATCH = 4096
SEQLEN = 200

def setup_inputs(seed: int = 0) -> dict:
    key = jax.random.key(seed)
    k1, k2, k3, k4, k5, k6 = jax.random.split(key, 6)
    input_ids = jax.random.randint(k1, (BATCH, SEQLEN), 0, VOCAB, dtype=jnp.int64 if jax.config.jax_enable_x64 else jnp.int32)
    position_ids = jax.random.randint(k2, (BATCH, SEQLEN), 0, MAX_POS, dtype=input_ids.dtype)
    token_type_ids = jax.random.randint(k3, (BATCH, SEQLEN), 0, TYPE_VOCAB, dtype=input_ids.dtype)
    word_embeddings = jax.random.normal(k4, (VOCAB, EMBED), dtype=jnp.float32)
    position_embeddings = jax.random.normal(k5, (MAX_POS, EMBED), dtype=jnp.float32)
    token_type_embeddings = jax.random.normal(k6, (TYPE_VOCAB, EMBED), dtype=jnp.float32)
    return {
        'input_ids': input_ids,
        'position_ids': position_ids,
        'token_type_ids': token_type_ids,
        'word_embeddings': word_embeddings,
        'position_embeddings': position_embeddings,
        'token_type_embeddings': token_type_embeddings,
    }

def reference(input_ids, position_ids, token_type_ids, word_embeddings, position_embeddings, token_type_embeddings):
    # word embedding lookup: (B, S, E)
    embeddings = jnp.take(word_embeddings, input_ids, axis=0)
    # position embedding lookup (max_position_embeddings > 0)
    pos_emb = jnp.take(position_embeddings, position_ids, axis=0)
    embeddings = embeddings + pos_emb
    # token type embedding lookup (type_vocab_size > 0)
    type_emb = jnp.take(token_type_embeddings, token_type_ids, axis=0)
    embeddings = embeddings + type_emb
    return embeddings

if __name__ == "__main__":
    import jax
    _d = setup_inputs()
    print(jax.jit(kernel)(*tuple(_d.values())))

</pallas_src>

<mosaic_0001>
#map = affine_map<(d0, d1) -> (0)>
#map1 = affine_map<(d0, d1) -> (0, 0)>
module attributes {stable_mosaic.version = 14 : i64} {
  func.func @_sc_body(%arg0: i32, %arg1: i32, %arg2: memref<819200xi32, #tpu.memory_space<hbm>>, %arg3: memref<819200xi32, #tpu.memory_space<hbm>>, %arg4: memref<819200xi32, #tpu.memory_space<hbm>>, %arg5: memref<100000x64xi32, #tpu.memory_space<hbm>>, %arg6: memref<1024x64xi32, #tpu.memory_space<hbm>>, %arg7: memref<819200x128xf32, #tpu.memory_space<hbm>>, %arg8: memref<2x128xi32, #tpu.memory_space<vmem>>, %arg9: memref<2x128xi32, #tpu.memory_space<vmem>>, %arg10: memref<2x128xi32, #tpu.memory_space<vmem>>, %arg11: memref<2x128xi32, #tpu.memory_space<vmem>>, %arg12: memref<2x128x64xi32, #tpu.memory_space<vmem>>, %arg13: memref<2x128x64xi32, #tpu.memory_space<vmem>>, %arg14: memref<2x128x128xf32, #tpu.memory_space<vmem>>, %arg15: memref<!tpu.dma_semaphore, #tpu.memory_space<semaphore_mem>>, %arg16: memref<!tpu.dma_semaphore, #tpu.memory_space<semaphore_mem>>, %arg17: memref<!tpu.dma_semaphore, #tpu.memory_space<semaphore_mem>>, %arg18: memref<!tpu.dma_semaphore, #tpu.memory_space<semaphore_mem>>, %arg19: memref<!tpu.dma_semaphore, #tpu.memory_space<semaphore_mem>>, %arg20: memref<!tpu.dma_semaphore, #tpu.memory_space<semaphore_mem>>, %arg21: memref<!tpu.dma_semaphore, #tpu.memory_space<semaphore_mem>>, %arg22: memref<!tpu.dma_semaphore, #tpu.memory_space<semaphore_mem>>, %arg23: memref<!tpu.dma_semaphore, #tpu.memory_space<semaphore_mem>>, %arg24: memref<!tpu.dma_semaphore, #tpu.memory_space<semaphore_mem>>, %arg25: memref<!tpu.dma_semaphore, #tpu.memory_space<semaphore_mem>>, %arg26: memref<!tpu.dma_semaphore, #tpu.memory_space<semaphore_mem>>, %arg27: memref<!tpu.dma_semaphore, #tpu.memory_space<semaphore_mem>>) attributes {dimension_semantics = [#tpu.dimension_semantics<core_parallel>, #tpu.dimension_semantics<subcore_parallel>], iteration_bounds = array<i64: 2, 16>, scalar_prefetch = 0 : i64, scratch_operands = 20 : i64, tpu.core_type = #tpu.core_type<sc_vector_subcore>, window_params = [{transform_indices = #map}, {transform_indices = #map}, {transform_indices = #map}, {transform_indices = #map1}, {transform_indices = #map1}, {transform_indices = #map1}]} {
    %mul3A = arith.constant 2 : i32
    %mul3A_0 = arith.muli %arg1, %mul3A : i32
    %add3A = arith.addi %mul3A_0, %arg0 : i32
    %mul3A_1 = arith.constant 25600 : i32
    %mul3A_2 = arith.muli %add3A, %mul3A_1 : i32
    %add3A_3 = arith.constant 0 : i32
    %add3A_4 = arith.addi %mul3A_2, %add3A_3 : i32
    %dma_start3A = arith.constant 0 : i32
    %dma_start3A_5 = arith.constant 0 : i32
    %dma_start3A_6 = tpu.memref_slice %arg8[%dma_start3A, %dma_start3A_5] : memref<2x128xi32, #tpu.memory_space<vmem>> -> memref<1x128xi32, #tpu.memory_space<vmem>>
    %dma_start3A_7 = tpu.memref_squeeze %dma_start3A_6 : memref<1x128xi32, #tpu.memory_space<vmem>> -> memref<128xi32, #tpu.memory_space<vmem>>
    %dma_start3A_8 = tpu.memref_slice %arg2[%add3A_4] : memref<819200xi32, #tpu.memory_space<hbm>> -> memref<128xi32, #tpu.memory_space<hbm>>
    %dma_start3A_9 = arith.constant 0 : i32
    %dma_start3A_10 = tpu.memref_slice %arg8[%dma_start3A, %dma_start3A_9] : memref<2x128xi32, #tpu.memory_space<vmem>> -> memref<1x128xi32, #tpu.memory_space<vmem>>
    %dma_start3A_11 = tpu.memref_squeeze %dma_start3A_10 : memref<1x128xi32, #tpu.memory_space<vmem>> -> memref<128xi32, #tpu.memory_space<vmem>>
    %dma_start3A_12 = tpu.memref_slice %arg2[%add3A_4] : memref<819200xi32, #tpu.memory_space<hbm>> -> memref<128xi32, #tpu.memory_space<hbm>>
    tpu.enqueue_dma source(%dma_start3A_12 : memref<128xi32, #tpu.memory_space<hbm>>) target(%dma_start3A_11 : memref<128xi32, #tpu.memory_space<vmem>>) target_semaphore(%arg15 : memref<!tpu.dma_semaphore, #tpu.memory_space<semaphore_mem>>)
    %dma_start3A_13 = arith.constant 0 : i32
    %dma_start3A_14 = arith.constant 0 : i32
    %dma_start3A_15 = tpu.memref_slice %arg9[%dma_start3A_13, %dma_start3A_14] : memref<2x128xi32, #tpu.memory_space<vmem>> -> memref<1x128xi32, #tpu.memory_space<vmem>>
    %dma_start3A_16 = tpu.memref_squeeze %dma_start3A_15 : memref<1x128xi32, #tpu.memory_space<vmem>> -> memref<128xi32, #tpu.memory_space<vmem>>
    %dma_start3A_17 = tpu.memref_slice %arg3[%add3A_4] : memref<819200xi32, #tpu.memory_space<hbm>> -> memref<128xi32, #tpu.memory_space<hbm>>
    %dma_start3A_18 = arith.constant 0 : i32
    %dma_start3A_19 = tpu.memref_slice %arg9[%dma_start3A_13, %dma_start3A_18] : memref<2x128xi32, #tpu.memory_space<vmem>> -> memref<1x128xi32, #tpu.memory_space<vmem>>
    %dma_start3A_20 = tpu.memref_squeeze %dma_start3A_19 : memref<1x128xi32, #tpu.memory_space<vmem>> -> memref<128xi32, #tpu.memory_space<vmem>>
    %dma_start3A_21 = tpu.memref_slice %arg3[%add3A_4] : memref<819200xi32, #tpu.memory_space<hbm>> -> memref<128xi32, #tpu.memory_space<hbm>>
    tpu.enqueue_dma source(%dma_start3A_21 : memref<128xi32, #tpu.memory_space<hbm>>) target(%dma_start3A_20 : memref<128xi32, #tpu.memory_space<vmem>>) target_semaphore(%arg15 : memref<!tpu.dma_semaphore, #tpu.memory_space<semaphore_mem>>)
    %dma_start3A_22 = arith.constant 0 : i32
    %dma_start3A_23 = arith.constant 0 : i32
    %dma_start3A_24 = tpu.memref_slice %arg10[%dma_start3A_22, %dma_start3A_23] : memref<2x128xi32, #tpu.memory_space<vmem>> -> memref<1x128xi32, #tpu.memory_space<vmem>>
    %dma_start3A_25 = tpu.memref_squeeze %dma_start3A_24 : memref<1x128xi32, #tpu.memory_space<vmem>> -> memref<128xi32, #tpu.memory_space<vmem>>
    %dma_start3A_26 = tpu.memref_slice %arg4[%add3A_4] : memref<819200xi32, #tpu.memory_space<hbm>> -> memref<128xi32, #tpu.memory_space<hbm>>
    %dma_start3A_27 = arith.constant 0 : i32
    %dma_start3A_28 = tpu.memref_slice %arg10[%dma_start3A_22, %dma_start3A_27] : memref<2x128xi32, #tpu.memory_space<vmem>> -> memref<1x128xi32, #tpu.memory_space<vmem>>
    %dma_start3A_29 = tpu.memref_squeeze %dma_start3A_28 : memref<1x128xi32, #tpu.memory_space<vmem>> -> memref<128xi32, #tpu.memory_space<vmem>>
    %dma_start3A_30 = tpu.memref_slice %arg4[%add3A_4] : memref<819200xi32, #tpu.memory_space<hbm>> -> memref<128xi32, #tpu.memory_space<hbm>>
    tpu.enqueue_dma source(%dma_start3A_30 : memref<128xi32, #tpu.memory_space<hbm>>) target(%dma_start3A_29 : memref<128xi32, #tpu.memory_space<vmem>>) target_semaphore(%arg15 : memref<!tpu.dma_semaphore, #tpu.memory_space<semaphore_mem>>)
    %dma_wait3A = arith.constant 0 : i32
    %dma_wait3A_31 = arith.constant 0 : i32
    %dma_wait3A_32 = tpu.memref_slice %arg8[%dma_wait3A, %dma_wait3A_31] : memref<2x128xi32, #tpu.memory_space<vmem>> -> memref<1x128xi32, #tpu.memory_space<vmem>>
    %dma_wait3A_33 = tpu.memref_squeeze %dma_wait3A_32 : memref<1x128xi32, #tpu.memory_space<vmem>> -> memref<128xi32, #tpu.memory_space<vmem>>
    %dma_wait3A_34 = tpu.memref_slice %arg2[%add3A_4] : memref<819200xi32, #tpu.memory_space<hbm>> -> memref<128xi32, #tpu.memory_space<hbm>>
    %dma_wait3A_35 = arith.constant 0 : i32
    %dma_wait3A_36 = tpu.memref_slice %arg8[%dma_wait3A, %dma_wait3A_35] : memref<2x128xi32, #tpu.memory_space<vmem>> -> memref<1x128xi32, #tpu.memory_space<vmem>>
    %dma_wait3A_37 = tpu.memref_squeeze %dma_wait3A_36 : memref<1x128xi32, #tpu.memory_space<vmem>> -> memref<128xi32, #tpu.memory_space<vmem>>
    %dma_wait3A_38 = tpu.memref_slice %arg2[%add3A_4] : memref<819200xi32, #tpu.memory_space<hbm>> -> memref<128xi32, #tpu.memory_space<hbm>>
    tpu.wait_dma2 semaphore(%arg15 : memref<!tpu.dma_semaphore, #tpu.memory_space<semaphore_mem>>) src(%dma_wait3A_38 : memref<128xi32, #tpu.memory_space<hbm>>) dst(%dma_wait3A_37 : memref<128xi32, #tpu.memory_space<vmem>>)
    %dma_wait3A_39 = arith.constant 0 : i32
    %dma_wait3A_40 = arith.constant 0 : i32
    %dma_wait3A_41 = tpu.memref_slice %arg9[%dma_wait3A_39, %dma_wait3A_40] : memref<2x128xi32, #tpu.memory_space<vmem>> -> memref<1x128xi32, #tpu.memory_space<vmem>>
    %dma_wait3A_42 = tpu.memref_squeeze %dma_wait3A_41 : memref<1x128xi32, #tpu.memory_space<vmem>> -> memref<128xi32, #tpu.memory_space<vmem>>
    %dma_wait3A_43 = tpu.memref_slice %arg3[%add3A_4] : memref<819200xi32, #tpu.memory_space<hbm>> -> memref<128xi32, #tpu.memory_space<hbm>>
    %dma_wait3A_44 = arith.constant 0 : i32
    %dma_wait3A_45 = tpu.memref_slice %arg9[%dma_wait3A_39, %dma_wait3A_44] : memref<2x128xi32, #tpu.memory_space<vmem>> -> memref<1x128xi32, #tpu.memory_space<vmem>>
    %dma_wait3A_46 = tpu.memref_squeeze %dma_wait3A_45 : memref<1x128xi32, #tpu.memory_space<vmem>> -> memref<128xi32, #tpu.memory_space<vmem>>
    %dma_wait3A_47 = tpu.memref_slice %arg3[%add3A_4] : memref<819200xi32, #tpu.memory_space<hbm>> -> memref<128xi32, #tpu.memory_space<hbm>>
    tpu.wait_dma2 semaphore(%arg15 : memref<!tpu.dma_semaphore, #tpu.memory_space<semaphore_mem>>) src(%dma_wait3A_47 : memref<128xi32, #tpu.memory_space<hbm>>) dst(%dma_wait3A_46 : memref<128xi32, #tpu.memory_space<vmem>>)
    %dma_wait3A_48 = arith.constant 0 : i32
    %dma_wait3A_49 = arith.constant 0 : i32
    %dma_wait3A_50 = tpu.memref_slice %arg10[%dma_wait3A_48, %dma_wait3A_49] : memref<2x128xi32, #tpu.memory_space<vmem>> -> memref<1x128xi32, #tpu.memory_space<vmem>>
    %dma_wait3A_51 = tpu.memref_squeeze %dma_wait3A_50 : memref<1x128xi32, #tpu.memory_space<vmem>> -> memref<128xi32, #tpu.memory_space<vmem>>
    %dma_wait3A_52 = tpu.memref_slice %arg4[%add3A_4] : memref<819200xi32, #tpu.memory_space<hbm>> -> memref<128xi32, #tpu.memory_space<hbm>>
    %dma_wait3A_53 = arith.constant 0 : i32
    %dma_wait3A_54 = tpu.memref_slice %arg10[%dma_wait3A_48, %dma_wait3A_53] : memref<2x128xi32, #tpu.memory_space<vmem>> -> memref<1x128xi32, #tpu.memory_space<vmem>>
    %dma_wait3A_55 = tpu.memref_squeeze %dma_wait3A_54 : memref<1x128xi32, #tpu.memory_space<vmem>> -> memref<128xi32, #tpu.memory_space<vmem>>
    %dma_wait3A_56 = tpu.memref_slice %arg4[%add3A_4] : memref<819200xi32, #tpu.memory_space<hbm>> -> memref<128xi32, #tpu.memory_space<hbm>>
    tpu.wait_dma2 semaphore(%arg15 : memref<!tpu.dma_semaphore, #tpu.memory_space<semaphore_mem>>) src(%dma_wait3A_56 : memref<128xi32, #tpu.memory_space<hbm>>) dst(%dma_wait3A_55 : memref<128xi32, #tpu.memory_space<vmem>>)
    %get3A = arith.constant 0 : i32
    %get3A_57 = arith.index_cast %get3A : i32 to index
    %get3A_58 = arith.constant 0 : index
    %get3A_59 = tpu.vector_load %arg10[%get3A_57, %get3A_58] {strides = array<i32>} : memref<2x128xi32, #tpu.memory_space<vmem>>, vector<16xi32>,
    %mul3A_60 = arith.constant 512 : i32
    %mul3A_61 = vector.broadcast %mul3A_60 : i32 to vector<16xi32>
    %mul3A_62 = arith.muli %get3A_59, %mul3A_61 : vector<16xi32>
    %get3A_63 = arith.constant 0 : i32
    %get3A_64 = arith.index_cast %get3A_63 : i32 to index
    %get3A_65 = arith.constant 0 : index
    %get3A_66 = tpu.vector_load %arg9[%get3A_64, %get3A_65] {strides = array<i32>} : memref<2x128xi32, #tpu.memory_space<vmem>>, vector<16xi32>,
    %add3A_67 = arith.addi %mul3A_62, %get3A_66 : vector<16xi32>
    %swap3A = arith.constant 0 : i32
    %swap3A_68 = arith.index_cast %swap3A : i32 to index
    %swap3A_69 = arith.constant 0 : index
    %swap3A_70 = tpu.vector_load %arg11[%swap3A_68, %swap3A_69] {strides = array<i32>} : memref<2x128xi32, #tpu.memory_space<vmem>>, vector<16xi32>,
    tpu.vector_store %arg11[%swap3A_68, %swap3A_69], %add3A_67 {strides = array<i32>} : memref<2x128xi32, #tpu.memory_space<vmem>>, vector<16xi32>,
    %get3A_71 = arith.constant 0 : i32
    %get3A_72 = arith.index_cast %get3A_71 : i32 to index
    %get3A_73 = arith.constant 16 : index
    %get3A_74 = tpu.vector_load %arg10[%get3A_72, %get3A_73] {strides = array<i32>} : memref<2x128xi32, #tpu.memory_space<vmem>>, vector<16xi32>,
    %mul3A_75 = arith.constant 512 : i32
    %mul3A_76 = vector.broadcast %mul3A_75 : i32 to vector<16xi32>
    %mul3A_77 = arith.muli %get3A_74, %mul3A_76 : vector<16xi32>
    %get3A_78 = arith.constant 0 : i32
    %get3A_79 = arith.index_cast %get3A_78 : i32 to index
    %get3A_80 = arith.constant 16 : index
    %get3A_81 = tpu.vector_load %arg9[%get3A_79, %get3A_80] {strides = array<i32>} : memref<2x128xi32, #tpu.memory_space<vmem>>, vector<16xi32>,
    %add3A_82 = arith.addi %mul3A_77, %get3A_81 : vector<16xi32>
    %swap3A_83 = arith.constant 0 : i32
    %swap3A_84 = arith.index_cast %swap3A_83 : i32 to index
    %swap3A_85 = arith.constant 16 : index
    %swap3A_86 = tpu.vector_load %arg11[%swap3A_84, %swap3A_85] {strides = array<i32>} : memref<2x128xi32, #tpu.memory_space<vmem>>, vector<16xi32>,
    tpu.vector_store %arg11[%swap3A_84, %swap3A_85], %add3A_82 {strides = array<i32>} : memref<2x128xi32, #tpu.memory_space<vmem>>, vector<16xi32>,
    %get3A_87 = arith.constant 0 : i32
    %get3A_88 = arith.index_cast %get3A_87 : i32 to index
    %get3A_89 = arith.constant 32 : index
    %get3A_90 = tpu.vector_load %arg10[%get3A_88, %get3A_89] {strides = array<i32>} : memref<2x128xi32, #tpu.memory_space<vmem>>, vector<16xi32>,
    %mul3A_91 = arith.constant 512 : i32
    %mul3A_92 = vector.broadcast %mul3A_91 : i32 to vector<16xi32>
    %mul3A_93 = arith.muli %get3A_90, %mul3A_92 : vector<16xi32>
    %get3A_94 = arith.constant 0 : i32
    %get3A_95 = arith.index_cast %get3A_94 : i32 to index
    %get3A_96 = arith.constant 32 : index
    %get3A_97 = tpu.vector_load %arg9[%get3A_95, %get3A_96] {strides = array<i32>} : memref<2x128xi32, #tpu.memory_space<vmem>>, vector<16xi32>,
    %add3A_98 = arith.addi %mul3A_93, %get3A_97 : vector<16xi32>
    %swap3A_99 = arith.constant 0 : i32
    %swap3A_100 = arith.index_cast %swap3A_99 : i32 to index
    %swap3A_101 = arith.constant 32 : index
    %swap3A_102 = tpu.vector_load %arg11[%swap3A_100, %swap3A_101] {strides = array<i32>} : memref<2x128xi32, #tpu.memory_space<vmem>>, vector<16xi32>,
    tpu.vector_store %arg11[%swap3A_100, %swap3A_101], %add3A_98 {strides = array<i32>} : memref<2x128xi32, #tpu.memory_space<vmem>>, vector<16xi32>,
    %get3A_103 = arith.constant 0 : i32
    %get3A_104 = arith.index_cast %get3A_103 : i32 to index
    %get3A_105 = arith.constant 48 : index
    %get3A_106 = tpu.vector_load %arg10[%get3A_104, %get3A_105] {strides = array<i32>} : memref<2x128xi32, #tpu.memory_space<vmem>>, vector<16xi32>,
    %mul3A_107 = arith.constant 512 : i32
    %mul3A_108 = vector.broadcast %mul3A_107 : i32 to vector<16xi32>
    %mul3A_109 = arith.muli %get3A_106, %mul3A_108 : vector<16xi32>
    %get3A_110 = arith.constant 0 : i32
    %get3A_111 = arith.index_cast %get3A_110 : i32 to index
    %get3A_112 = arith.constant 48 : index
    %get3A_113 = tpu.vector_load %arg9[%get3A_111, %get3A_112] {strides = array<i32>} : memref<2x128xi32, #tpu.memory_space<vmem>>, vector<16xi32>,
    %add3A_114 = arith.addi %mul3A_109, %get3A_113 : vector<16xi32>
    %swap3A_115 = arith.constant 0 : i32
    %swap3A_116 = arith.index_cast %swap3A_115 : i32 to index
    %swap3A_117 = arith.constant 48 : index
    %swap3A_118 = tpu.vector_load %arg11[%swap3A_116, %swap3A_117] {strides = array<i32>} : memref<2x128xi32, #tpu.memory_space<vmem>>, vector<16xi32>,
    tpu.vector_store %arg11[%swap3A_116, %swap3A_117], %add3A_114 {strides = array<i32>} : memref<2x128xi32, #tpu.memory_space<vmem>>, vector<16xi32>,
    %get3A_119 = arith.constant 0 : i32
    %get3A_120 = arith.index_cast %get3A_119 : i32 to index
    %get3A_121 = arith.constant 64 : index
    %get3A_122 = tpu.vector_load %arg10[%get3A_120, %get3A_121] {strides = array<i32>} : memref<2x128xi32, #tpu.memory_space<vmem>>, vector<16xi32>,
    %mul3A_123 = arith.constant 512 : i32
    %mul3A_124 = vector.broadcast %mul3A_123 : i32 to vector<16xi32>
    %mul3A_125 = arith.muli %get3A_122, %mul3A_124 : vector<16xi32>
    %get3A_126 = arith.constant 0 : i32
    %get3A_127 = arith.index_cast %get3A_126 : i32 to index
    %get3A_128 = arith.constant 64 : index
    %get3A_129 = tpu.vector_load %arg9[%get3A_127, %get3A_128] {strides = array<i32>} : memref<2x128xi32, #tpu.memory_space<vmem>>, vector<16xi32>,
    %add3A_130 = arith.addi %mul3A_125, %get3A_129 : vector<16xi32>
    %swap3A_131 = arith.constant 0 : i32
    %swap3A_132 = arith.index_cast %swap3A_131 : i32 to index
    %swap3A_133 = arith.constant 64 : index
    %swap3A_134 = tpu.vector_load %arg11[%swap3A_132, %swap3A_133] {strides = array<i32>} : memref<2x128xi32, #tpu.memory_space<vmem>>, vector<16xi32>,
    tpu.vector_store %arg11[%swap3A_132, %swap3A_133], %add3A_130 {strides = array<i32>} : memref<2x128xi32, #tpu.memory_space<vmem>>, vector<16xi32>,
    %get3A_135 = arith.constant 0 : i32
    %get3A_136 = arith.index_cast %get3A_135 : i32 to index
    %get3A_137 = arith.constant 80 : index
    %get3A_138 = tpu.vector_load %arg10[%get3A_136, %get3A_137] {strides = array<i32>} : memref<2x128xi32, #tpu.memory_space<vmem>>, vector<16xi32>,
    %mul3A_139 = arith.constant 512 : i32
    %mul3A_140 = vector.broadcast %mul3A_139 : i32 to vector<16xi32>
    %mul3A_141 = arith.muli %get3A_138, %mul3A_140 : vector<16xi32>
    %get3A_142 = arith.constant 0 : i32
    %get3A_143 = arith.index_cast %get3A_142 : i32 to index
    %get3A_144 = arith.constant 80 : index
    %get3A_145 = tpu.vector_load %arg9[%get3A_143, %get3A_144] {strides = array<i32>} : memref<2x128xi32, #tpu.memory_space<vmem>>, vector<16xi32>,
    %add3A_146 = arith.addi %mul3A_141, %get3A_145 : vector<16xi32>
    %swap3A_147 = arith.constant 0 : i32
    %swap3A_148 = arith.index_cast %swap3A_147 : i32 to index
    %swap3A_149 = arith.constant 80 : index
    %swap3A_150 = tpu.vector_load %arg11[%swap3A_148, %swap3A_149] {strides = array<i32>} : memref<2x128xi32, #tpu.memory_space<vmem>>, vector<16xi32>,
    tpu.vector_store %arg11[%swap3A_148, %swap3A_149], %add3A_146 {strides = array<i32>} : memref<2x128xi32, #tpu.memory_space<vmem>>, vector<16xi32>,
    %get3A_151 = arith.constant 0 : i32
    %get3A_152 = arith.index_cast %get3A_151 : i32 to index
    %get3A_153 = arith.constant 96 : index
    %get3A_154 = tpu.vector_load %arg10[%get3A_152, %get3A_153] {strides = array<i32>} : memref<2x128xi32, #tpu.memory_space<vmem>>, vector<16xi32>,
    %mul3A_155 = arith.constant 512 : i32
    %mul3A_156 = vector.broadcast %mul3A_155 : i32 to vector<16xi32>
    %mul3A_157 = arith.muli %get3A_154, %mul3A_156 : vector<16xi32>
    %get3A_158 = arith.constant 0 : i32
    %get3A_159 = arith.index_cast %get3A_158 : i32 to index
    %get3A_160 = arith.constant 96 : index
    %get3A_161 = tpu.vector_load %arg9[%get3A_159, %get3A_160] {strides = array<i32>} : memref<2x128xi32, #tpu.memory_space<vmem>>, vector<16xi32>,
    %add3A_162 = arith.addi %mul3A_157, %get3A_161 : vector<16xi32>
    %swap3A_163 = arith.constant 0 : i32
    %swap3A_164 = arith.index_cast %swap3A_163 : i32 to index
    %swap3A_165 = arith.constant 96 : index
    %swap3A_166 = tpu.vector_load %arg11[%swap3A_164, %swap3A_165] {strides = array<i32>} : memref<2x128xi32, #tpu.memory_space<vmem>>, vector<16xi32>,
    tpu.vector_store %arg11[%swap3A_164, %swap3A_165], %add3A_162 {strides = array<i32>} : memref<2x128xi32, #tpu.memory_space<vmem>>, vector<16xi32>,
    %get3A_167 = arith.constant 0 : i32
    %get3A_168 = arith.index_cast %get3A_167 : i32 to index
    %get3A_169 = arith.constant 112 : index
    %get3A_170 = tpu.vector_load %arg10[%get3A_168, %get3A_169] {strides = array<i32>} : memref<2x128xi32, #tpu.memory_space<vmem>>, vector<16xi32>,
    %mul3A_171 = arith.constant 512 : i32
    %mul3A_172 = vector.broadcast %mul3A_171 : i32 to vector<16xi32>
    %mul3A_173 = arith.muli %get3A_170, %mul3A_172 : vector<16xi32>
    %get3A_174 = arith.constant 0 : i32
    %get3A_175 = arith.index_cast %get3A_174 : i32 to index
    %get3A_176 = arith.constant 112 : index
    %get3A_177 = tpu.vector_load %arg9[%get3A_175, %get3A_176] {strides = array<i32>} : memref<2x128xi32, #tpu.memory_space<vmem>>, vector<16xi32>,
    %add3A_178 = arith.addi %mul3A_173, %get3A_177 : vector<16xi32>
    %swap3A_179 = arith.constant 0 : i32
    %swap3A_180 = arith.index_cast %swap3A_179 : i32 to index
    %swap3A_181 = arith.constant 112 : index
    %swap3A_182 = tpu.vector_load %arg11[%swap3A_180, %swap3A_181] {strides = array<i32>} : memref<2x128xi32, #tpu.memory_space<vmem>>, vector<16xi32>,
    tpu.vector_store %arg11[%swap3A_180, %swap3A_181], %add3A_178 {strides = array<i32>} : memref<2x128xi32, #tpu.memory_space<vmem>>, vector<16xi32>,
    %dma_start3A_183 = arith.constant 0 : i32
    %dma_start3A_184 = arith.constant 0 : i32
    %dma_start3A_185 = arith.constant 0 : i32
    %dma_start3A_186 = arith.constant 0 : i32
    %dma_start3A_187 = tpu.memref_slice %arg12[%dma_start3A_184, %dma_start3A_185, %dma_start3A_186] : memref<2x128x64xi32, #tpu.memory_space<vmem>> -> memref<1x128x64xi32, #tpu.memory_space<vmem>>
    %dma_start3A_188 = tpu.memref_squeeze %dma_start3A_187 : memref<1x128x64xi32, #tpu.memory_space<vmem>> -> memref<128x64xi32, #tpu.memory_space<vmem>>
    %dma_start3A_189 = arith.constant 0 : i32
    %dma_start3A_190 = tpu.memref_slice %arg8[%dma_start3A_183, %dma_start3A_189] : memref<2x128xi32, #tpu.memory_space<vmem>> -> memref<1x128xi32, #tpu.memory_space<vmem>>
    %dma_start3A_191 = tpu.memref_squeeze %dma_start3A_190 : memref<1x128xi32, #tpu.memory_space<vmem>> -> memref<128xi32, #tpu.memory_space<vmem>>
    %dma_start3A_192 = arith.constant 0 : i32
    %dma_start3A_193 = arith.constant 0 : i32
    %dma_start3A_194 = tpu.memref_slice %arg5[%dma_start3A_192, %dma_start3A_193] : memref<100000x64xi32, #tpu.memory_space<hbm>> -> memref<100000x64xi32, #tpu.memory_space<hbm>>
    tpu.enqueue_indirect_dma source(%dma_start3A_194 : memref<100000x64xi32, #tpu.memory_space<hbm>>) target(%dma_start3A_188 : memref<128x64xi32, #tpu.memory_space<vmem>>) offsets(%dma_start3A_191 : memref<128xi32, #tpu.memory_space<vmem>>) semaphore(%arg16 : memref<!tpu.dma_semaphore, #tpu.memory_space<semaphore_mem>>)
    %dma_start3A_195 = arith.constant 0 : i32
    %dma_start3A_196 = arith.constant 0 : i32
    %dma_start3A_197 = arith.constant 0 : i32
    %dma_start3A_198 = arith.constant 0 : i32
    %dma_start3A_199 = tpu.memref_slice %arg13[%dma_start3A_196, %dma_start3A_197, %dma_start3A_198] : memref<2x128x64xi32, #tpu.memory_space<vmem>> -> memref<1x128x64xi32, #tpu.memory_space<vmem>>
    %dma_start3A_200 = tpu.memref_squeeze %dma_start3A_199 : memref<1x128x64xi32, #tpu.memory_space<vmem>> -> memref<128x64xi32, #tpu.memory_space<vmem>>
    %dma_start3A_201 = arith.constant 0 : i32
    %dma_start3A_202 = tpu.memref_slice %arg11[%dma_start3A_195, %dma_start3A_201] : memref<2x128xi32, #tpu.memory_space<vmem>> -> memref<1x128xi32, #tpu.memory_space<vmem>>
    %dma_start3A_203 = tpu.memref_squeeze %dma_start3A_202 : memref<1x128xi32, #tpu.memory_space<vmem>> -> memref<128xi32, #tpu.memory_space<vmem>>
    %dma_start3A_204 = arith.constant 0 : i32
    %dma_start3A_205 = arith.constant 0 : i32
    %dma_start3A_206 = tpu.memref_slice %arg6[%dma_start3A_204, %dma_start3A_205] : memref<1024x64xi32, #tpu.memory_space<hbm>> -> memref<1024x64xi32, #tpu.memory_space<hbm>>
    tpu.enqueue_indirect_dma source(%dma_start3A_206 : memref<1024x64xi32, #tpu.memory_space<hbm>>) target(%dma_start3A_200 : memref<128x64xi32, #tpu.memory_space<vmem>>) offsets(%dma_start3A_203 : memref<128xi32, #tpu.memory_space<vmem>>) semaphore(%arg20 : memref<!tpu.dma_semaphore, #tpu.memory_space<semaphore_mem>>)
    %scan3A = arith.constant 0 : i32
    %scan3A_207 = arith.constant 0 : i32
    %scan3A_208 = arith.constant 100 : i32
    %scan3A_209 = arith.addi %scan3A_207, %scan3A_208 : i32
    %scan3A_210 = arith.constant 1 : i32
    scf.for %scan3A_238 = %scan3A_207 to %scan3A_209 step %scan3A_210  : i32 {
      %mul3A_239 = arith.constant 2 : i32
      %mul3A_240 = arith.muli %scan3A_238, %mul3A_239 : i32
      %add3A_241 = arith.constant 0 : i32
      %add3A_242 = arith.addi %mul3A_240, %add3A_241 : i32
      %add3A_243 = arith.constant 1 : i32
      %add3A_244 = arith.addi %add3A_242, %add3A_243 : i32
      %mul3A_245 = arith.constant 128 : i32
      %mul3A_246 = arith.muli %add3A_244, %mul3A_245 : i32
      %add3A_247 = arith.addi %mul3A_2, %mul3A_246 : i32
      %dma_start3A_248 = arith.constant 1 : i32
      %dma_start3A_249 = arith.constant 0 : i32
      %dma_start3A_250 = tpu.memref_slice %arg8[%dma_start3A_248, %dma_start3A_249] : memref<2x128xi32, #tpu.memory_space<vmem>> -> memref<1x128xi32, #tpu.memory_space<vmem>>
      %dma_start3A_251 = tpu.memref_squeeze %dma_start3A_250 : memref<1x128xi32, #tpu.memory_space<vmem>> -> memref<128xi32, #tpu.memory_space<vmem>>
      %dma_start3A_252 = tpu.memref_slice %arg2[%add3A_247] : memref<819200xi32, #tpu.memory_space<hbm>> -> memref<128xi32, #tpu.memory_space<hbm>>
      %dma_start3A_253 = arith.constant 0 : i32
      %dma_start3A_254 = tpu.memref_slice %arg8[%dma_start3A_248, %dma_start3A_253] : memref<2x128xi32, #tpu.memory_space<vmem>> -> memref<1x128xi32, #tpu.memory_space<vmem>>
      %dma_start3A_255 = tpu.memref_squeeze %dma_start3A_254 : memref<1x128xi32, #tpu.memory_space<vmem>> -> memref<128xi32, #tpu.memory_space<vmem>>
      %dma_start3A_256 = tpu.memref_slice %arg2[%add3A_247] : memref<819200xi32, #tpu.memory_space<hbm>> -> memref<128xi32, #tpu.memory_space<hbm>>
      tpu.enqueue_dma source(%dma_start3A_256 : memref<128xi32, #tpu.memory_space<hbm>>) target(%dma_start3A_255 : memref<128xi32, #tpu.memory_space<vmem>>) target_semaphore(%arg15 : memref<!tpu.dma_semaphore, #tpu.memory_space<semaphore_mem>>)
      %dma_start3A_257 = arith.constant 1 : i32
      %dma_start3A_258 = arith.constant 0 : i32
      %dma_start3A_259 = tpu.memref_slice %arg9[%dma_start3A_257, %dma_start3A_258] : memref<2x128xi32, #tpu.memory_space<vmem>> -> memref<1x128xi32, #tpu.memory_space<vmem>>
      %dma_start3A_260 = tpu.memref_squeeze %dma_start3A_259 : memref<1x128xi32, #tpu.memory_space<vmem>> -> memref<128xi32, #tpu.memory_space<vmem>>
      %dma_start3A_261 = tpu.memref_slice %arg3[%add3A_247] : memref<819200xi32, #tpu.memory_space<hbm>> -> memref<128xi32, #tpu.memory_space<hbm>>
      %dma_start3A_262 = arith.constant 0 : i32
      %dma_start3A_263 = tpu.memref_slice %arg9[%dma_start3A_257, %dma_start3A_262] : memref<2x128xi32, #tpu.memory_space<vmem>> -> memref<1x128xi32, #tpu.memory_space<vmem>>
      %dma_start3A_264 = tpu.memref_squeeze %dma_start3A_263 : memref<1x128xi32, #tpu.memory_space<vmem>> -> memref<128xi32, #tpu.memory_space<vmem>>
      %dma_start3A_265 = tpu.memref_slice %arg3[%add3A_247] : memref<819200xi32, #tpu.memory_space<hbm>> -> memref<128xi32, #tpu.memory_space<hbm>>
      tpu.enqueue_dma source(%dma_start3A_265 : memref<128xi32, #tpu.memory_space<hbm>>) target(%dma_start3A_264 : memref<128xi32, #tpu.memory_space<vmem>>) target_semaphore(%arg15 : memref<!tpu.dma_semaphore, #tpu.memory_space<semaphore_mem>>)
      %dma_start3A_266 = arith.constant 1 : i32
      %dma_start3A_267 = arith.constant 0 : i32
      %dma_start3A_268 = tpu.memref_slice %arg10[%dma_start3A_266, %dma_start3A_267] : memref<2x128xi32, #tpu.memory_space<vmem>> -> memref<1x128xi32, #tpu.memory_space<vmem>>
      %dma_start3A_269 = tpu.memref_squeeze %dma_start3A_268 : memref<1x128xi32, #tpu.memory_space<vmem>> -> memref<128xi32, #tpu.memory_space<vmem>>
      %dma_start3A_270 = tpu.memref_slice %arg4[%add3A_247] : memref<819200xi32, #tpu.memory_space<hbm>> -> memref<128xi32, #tpu.memory_space<hbm>>
      %dma_start3A_271 = arith.constant 0 : i32
      %dma_start3A_272 = tpu.memref_slice %arg10[%dma_start3A_266, %dma_start3A_271] : memref<2x128xi32, #tpu.memory_space<vmem>> -> memref<1x128xi32, #tpu.memory_space<vmem>>
      %dma_start3A_273 = tpu.memref_squeeze %dma_start3A_272 : memref<1x128xi32, #tpu.memory_space<vmem>> -> memref<128xi32, #tpu.memory_space<vmem>>
      %dma_start3A_274 = tpu.memref_slice %arg4[%add3A_247] : memref<819200xi32, #tpu.memory_space<hbm>> -> memref<128xi32, #tpu.memory_space<hbm>>
      tpu.enqueue_dma source(%dma_start3A_274 : memref<128xi32, #tpu.memory_space<hbm>>) target(%dma_start3A_273 : memref<128xi32, #tpu.memory_space<vmem>>) target_semaphore(%arg15 : memref<!tpu.dma_semaphore, #tpu.memory_space<semaphore_mem>>)
      %dma_wait3A_275 = arith.constant 1 : i32
      %dma_wait3A_276 = arith.constant 0 : i32
      %dma_wait3A_277 = tpu.memref_slice %arg8[%dma_wait3A_275, %dma_wait3A_276] : memref<2x128xi32, #tpu.memory_space<vmem>> -> memref<1x128xi32, #tpu.memory_space<vmem>>
      %dma_wait3A_278 = tpu.memref_squeeze %dma_wait3A_277 : memref<1x128xi32, #tpu.memory_space<vmem>> -> memref<128xi32, #tpu.memory_space<vmem>>
      %dma_wait3A_279 = tpu.memref_slice %arg2[%add3A_247] : memref<819200xi32, #tpu.memory_space<hbm>> -> memref<128xi32, #tpu.memory_space<hbm>>
      %dma_wait3A_280 = arith.constant 0 : i32
      %dma_wait3A_281 = tpu.memref_slice %arg8[%dma_wait3A_275, %dma_wait3A_280] : memref<2x128xi32, #tpu.memory_space<vmem>> -> memref<1x128xi32, #tpu.memory_space<vmem>>
      %dma_wait3A_282 = tpu.memref_squeeze %dma_wait3A_281 : memref<1x128xi32, #tpu.memory_space<vmem>> -> memref<128xi32, #tpu.memory_space<vmem>>
      %dma_wait3A_283 = tpu.memref_slice %arg2[%add3A_247] : memref<819200xi32, #tpu.memory_space<hbm>> -> memref<128xi32, #tpu.memory_space<hbm>>
      tpu.wait_dma2 semaphore(%arg15 : memref<!tpu.dma_semaphore, #tpu.memory_space<semaphore_mem>>) src(%dma_wait3A_283 : memref<128xi32, #tpu.memory_space<hbm>>) dst(%dma_wait3A_282 : memref<128xi32, #tpu.memory_space<vmem>>)
      %dma_wait3A_284 = arith.constant 1 : i32
      %dma_wait3A_285 = arith.constant 0 : i32
      %dma_wait3A_286 = tpu.memref_slice %arg9[%dma_wait3A_284, %dma_wait3A_285] : memref<2x128xi32, #tpu.memory_space<vmem>> -> memref<1x128xi32, #tpu.memory_space<vmem>>
      %dma_wait3A_287 = tpu.memref_squeeze %dma_wait3A_286 : memref<1x128xi32, #tpu.memory_space<vmem>> -> memref<128xi32, #tpu.memory_space<vmem>>
      %dma_wait3A_288 = tpu.memref_slice %arg3[%add3A_247] : memref<819200xi32, #tpu.memory_space<hbm>> -> memref<128xi32, #tpu.memory_space<hbm>>
      %dma_wait3A_289 = arith.constant 0 : i32
      %dma_wait3A_290 = tpu.memref_slice %arg9[%dma_wait3A_284, %dma_wait3A_289] : memref<2x128xi32, #tpu.memory_space<vmem>> -> memref<1x128xi32, #tpu.memory_space<vmem>>
      %dma_wait3A_291 = tpu.memref_squeeze %dma_wait3A_290 : memref<1x128xi32, #tpu.memory_space<vmem>> -> memref<128xi32, #tpu.memory_space<vmem>>
      %dma_wait3A_292 = tpu.memref_slice %arg3[%add3A_247] : memref<819200xi32, #tpu.memory_space<hbm>> -> memref<128xi32, #tpu.memory_space<hbm>>
      tpu.wait_dma2 semaphore(%arg15 : memref<!tpu.dma_semaphore, #tpu.memory_space<semaphore_mem>>) src(%dma_wait3A_292 : memref<128xi32, #tpu.memory_space<hbm>>) dst(%dma_wait3A_291 : memref<128xi32, #tpu.memory_space<vmem>>)
      %dma_wait3A_293 = arith.constant 1 : i32
      %dma_wait3A_294 = arith.constant 0 : i32
      %dma_wait3A_295 = tpu.memref_slice %arg10[%dma_wait3A_293, %dma_wait3A_294] : memref<2x128xi32, #tpu.memory_space<vmem>> -> memref<1x128xi32, #tpu.memory_space<vmem>>
      %dma_wait3A_296 = tpu.memref_squeeze %dma_wait3A_295 : memref<1x128xi32, #tpu.memory_space<vmem>> -> memref<128xi32, #tpu.memory_space<vmem>>
      %dma_wait3A_297 = tpu.memref_slice %arg4[%add3A_247] : memref<819200xi32, #tpu.memory_space<hbm>> -> memref<128xi32, #tpu.memory_space<hbm>>
      %dma_wait3A_298 = arith.constant 0 : i32
      %dma_wait3A_299 = tpu.memref_slice %arg10[%dma_wait3A_293, %dma_wait3A_298] : memref<2x128xi32, #tpu.memory_space<vmem>> -> memref<1x128xi32, #tpu.memory_space<vmem>>
      %dma_wait3A_300 = tpu.memref_squeeze %dma_wait3A_299 : memref<1x128xi32, #tpu.memory_space<vmem>> -> memref<128xi32, #tpu.memory_space<vmem>>
      %dma_wait3A_301 = tpu.memref_slice %arg4[%add3A_247] : memref<819200xi32, #tpu.memory_space<hbm>> -> memref<128xi32, #tpu.memory_space<hbm>>
      tpu.wait_dma2 semaphore(%arg15 : memref<!tpu.dma_semaphore, #tpu.memory_space<semaphore_mem>>) src(%dma_wait3A_301 : memref<128xi32, #tpu.memory_space<hbm>>) dst(%dma_wait3A_300 : memref<128xi32, #tpu.memory_space<vmem>>)
      %get3A_302 = arith.constant 1 : i32
      %get3A_303 = arith.index_cast %get3A_302 : i32 to index
      %get3A_304 = arith.constant 0 : index
      %get3A_305 = tpu.vector_load %arg10[%get3A_303, %get3A_304] {strides = array<i32>} : memref<2x128xi32, #tpu.memory_space<vmem>>, vector<16xi32>,
      %mul3A_306 = arith.constant 512 : i32
      %mul3A_307 = vector.broadcast %mul3A_306 : i32 to vector<16xi32>
      %mul3A_308 = arith.muli %get3A_305, %mul3A_307 : vector<16xi32>
      %get3A_309 = arith.constant 1 : i32
      %get3A_310 = arith.index_cast %get3A_309 : i32 to index
      %get3A_311 = arith.constant 0 : index
      %get3A_312 = tpu.vector_load %arg9[%get3A_310, %get3A_311] {strides = array<i32>} : memref<2x128xi32, #tpu.memory_space<vmem>>, vector<16xi32>,
      %add3A_313 = arith.addi %mul3A_308, %get3A_312 : vector<16xi32>
      %swap3A_314 = arith.constant 1 : i32
      %swap3A_315 = arith.index_cast %swap3A_314 : i32 to index
      %swap3A_316 = arith.constant 0 : index
      %swap3A_317 = tpu.vector_load %arg11[%swap3A_315, %swap3A_316] {strides = array<i32>} : memref<2x128xi32, #tpu.memory_space<vmem>>, vector<16xi32>,
      tpu.vector_store %arg11[%swap3A_315, %swap3A_316], %add3A_313 {strides = array<i32>} : memref<2x128xi32, #tpu.memory_space<vmem>>, vector<16xi32>,
      %get3A_318 = arith.constant 1 : i32
      %get3A_319 = arith.index_cast %get3A_318 : i32 to index
      %get3A_320 = arith.constant 16 : index
      %get3A_321 = tpu.vector_load %arg10[%get3A_319, %get3A_320] {strides = array<i32>} : memref<2x128xi32, #tpu.memory_space<vmem>>, vector<16xi32>,
      %mul3A_322 = arith.constant 512 : i32
      %mul3A_323 = vector.broadcast %mul3A_322 : i32 to vector<16xi32>
      %mul3A_324 = arith.muli %get3A_321, %mul3A_323 : vector<16xi32>
      %get3A_325 = arith.constant 1 : i32
      %get3A_326 = arith.index_cast %get3A_325 : i32 to index
      %get3A_327 = arith.constant 16 : index
      %get3A_328 = tpu.vector_load %arg9[%get3A_326, %get3A_327] {strides = array<i32>} : memref<2x128xi32, #tpu.memory_space<vmem>>, vector<16xi32>,
      %add3A_329 = arith.addi %mul3A_324, %get3A_328 : vector<16xi32>
      %swap3A_330 = arith.constant 1 : i32
      %swap3A_331 = arith.index_cast %swap3A_330 : i32 to index
      %swap3A_332 = arith.constant 16 : index
      %swap3A_333 = tpu.vector_load %arg11[%swap3A_331, %swap3A_332] {strides = array<i32>} : memref<2x128xi32, #tpu.memory_space<vmem>>, vector<16xi32>,
      tpu.vector_store %arg11[%swap3A_331, %swap3A_332], %add3A_329 {strides = array<i32>} : memref<2x128xi32, #tpu.memory_space<vmem>>, vector<16xi32>,
      %get3A_334 = arith.constant 1 : i32
      %get3A_335 = arith.index_cast %get3A_334 : i32 to index
      %get3A_336 = arith.constant 32 : index
      %get3A_337 = tpu.vector_load %arg10[%get3A_335, %get3A_336] {strides = array<i32>} : memref<2x128xi32, #tpu.memory_space<vmem>>, vector<16xi32>,
      %mul3A_338 = arith.constant 512 : i32
      %mul3A_339 = vector.broadcast %mul3A_338 : i32 to vector<16xi32>
      %mul3A_340 = arith.muli %get3A_337, %mul3A_339 : vector<16xi32>
      %get3A_341 = arith.constant 1 : i32
      %get3A_342 = arith.index_cast %get3A_341 : i32 to index
      %get3A_343 = arith.constant 32 : index
      %get3A_344 = tpu.vector_load %arg9[%get3A_342, %get3A_343] {strides = array<i32>} : memref<2x128xi32, #tpu.memory_space<vmem>>, vector<16xi32>,
      %add3A_345 = arith.addi %mul3A_340, %get3A_344 : vector<16xi32>
      %swap3A_346 = arith.constant 1 : i32
      %swap3A_347 = arith.index_cast %swap3A_346 : i32 to index
      %swap3A_348 = arith.constant 32 : index
      %swap3A_349 = tpu.vector_load %arg11[%swap3A_347, %swap3A_348] {strides = array<i32>} : memref<2x128xi32, #tpu.memory_space<vmem>>, vector<16xi32>,
      tpu.vector_store %arg11[%swap3A_347, %swap3A_348], %add3A_345 {strides = array<i32>} : memref<2x128xi32, #tpu.memory_space<vmem>>, vector<16xi32>,
      %get3A_350 = arith.constant 1 : i32
      %get3A_351 = arith.index_cast %get3A_350 : i32 to index
      %get3A_352 = arith.constant 48 : index
      %get3A_353 = tpu.vector_load %arg10[%get3A_351, %get3A_352] {strides = array<i32>} : memref<2x128xi32, #tpu.memory_space<vmem>>, vector<16xi32>,
      %mul3A_354 = arith.constant 512 : i32
      %mul3A_355 = vector.broadcast %mul3A_354 : i32 to vector<16xi32>
      %mul3A_356 = arith.muli %get3A_353, %mul3A_355 : vector<16xi32>
      %get3A_357 = arith.constant 1 : i32
      %get3A_358 = arith.index_cast %get3A_357 : i32 to index
      %get3A_359 = arith.constant 48 : index
      %get3A_360 = tpu.vector_load %arg9[%get3A_358, %get3A_359] {strides = array<i32>} : memref<2x128xi32, #tpu.memory_space<vmem>>, vector<16xi32>,
      %add3A_361 = arith.addi %mul3A_356, %get3A_360 : vector<16xi32>
      %swap3A_362 = arith.constant 1 : i32
      %swap3A_363 = arith.index_cast %swap3A_362 : i32 to index
      %swap3A_364 = arith.constant 48 : index
      %swap3A_365 = tpu.vector_load %arg11[%swap3A_363, %swap3A_364] {strides = array<i32>} : memref<2x128xi32, #tpu.memory_space<vmem>>, vector<16xi32>,
      tpu.vector_store %arg11[%swap3A_363, %swap3A_364], %add3A_361 {strides = array<i32>} : memref<2x128xi32, #tpu.memory_space<vmem>>, vector<16xi32>,
      %get3A_366 = arith.constant 1 : i32
      %get3A_367 = arith.index_cast %get3A_366 : i32 to index
      %get3A_368 = arith.constant 64 : index
      %get3A_369 = tpu.vector_load %arg10[%get3A_367, %get3A_368] {strides = array<i32>} : memref<2x128xi32, #tpu.memory_space<vmem>>, vector<16xi32>,
      %mul3A_370 = arith.constant 512 : i32
      %mul3A_371 = vector.broadcast %mul3A_370 : i32 to vector<16xi32>
      %mul3A_372 = arith.muli %get3A_369, %mul3A_371 : vector<16xi32>
      %get3A_373 = arith.constant 1 : i32
      %get3A_374 = arith.index_cast %get3A_373 : i32 to index
      %get3A_375 = arith.constant 64 : index
      %get3A_376 = tpu.vector_load %arg9[%get3A_374, %get3A_375] {strides = array<i32>} : memref<2x128xi32, #tpu.memory_space<vmem>>, vector<16xi32>,
      %add3A_377 = arith.addi %mul3A_372, %get3A_376 : vector<16xi32>
      %swap3A_378 = arith.constant 1 : i32
      %swap3A_379 = arith.index_cast %swap3A_378 : i32 to index
      %swap3A_380 = arith.constant 64 : index
      %swap3A_381 = tpu.vector_load %arg11[%swap3A_379, %swap3A_380] {strides = array<i32>} : memref<2x128xi32, #tpu.memory_space<vmem>>, vector<16xi32>,
      tpu.vector_store %arg11[%swap3A_379, %swap3A_380], %add3A_377 {strides = array<i32>} : memref<2x128xi32, #tpu.memory_space<vmem>>, vector<16xi32>,
      %get3A_382 = arith.constant 1 : i32
      %get3A_383 = arith.index_cast %get3A_382 : i32 to index
      %get3A_384 = arith.constant 80 : index
      %get3A_385 = tpu.vector_load %arg10[%get3A_383, %get3A_384] {strides = array<i32>} : memref<2x128xi32, #tpu.memory_space<vmem>>, vector<16xi32>,
      %mul3A_386 = arith.constant 512 : i32
      %mul3A_387 = vector.broadcast %mul3A_386 : i32 to vector<16xi32>
      %mul3A_388 = arith.muli %get3A_385, %mul3A_387 : vector<16xi32>
      %get3A_389 = arith.constant 1 : i32
      %get3A_390 = arith.index_cast %get3A_389 : i32 to index
      %get3A_391 = arith.constant 80 : index
      %get3A_392 = tpu.vector_load %arg9[%get3A_390, %get3A_391] {strides = array<i32>} : memref<2x128xi32, #tpu.memory_space<vmem>>, vector<16xi32>,
      %add3A_393 = arith.addi %mul3A_388, %get3A_392 : vector<16xi32>
      %swap3A_394 = arith.constant 1 : i32
      %swap3A_395 = arith.index_cast %swap3A_394 : i32 to index
      %swap3A_396 = arith.constant 80 : index
      %swap3A_397 = tpu.vector_load %arg11[%swap3A_395, %swap3A_396] {strides = array<i32>} : memref<2x128xi32, #tpu.memory_space<vmem>>, vector<16xi32>,
      tpu.vector_store %arg11[%swap3A_395, %swap3A_396], %add3A_393 {strides = array<i32>} : memref<2x128xi32, #tpu.memory_space<vmem>>, vector<16xi32>,
      %get3A_398 = arith.constant 1 : i32
      %get3A_399 = arith.index_cast %get3A_398 : i32 to index
      %get3A_400 = arith.constant 96 : index
      %get3A_401 = tpu.vector_load %arg10[%get3A_399, %get3A_400] {strides = array<i32>} : memref<2x128xi32, #tpu.memory_space<vmem>>, vector<16xi32>,
      %mul3A_402 = arith.constant 512 : i32
      %mul3A_403 = vector.broadcast %mul3A_402 : i32 to vector<16xi32>
      %mul3A_404 = arith.muli %get3A_401, %mul3A_403 : vector<16xi32>
      %get3A_405 = arith.constant 1 : i32
      %get3A_406 = arith.index_cast %get3A_405 : i32 to index
      %get3A_407 = arith.constant 96 : index
      %get3A_408 = tpu.vector_load %arg9[%get3A_406, %get3A_407] {strides = array<i32>} : memref<2x128xi32, #tpu.memory_space<vmem>>, vector<16xi32>,
      %add3A_409 = arith.addi %mul3A_404, %get3A_408 : vector<16xi32>
      %swap3A_410 = arith.constant 1 : i32
      %swap3A_411 = arith.index_cast %swap3A_410 : i32 to index
      %swap3A_412 = arith.constant 96 : index
      %swap3A_413 = tpu.vector_load %arg11[%swap3A_411, %swap3A_412] {strides = array<i32>} : memref<2x128xi32, #tpu.memory_space<vmem>>, vector<16xi32>,
      tpu.vector_store %arg11[%swap3A_411, %swap3A_412], %add3A_409 {strides = array<i32>} : memref<2x128xi32, #tpu.memory_space<vmem>>, vector<16xi32>,
      %get3A_414 = arith.constant 1 : i32
      %get3A_415 = arith.index_cast %get3A_414 : i32 to index
      %get3A_416 = arith.constant 112 : index
      %get3A_417 = tpu.vector_load %arg10[%get3A_415, %get3A_416] {strides = array<i32>} : memref<2x128xi32, #tpu.memory_space<vmem>>, vector<16xi32>,
      %mul3A_418 = arith.constant 512 : i32
      %mul3A_419 = vector.broadcast %mul3A_418 : i32 to vector<16xi32>
      %mul3A_420 = arith.muli %get3A_417, %mul3A_419 : vector<16xi32>
      %get3A_421 = arith.constant 1 : i32
      %get3A_422 = arith.index_cast %get3A_421 : i32 to index
      %get3A_423 = arith.constant 112 : index
      %get3A_424 = tpu.vector_load %arg9[%get3A_422, %get3A_423] {strides = array<i32>} : memref<2x128xi32, #tpu.memory_space<vmem>>, vector<16xi32>,
      %add3A_425 = arith.addi %mul3A_420, %get3A_424 : vector<16xi32>
      %swap3A_426 = arith.constant 1 : i32
      %swap3A_427 = arith.index_cast %swap3A_426 : i32 to index
      %swap3A_428 = arith.constant 112 : index
      %swap3A_429 = tpu.vector_load %arg11[%swap3A_427, %swap3A_428] {strides = array<i32>} : memref<2x128xi32, #tpu.memory_space<vmem>>, vector<16xi32>,
      tpu.vector_store %arg11[%swap3A_427, %swap3A_428], %add3A_425 {strides = array<i32>} : memref<2x128xi32, #tpu.memory_space<vmem>>, vector<16xi32>,
      %dma_start3A_430 = arith.constant 1 : i32
      %dma_start3A_431 = arith.constant 1 : i32
      %dma_start3A_432 = arith.constant 0 : i32
      %dma_start3A_433 = arith.constant 0 : i32
      %dma_start3A_434 = tpu.memref_slice %arg12[%dma_start3A_431, %dma_start3A_432, %dma_start3A_433] : memref<2x128x64xi32, #tpu.memory_space<vmem>> -> memref<1x128x64xi32, #tpu.memory_space<vmem>>
      %dma_start3A_435 = tpu.memref_squeeze %dma_start3A_434 : memref<1x128x64xi32, #tpu.memory_space<vmem>> -> memref<128x64xi32, #tpu.memory_space<vmem>>
      %dma_start3A_436 = arith.constant 0 : i32
      %dma_start3A_437 = tpu.memref_slice %arg8[%dma_start3A_430, %dma_start3A_436] : memref<2x128xi32, #tpu.memory_space<vmem>> -> memref<1x128xi32, #tpu.memory_space<vmem>>
      %dma_start3A_438 = tpu.memref_squeeze %dma_start3A_437 : memref<1x128xi32, #tpu.memory_space<vmem>> -> memref<128xi32, #tpu.memory_space<vmem>>
      %dma_start3A_439 = arith.constant 0 : i32
      %dma_start3A_440 = arith.constant 0 : i32
      %dma_start3A_441 = tpu.memref_slice %arg5[%dma_start3A_439, %dma_start3A_440] : memref<100000x64xi32, #tpu.memory_space<hbm>> -> memref<100000x64xi32, #tpu.memory_space<hbm>>
      tpu.enqueue_indirect_dma source(%dma_start3A_441 : memref<100000x64xi32, #tpu.memory_space<hbm>>) target(%dma_start3A_435 : memref<128x64xi32, #tpu.memory_space<vmem>>) offsets(%dma_start3A_438 : memref<128xi32, #tpu.memory_space<vmem>>) semaphore(%arg17 : memref<!tpu.dma_semaphore, #tpu.memory_space<semaphore_mem>>)
      %dma_start3A_442 = arith.constant 1 : i32
      %dma_start3A_443 = arith.constant 1 : i32
      %dma_start3A_444 = arith.constant 0 : i32
      %dma_start3A_445 = arith.constant 0 : i32
      %dma_start3A_446 = tpu.memref_slice %arg13[%dma_start3A_443, %dma_start3A_444, %dma_start3A_445] : memref<2x128x64xi32, #tpu.memory_space<vmem>> -> memref<1x128x64xi32, #tpu.memory_space<vmem>>
      %dma_start3A_447 = tpu.memref_squeeze %dma_start3A_446 : memref<1x128x64xi32, #tpu.memory_space<vmem>> -> memref<128x64xi32, #tpu.memory_space<vmem>>
      %dma_start3A_448 = arith.constant 0 : i32
      %dma_start3A_449 = tpu.memref_slice %arg11[%dma_start3A_442, %dma_start3A_448] : memref<2x128xi32, #tpu.memory_space<vmem>> -> memref<1x128xi32, #tpu.memory_space<vmem>>
      %dma_start3A_450 = tpu.memref_squeeze %dma_start3A_449 : memref<1x128xi32, #tpu.memory_space<vmem>> -> memref<128xi32, #tpu.memory_space<vmem>>
      %dma_start3A_451 = arith.constant 0 : i32
      %dma_start3A_452 = arith.constant 0 : i32
      %dma_start3A_453 = tpu.memref_slice %arg6[%dma_start3A_451, %dma_start3A_452] : memref<1024x64xi32, #tpu.memory_space<hbm>> -> memref<1024x64xi32, #tpu.memory_space<hbm>>
      tpu.enqueue_indirect_dma source(%dma_start3A_453 : memref<1024x64xi32, #tpu.memory_space<hbm>>) target(%dma_start3A_447 : memref<128x64xi32, #tpu.memory_space<vmem>>) offsets(%dma_start3A_450 : memref<128xi32, #tpu.memory_space<vmem>>) semaphore(%arg21 : memref<!tpu.dma_semaphore, #tpu.memory_space<semaphore_mem>>)
      %dma_wait3A_454 = arith.constant 0 : i32
      %dma_wait3A_455 = arith.constant 0 : i32
      %dma_wait3A_456 = arith.constant 0 : i32
      %dma_wait3A_457 = arith.constant 0 : i32
      %dma_wait3A_458 = tpu.memref_slice %arg12[%dma_wait3A_455, %dma_wait3A_456, %dma_wait3A_457] : memref<2x128x64xi32, #tpu.memory_space<vmem>> -> memref<1x128x64xi32, #tpu.memory_space<vmem>>
      %dma_wait3A_459 = tpu.memref_squeeze %dma_wait3A_458 : memref<1x128x64xi32, #tpu.memory_space<vmem>> -> memref<128x64xi32, #tpu.memory_space<vmem>>
      %dma_wait3A_460 = arith.constant 0 : i32
      %dma_wait3A_461 = tpu.memref_slice %arg8[%dma_wait3A_454, %dma_wait3A_460] : memref<2x128xi32, #tpu.memory_space<vmem>> -> memref<1x128xi32, #tpu.memory_space<vmem>>
      %dma_wait3A_462 = tpu.memref_squeeze %dma_wait3A_461 : memref<1x128xi32, #tpu.memory_space<vmem>> -> memref<128xi32, #tpu.memory_space<vmem>>
      %dma_wait3A_463 = arith.constant 0 : i32
      %dma_wait3A_464 = arith.constant 0 : i32
      %dma_wait3A_465 = tpu.memref_slice %arg5[%dma_wait3A_463, %dma_wait3A_464] : memref<100000x64xi32, #tpu.memory_space<hbm>> -> memref<100000x64xi32, #tpu.memory_space<hbm>>
      tpu.wait_indirect_dma semaphore(%arg16 : memref<!tpu.dma_semaphore, #tpu.memory_space<semaphore_mem>>) src(%dma_wait3A_465 : memref<100000x64xi32, #tpu.memory_space<hbm>>) dst(%dma_wait3A_459 : memref<128x64xi32, #tpu.memory_space<vmem>>)
      %dma_wait3A_466 = arith.constant 0 : i32
      %dma_wait3A_467 = arith.constant 0 : i32
      %dma_wait3A_468 = arith.constant 0 : i32
      %dma_wait3A_469 = arith.constant 0 : i32
      %dma_wait3A_470 = tpu.memref_slice %arg13[%dma_wait3A_467, %dma_wait3A_468, %dma_wait3A_469] : memref<2x128x64xi32, #tpu.memory_space<vmem>> -> memref<1x128x64xi32, #tpu.memory_space<vmem>>
      %dma_wait3A_471 = tpu.memref_squeeze %dma_wait3A_470 : memref<1x128x64xi32, #tpu.memory_space<vmem>> -> memref<128x64xi32, #tpu.memory_space<vmem>>
      %dma_wait3A_472 = arith.constant 0 : i32
      %dma_wait3A_473 = tpu.memref_slice %arg11[%dma_wait3A_466, %dma_wait3A_472] : memref<2x128xi32, #tpu.memory_space<vmem>> -> memref<1x128xi32, #tpu.memory_space<vmem>>
      %dma_wait3A_474 = tpu.memref_squeeze %dma_wait3A_473 : memref<1x128xi32, #tpu.memory_space<vmem>> -> memref<128xi32, #tpu.memory_space<vmem>>
      %dma_wait3A_475 = arith.constant 0 : i32
      %dma_wait3A_476 = arith.constant 0 : i32
      %dma_wait3A_477 = tpu.memref_slice %arg6[%dma_wait3A_475, %dma_wait3A_476] : memref<1024x64xi32, #tpu.memory_space<hbm>> -> memref<1024x64xi32, #tpu.memory_space<hbm>>
      tpu.wait_indirect_dma semaphore(%arg20 : memref<!tpu.dma_semaphore, #tpu.memory_space<semaphore_mem>>) src(%dma_wait3A_477 : memref<1024x64xi32, #tpu.memory_space<hbm>>) dst(%dma_wait3A_471 : memref<128x64xi32, #tpu.memory_space<vmem>>)
      %ge3A = arith.constant 1 : i32
      %ge3A_478 = arith.cmpi sge, %scan3A_238, %ge3A : i32
      %convert_element_type3A = arith.extui %ge3A_478 : i1 to i32
      %cond3A = arith.constant 0 : i32
      %cond3A_479 = arith.cmpi ne, %convert_element_type3A, %cond3A : i32
      scf.if %cond3A_479 {
        %dma_wait3A_554 = arith.constant 0 : i32
        %dma_wait3A_555 = arith.constant 0 : i32
        %dma_wait3A_556 = arith.constant 0 : i32
        %dma_wait3A_557 = tpu.memref_slice %arg14[%dma_wait3A_554, %dma_wait3A_555, %dma_wait3A_556] : memref<2x128x128xf32, #tpu.memory_space<vmem>> -> memref<1x128x128xf32, #tpu.memory_space<vmem>>
        %dma_wait3A_558 = tpu.memref_squeeze %dma_wait3A_557 : memref<1x128x128xf32, #tpu.memory_space<vmem>> -> memref<128x128xf32, #tpu.memory_space<vmem>>
        %dma_wait3A_559 = arith.constant 0 : i32
        %dma_wait3A_560 = tpu.memref_slice %arg7[%mul3A_2, %dma_wait3A_559] : memref<819200x128xf32, #tpu.memory_space<hbm>> -> memref<128x128xf32, #tpu.memory_space<hbm>>
        %dma_wait3A_561 = arith.constant 0 : i32
        %dma_wait3A_562 = tpu.memref_slice %arg7[%mul3A_2, %dma_wait3A_561] : memref<819200x128xf32, #tpu.memory_space<hbm>> -> memref<128x128xf32, #tpu.memory_space<hbm>>
        %dma_wait3A_563 = arith.constant 0 : i32
        %dma_wait3A_564 = arith.constant 0 : i32
        %dma_wait3A_565 = tpu.memref_slice %arg14[%dma_wait3A_554, %dma_wait3A_563, %dma_wait3A_564] : memref<2x128x128xf32, #tpu.memory_space<vmem>> -> memref<1x128x128xf32, #tpu.memory_space<vmem>>
        %dma_wait3A_566 = tpu.memref_squeeze %dma_wait3A_565 : memref<1x128x128xf32, #tpu.memory_space<vmem>> -> memref<128x128xf32, #tpu.memory_space<vmem>>
        tpu.wait_dma2 semaphore(%arg24 : memref<!tpu.dma_semaphore, #tpu.memory_space<semaphore_mem>>) src(%dma_wait3A_566 : memref<128x128xf32, #tpu.memory_space<vmem>>) dst(%dma_wait3A_562 : memref<128x128xf32, #tpu.memory_space<hbm>>)
      } else {
      }
      %parallel_loop3A = arith.constant 0 : i32
      %parallel_loop3A_480 = arith.constant 128 : i32
      %parallel_loop3A_481 = arith.constant 1 : i32
      scf.for %parallel_loop3A_554 = %parallel_loop3A to %parallel_loop3A_480 step %parallel_loop3A_481  : i32 {
        %parallel_loop3A_555 = arith.constant 0 : i32
        %parallel_loop3A_556 = arith.index_cast %parallel_loop3A_555 : i32 to index
        %parallel_loop3A_557 = arith.index_cast %parallel_loop3A_554 : i32 to index
        %parallel_loop3A_558 = arith.constant 0 : index
        %parallel_loop3A_559 = tpu.vector_load %arg12[%parallel_loop3A_556, %parallel_loop3A_557, %parallel_loop3A_558] {strides = array<i32>} : memref<2x128x64xi32, #tpu.memory_space<vmem>>, vector<16xi32>,
        %parallel_loop3A_560 = arith.constant 16 : i32
        %parallel_loop3A_561 = vector.broadcast %parallel_loop3A_560 : i32 to vector<16xi32>
        %parallel_loop3A_562 = arith.shli %parallel_loop3A_559, %parallel_loop3A_561 : vector<16xi32>
        %parallel_loop3A_563 = tpu.bitcast %parallel_loop3A_562 : vector<16xi32> -> vector<16xf32>
        %parallel_loop3A_564 = arith.constant -65536 : i32
        %parallel_loop3A_565 = vector.broadcast %parallel_loop3A_564 : i32 to vector<16xi32>
        %parallel_loop3A_566 = arith.andi %parallel_loop3A_559, %parallel_loop3A_565 : vector<16xi32>
        %parallel_loop3A_567 = tpu.bitcast %parallel_loop3A_566 : vector<16xi32> -> vector<16xf32>
        %parallel_loop3A_568 = arith.constant 0 : i32
        %parallel_loop3A_569 = arith.index_cast %parallel_loop3A_568 : i32 to index
        %parallel_loop3A_570 = arith.index_cast %parallel_loop3A_554 : i32 to index
        %parallel_loop3A_571 = arith.constant 0 : index
        %parallel_loop3A_572 = tpu.vector_load %arg13[%parallel_loop3A_569, %parallel_loop3A_570, %parallel_loop3A_571] {strides = array<i32>} : memref<2x128x64xi32, #tpu.memory_space<vmem>>, vector<16xi32>,
        %parallel_loop3A_573 = arith.constant 16 : i32
        %parallel_loop3A_574 = vector.broadcast %parallel_loop3A_573 : i32 to vector<16xi32>
        %parallel_loop3A_575 = arith.shli %parallel_loop3A_572, %parallel_loop3A_574 : vector<16xi32>
        %parallel_loop3A_576 = tpu.bitcast %parallel_loop3A_575 : vector<16xi32> -> vector<16xf32>
        %parallel_loop3A_577 = arith.constant -65536 : i32
        %parallel_loop3A_578 = vector.broadcast %parallel_loop3A_577 : i32 to vector<16xi32>
        %parallel_loop3A_579 = arith.andi %parallel_loop3A_572, %parallel_loop3A_578 : vector<16xi32>
        %parallel_loop3A_580 = tpu.bitcast %parallel_loop3A_579 : vector<16xi32> -> vector<16xf32>
        %parallel_loop3A_581 = arith.addf %parallel_loop3A_563, %parallel_loop3A_576 : vector<16xf32>
        %parallel_loop3A_582 = arith.constant 0 : i32
        %parallel_loop3A_583 = arith.index_cast %parallel_loop3A_582 : i32 to index
        %parallel_loop3A_584 = arith.index_cast %parallel_loop3A_554 : i32 to index
        %parallel_loop3A_585 = arith.constant 0 : index
        %parallel_loop3A_586 = tpu.vector_load %arg14[%parallel_loop3A_583, %parallel_loop3A_584, %parallel_loop3A_585] {strides = array<i32>} : memref<2x128x128xf32, #tpu.memory_space<vmem>>, vector<16xf32>,
        tpu.vector_store %arg14[%parallel_loop3A_583, %parallel_loop3A_584, %parallel_loop3A_585], %parallel_loop3A_581 {strides = array<i32>} : memref<2x128x128xf32, #tpu.memory_space<vmem>>, vector<16xf32>,
        %parallel_loop3A_587 = arith.addf %parallel_loop3A_567, %parallel_loop3A_580 : vector<16xf32>
        %parallel_loop3A_588 = arith.constant 0 : i32
        %parallel_loop3A_589 = arith.index_cast %parallel_loop3A_588 : i32 to index
        %parallel_loop3A_590 = arith.index_cast %parallel_loop3A_554 : i32 to index
        %parallel_loop3A_591 = arith.constant 64 : index
        %parallel_loop3A_592 = tpu.vector_load %arg14[%parallel_loop3A_589, %parallel_loop3A_590, %parallel_loop3A_591] {strides = array<i32>} : memref<2x128x128xf32, #tpu.memory_space<vmem>>, vector<16xf32>,
        tpu.vector_store %arg14[%parallel_loop3A_589, %parallel_loop3A_590, %parallel_loop3A_591], %parallel_loop3A_587 {strides = array<i32>} : memref<2x128x128xf32, #tpu.memory_space<vmem>>, vector<16xf32>,
        %parallel_loop3A_593 = arith.constant 0 : i32
        %parallel_loop3A_594 = arith.index_cast %parallel_loop3A_593 : i32 to index
        %parallel_loop3A_595 = arith.index_cast %parallel_loop3A_554 : i32 to index
        %parallel_loop3A_596 = arith.constant 16 : index
        %parallel_loop3A_597 = tpu.vector_load %arg12[%parallel_loop3A_594, %parallel_loop3A_595, %parallel_loop3A_596] {strides = array<i32>} : memref<2x128x64xi32, #tpu.memory_space<vmem>>, vector<16xi32>,
        %parallel_loop3A_598 = arith.constant 16 : i32
        %parallel_loop3A_599 = vector.broadcast %parallel_loop3A_598 : i32 to vector<16xi32>
        %parallel_loop3A_600 = arith.shli %parallel_loop3A_597, %parallel_loop3A_599 : vector<16xi32>
        %parallel_loop3A_601 = tpu.bitcast %parallel_loop3A_600 : vector<16xi32> -> vector<16xf32>
        %parallel_loop3A_602 = arith.constant -65536 : i32
        %parallel_loop3A_603 = vector.broadcast %parallel_loop3A_602 : i32 to vector<16xi32>
        %parallel_loop3A_604 = arith.andi %parallel_loop3A_597, %parallel_loop3A_603 : vector<16xi32>
        %parallel_loop3A_605 = tpu.bitcast %parallel_loop3A_604 : vector<16xi32> -> vector<16xf32>
        %parallel_loop3A_606 = arith.constant 0 : i32
        %parallel_loop3A_607 = arith.index_cast %parallel_loop3A_606 : i32 to index
        %parallel_loop3A_608 = arith.index_cast %parallel_loop3A_554 : i32 to index
        %parallel_loop3A_609 = arith.constant 16 : index
        %parallel_loop3A_610 = tpu.vector_load %arg13[%parallel_loop3A_607, %parallel_loop3A_608, %parallel_loop3A_609] {strides = array<i32>} : memref<2x128x64xi32, #tpu.memory_space<vmem>>, vector<16xi32>,
        %parallel_loop3A_611 = arith.constant 16 : i32
        %parallel_loop3A_612 = vector.broadcast %parallel_loop3A_611 : i32 to vector<16xi32>
        %parallel_loop3A_613 = arith.shli %parallel_loop3A_610, %parallel_loop3A_612 : vector<16xi32>
        %parallel_loop3A_614 = tpu.bitcast %parallel_loop3A_613 : vector<16xi32> -> vector<16xf32>
        %parallel_loop3A_615 = arith.constant -65536 : i32
        %parallel_loop3A_616 = vector.broadcast %parallel_loop3A_615 : i32 to vector<16xi32>
        %parallel_loop3A_617 = arith.andi %parallel_loop3A_610, %parallel_loop3A_616 : vector<16xi32>
        %parallel_loop3A_618 = tpu.bitcast %parallel_loop3A_617 : vector<16xi32> -> vector<16xf32>
        %parallel_loop3A_619 = arith.addf %parallel_loop3A_601, %parallel_loop3A_614 : vector<16xf32>
        %parallel_loop3A_620 = arith.constant 0 : i32
        %parallel_loop3A_621 = arith.index_cast %parallel_loop3A_620 : i32 to index
        %parallel_loop3A_622 = arith.index_cast %parallel_loop3A_554 : i32 to index
        %parallel_loop3A_623 = arith.constant 16 : index
        %parallel_loop3A_624 = tpu.vector_load %arg14[%parallel_loop3A_621, %parallel_loop3A_622, %parallel_loop3A_623] {strides = array<i32>} : memref<2x128x128xf32, #tpu.memory_space<vmem>>, vector<16xf32>,
        tpu.vector_store %arg14[%parallel_loop3A_621, %parallel_loop3A_622, %parallel_loop3A_623], %parallel_loop3A_619 {strides = array<i32>} : memref<2x128x128xf32, #tpu.memory_space<vmem>>, vector<16xf32>,
        %parallel_loop3A_625 = arith.addf %parallel_loop3A_605, %parallel_loop3A_618 : vector<16xf32>
        %parallel_loop3A_626 = arith.constant 0 : i32
        %parallel_loop3A_627 = arith.index_cast %parallel_loop3A_626 : i32 to index
        %parallel_loop3A_628 = arith.index_cast %parallel_loop3A_554 : i32 to index
        %parallel_loop3A_629 = arith.constant 80 : index
        %parallel_loop3A_630 = tpu.vector_load %arg14[%parallel_loop3A_627, %parallel_loop3A_628, %parallel_loop3A_629] {strides = array<i32>} : memref<2x128x128xf32, #tpu.memory_space<vmem>>, vector<16xf32>,
        tpu.vector_store %arg14[%parallel_loop3A_627, %parallel_loop3A_628, %parallel_loop3A_629], %parallel_loop3A_625 {strides = array<i32>} : memref<2x128x128xf32, #tpu.memory_space<vmem>>, vector<16xf32>,
        %parallel_loop3A_631 = arith.constant 0 : i32
        %parallel_loop3A_632 = arith.index_cast %parallel_loop3A_631 : i32 to index
        %parallel_loop3A_633 = arith.index_cast %parallel_loop3A_554 : i32 to index
        %parallel_loop3A_634 = arith.constant 32 : index
        %parallel_loop3A_635 = tpu.vector_load %arg12[%parallel_loop3A_632, %parallel_loop3A_633, %parallel_loop3A_634] {strides = array<i32>} : memref<2x128x64xi32, #tpu.memory_space<vmem>>, vector<16xi32>,
        %parallel_loop3A_636 = arith.constant 16 : i32
        %parallel_loop3A_637 = vector.broadcast %parallel_loop3A_636 : i32 to vector<16xi32>
        %parallel_loop3A_638 = arith.shli %parallel_loop3A_635, %parallel_loop3A_637 : vector<16xi32>
        %parallel_loop3A_639 = tpu.bitcast %parallel_loop3A_638 : vector<16xi32> -> vector<16xf32>
        %parallel_loop3A_640 = arith.constant -65536 : i32
        %parallel_loop3A_641 = vector.broadcast %parallel_loop3A_640 : i32 to vector<16xi32>
        %parallel_loop3A_642 = arith.andi %parallel_loop3A_635, %parallel_loop3A_641 : vector<16xi32>
        %parallel_loop3A_643 = tpu.bitcast %parallel_loop3A_642 : vector<16xi32> -> vector<16xf32>
        %parallel_loop3A_644 = arith.constant 0 : i32
        %parallel_loop3A_645 = arith.index_cast %parallel_loop3A_644 : i32 to index
        %parallel_loop3A_646 = arith.index_cast %parallel_loop3A_554 : i32 to index
        %parallel_loop3A_647 = arith.constant 32 : index
        %parallel_loop3A_648 = tpu.vector_load %arg13[%parallel_loop3A_645, %parallel_loop3A_646, %parallel_loop3A_647] {strides = array<i32>} : memref<2x128x64xi32, #tpu.memory_space<vmem>>, vector<16xi32>,
        %parallel_loop3A_649 = arith.constant 16 : i32
        %parallel_loop3A_650 = vector.broadcast %parallel_loop3A_649 : i32 to vector<16xi32>
        %parallel_loop3A_651 = arith.shli %parallel_loop3A_648, %parallel_loop3A_650 : vector<16xi32>
        %parallel_loop3A_652 = tpu.bitcast %parallel_loop3A_651 : vector<16xi32> -> vector<16xf32>
        %parallel_loop3A_653 = arith.constant -65536 : i32
        %parallel_loop3A_654 = vector.broadcast %parallel_loop3A_653 : i32 to vector<16xi32>
        %parallel_loop3A_655 = arith.andi %parallel_loop3A_648, %parallel_loop3A_654 : vector<16xi32>
        %parallel_loop3A_656 = tpu.bitcast %parallel_loop3A_655 : vector<16xi32> -> vector<16xf32>
        %parallel_loop3A_657 = arith.addf %parallel_loop3A_639, %parallel_loop3A_652 : vector<16xf32>
        %parallel_loop3A_658 = arith.constant 0 : i32
        %parallel_loop3A_659 = arith.index_cast %parallel_loop3A_658 : i32 to index
        %parallel_loop3A_660 = arith.index_cast %parallel_loop3A_554 : i32 to index
        %parallel_loop3A_661 = arith.constant 32 : index
        %parallel_loop3A_662 = tpu.vector_load %arg14[%parallel_loop3A_659, %parallel_loop3A_660, %parallel_loop3A_661] {strides = array<i32>} : memref<2x128x128xf32, #tpu.memory_space<vmem>>, vector<16xf32>,
        tpu.vector_store %arg14[%parallel_loop3A_659, %parallel_loop3A_660, %parallel_loop3A_661], %parallel_loop3A_657 {strides = array<i32>} : memref<2x128x128xf32, #tpu.memory_space<vmem>>, vector<16xf32>,
        %parallel_loop3A_663 = arith.addf %parallel_loop3A_643, %parallel_loop3A_656 : vector<16xf32>
        %parallel_loop3A_664 = arith.constant 0 : i32
        %parallel_loop3A_665 = arith.index_cast %parallel_loop3A_664 : i32 to index
        %parallel_loop3A_666 = arith.index_cast %parallel_loop3A_554 : i32 to index
        %parallel_loop3A_667 = arith.constant 96 : index
        %parallel_loop3A_668 = tpu.vector_load %arg14[%parallel_loop3A_665, %parallel_loop3A_666, %parallel_loop3A_667] {strides = array<i32>} : memref<2x128x128xf32, #tpu.memory_space<vmem>>, vector<16xf32>,
        tpu.vector_store %arg14[%parallel_loop3A_665, %parallel_loop3A_666, %parallel_loop3A_667], %parallel_loop3A_663 {strides = array<i32>} : memref<2x128x128xf32, #tpu.memory_space<vmem>>, vector<16xf32>,
        %parallel_loop3A_669 = arith.constant 0 : i32
        %parallel_loop3A_670 = arith.index_cast %parallel_loop3A_669 : i32 to index
        %parallel_loop3A_671 = arith.index_cast %parallel_loop3A_554 : i32 to index
        %parallel_loop3A_672 = arith.constant 48 : index
        %parallel_loop3A_673 = tpu.vector_load %arg12[%parallel_loop3A_670, %parallel_loop3A_671, %parallel_loop3A_672] {strides = array<i32>} : memref<2x128x64xi32, #tpu.memory_space<vmem>>, vector<16xi32>,
        %parallel_loop3A_674 = arith.constant 16 : i32
        %parallel_loop3A_675 = vector.broadcast %parallel_loop3A_674 : i32 to vector<16xi32>
        %parallel_loop3A_676 = arith.shli %parallel_loop3A_673, %parallel_loop3A_675 : vector<16xi32>
        %parallel_loop3A_677 = tpu.bitcast %parallel_loop3A_676 : vector<16xi32> -> vector<16xf32>
        %parallel_loop3A_678 = arith.constant -65536 : i32
        %parallel_loop3A_679 = vector.broadcast %parallel_loop3A_678 : i32 to vector<16xi32>
        %parallel_loop3A_680 = arith.andi %parallel_loop3A_673, %parallel_loop3A_679 : vector<16xi32>
        %parallel_loop3A_681 = tpu.bitcast %parallel_loop3A_680 : vector<16xi32> -> vector<16xf32>
        %parallel_loop3A_682 = arith.constant 0 : i32
        %parallel_loop3A_683 = arith.index_cast %parallel_loop3A_682 : i32 to index
        %parallel_loop3A_684 = arith.index_cast %parallel_loop3A_554 : i32 to index
        %parallel_loop3A_685 = arith.constant 48 : index
        %parallel_loop3A_686 = tpu.vector_load %arg13[%parallel_loop3A_683, %parallel_loop3A_684, %parallel_loop3A_685] {strides = array<i32>} : memref<2x128x64xi32, #tpu.memory_space<vmem>>, vector<16xi32>,
        %parallel_loop3A_687 = arith.constant 16 : i32
        %parallel_loop3A_688 = vector.broadcast %parallel_loop3A_687 : i32 to vector<16xi32>
        %parallel_loop3A_689 = arith.shli %parallel_loop3A_686, %parallel_loop3A_688 : vector<16xi32>
        %parallel_loop3A_690 = tpu.bitcast %parallel_loop3A_689 : vector<16xi32> -> vector<16xf32>
        %parallel_loop3A_691 = arith.constant -65536 : i32
        %parallel_loop3A_692 = vector.broadcast %parallel_loop3A_691 : i32 to vector<16xi32>
        %parallel_loop3A_693 = arith.andi %parallel_loop3A_686, %parallel_loop3A_692 : vector<16xi32>
        %parallel_loop3A_694 = tpu.bitcast %parallel_loop3A_693 : vector<16xi32> -> vector<16xf32>
        %parallel_loop3A_695 = arith.addf %parallel_loop3A_677, %parallel_loop3A_690 : vector<16xf32>
        %parallel_loop3A_696 = arith.constant 0 : i32
        %parallel_loop3A_697 = arith.index_cast %parallel_loop3A_696 : i32 to index
        %parallel_loop3A_698 = arith.index_cast %parallel_loop3A_554 : i32 to index
        %parallel_loop3A_699 = arith.constant 48 : index
        %parallel_loop3A_700 = tpu.vector_load %arg14[%parallel_loop3A_697, %parallel_loop3A_698, %parallel_loop3A_699] {strides = array<i32>} : memref<2x128x128xf32, #tpu.memory_space<vmem>>, vector<16xf32>,
        tpu.vector_store %arg14[%parallel_loop3A_697, %parallel_loop3A_698, %parallel_loop3A_699], %parallel_loop3A_695 {strides = array<i32>} : memref<2x128x128xf32, #tpu.memory_space<vmem>>, vector<16xf32>,
        %parallel_loop3A_701 = arith.addf %parallel_loop3A_681, %parallel_loop3A_694 : vector<16xf32>
        %parallel_loop3A_702 = arith.constant 0 : i32
        %parallel_loop3A_703 = arith.index_cast %parallel_loop3A_702 : i32 to index
        %parallel_loop3A_704 = arith.index_cast %parallel_loop3A_554 : i32 to index
        %parallel_loop3A_705 = arith.constant 112 : index
        %parallel_loop3A_706 = tpu.vector_load %arg14[%parallel_loop3A_703, %parallel_loop3A_704, %parallel_loop3A_705] {strides = array<i32>} : memref<2x128x128xf32, #tpu.memory_space<vmem>>, vector<16xf32>,
        tpu.vector_store %arg14[%parallel_loop3A_703, %parallel_loop3A_704, %parallel_loop3A_705], %parallel_loop3A_701 {strides = array<i32>} : memref<2x128x128xf32, #tpu.memory_space<vmem>>, vector<16xf32>,
      } {sc.loop_unroll_factor = 8 : i64, sc.parallel_access}
      %mul3A_482 = arith.constant 128 : i32
      %mul3A_483 = arith.muli %add3A_242, %mul3A_482 : i32
      %add3A_484 = arith.addi %mul3A_2, %mul3A_483 : i32
      %dma_start3A_485 = arith.constant 0 : i32
      %dma_start3A_486 = arith.constant 0 : i32
      %dma_start3A_487 = arith.constant 0 : i32
      %dma_start3A_488 = tpu.memref_slice %arg14[%dma_start3A_485, %dma_start3A_486, %dma_start3A_487] : memref<2x128x128xf32, #tpu.memory_space<vmem>> -> memref<1x128x128xf32, #tpu.memory_space<vmem>>
      %dma_start3A_489 = tpu.memref_squeeze %dma_start3A_488 : memref<1x128x128xf32, #tpu.memory_space<vmem>> -> memref<128x128xf32, #tpu.memory_space<vmem>>
      %dma_start3A_490 = arith.constant 0 : i32
      %dma_start3A_491 = tpu.memref_slice %arg7[%add3A_484, %dma_start3A_490] : memref<819200x128xf32, #tpu.memory_space<hbm>> -> memref<128x128xf32, #tpu.memory_space<hbm>>
      %dma_start3A_492 = arith.constant 0 : i32
      %dma_start3A_493 = tpu.memref_slice %arg7[%add3A_484, %dma_start3A_492] : memref<819200x128xf32, #tpu.memory_space<hbm>> -> memref<128x128xf32, #tpu.memory_space<hbm>>
      %dma_start3A_494 = arith.constant 0 : i32
      %dma_start3A_495 = arith.constant 0 : i32
      %dma_start3A_496 = tpu.memref_slice %arg14[%dma_start3A_485, %dma_start3A_494, %dma_start3A_495] : memref<2x128x128xf32, #tpu.memory_space<vmem>> -> memref<1x128x128xf32, #tpu.memory_space<vmem>>
      %dma_start3A_497 = tpu.memref_squeeze %dma_start3A_496 : memref<1x128x128xf32, #tpu.memory_space<vmem>> -> memref<128x128xf32, #tpu.memory_space<vmem>>
      tpu.enqueue_dma source(%dma_start3A_497 : memref<128x128xf32, #tpu.memory_space<vmem>>) target(%dma_start3A_493 : memref<128x128xf32, #tpu.memory_space<hbm>>) target_semaphore(%arg24 : memref<!tpu.dma_semaphore, #tpu.memory_space<semaphore_mem>>)
      %mul3A_498 = arith.constant 2 : i32
      %mul3A_499 = arith.muli %scan3A_238, %mul3A_498 : i32
      %add3A_500 = arith.constant 1 : i32
      %add3A_501 = arith.addi %mul3A_499, %add3A_500 : i32
      %lt3A = arith.constant 99 : i32
      %lt3A_502 = arith.cmpi slt, %scan3A_238, %lt3A : i32
      %convert_element_type3A_503 = arith.extui %lt3A_502 : i1 to i32
      %cond3A_504 = arith.constant 0 : i32
      %cond3A_505 = arith.cmpi ne, %convert_element_type3A_503, %cond3A_504 : i32
      scf.if %cond3A_505 {
        %add3A_554 = arith.constant 1 : i32
        %add3A_555 = arith.addi %add3A_501, %add3A_554 : i32
        %mul3A_556 = arith.constant 128 : i32
        %mul3A_557 = arith.muli %add3A_555, %mul3A_556 : i32
        %add3A_558 = arith.addi %mul3A_2, %mul3A_557 : i32
        %dma_start3A_559 = arith.constant 0 : i32
        %dma_start3A_560 = arith.constant 0 : i32
        %dma_start3A_561 = tpu.memref_slice %arg8[%dma_start3A_559, %dma_start3A_560] : memref<2x128xi32, #tpu.memory_space<vmem>> -> memref<1x128xi32, #tpu.memory_space<vmem>>
        %dma_start3A_562 = tpu.memref_squeeze %dma_start3A_561 : memref<1x128xi32, #tpu.memory_space<vmem>> -> memref<128xi32, #tpu.memory_space<vmem>>
        %dma_start3A_563 = tpu.memref_slice %arg2[%add3A_558] : memref<819200xi32, #tpu.memory_space<hbm>> -> memref<128xi32, #tpu.memory_space<hbm>>
        %dma_start3A_564 = arith.constant 0 : i32
        %dma_start3A_565 = tpu.memref_slice %arg8[%dma_start3A_559, %dma_start3A_564] : memref<2x128xi32, #tpu.memory_space<vmem>> -> memref<1x128xi32, #tpu.memory_space<vmem>>
        %dma_start3A_566 = tpu.memref_squeeze %dma_start3A_565 : memref<1x128xi32, #tpu.memory_space<vmem>> -> memref<128xi32, #tpu.memory_space<vmem>>
        %dma_start3A_567 = tpu.memref_slice %arg2[%add3A_558] : memref<819200xi32, #tpu.memory_space<hbm>> -> memref<128xi32, #tpu.memory_space<hbm>>
        tpu.enqueue_dma source(%dma_start3A_567 : memref<128xi32, #tpu.memory_space<hbm>>) target(%dma_start3A_566 : memref<128xi32, #tpu.memory_space<vmem>>) target_semaphore(%arg15 : memref<!tpu.dma_semaphore, #tpu.memory_space<semaphore_mem>>)
        %dma_start3A_568 = arith.constant 0 : i32
        %dma_start3A_569 = arith.constant 0 : i32
        %dma_start3A_570 = tpu.memref_slice %arg9[%dma_start3A_568, %dma_start3A_569] : memref<2x128xi32, #tpu.memory_space<vmem>> -> memref<1x128xi32, #tpu.memory_space<vmem>>
        %dma_start3A_571 = tpu.memref_squeeze %dma_start3A_570 : memref<1x128xi32, #tpu.memory_space<vmem>> -> memref<128xi32, #tpu.memory_space<vmem>>
        %dma_start3A_572 = tpu.memref_slice %arg3[%add3A_558] : memref<819200xi32, #tpu.memory_space<hbm>> -> memref<128xi32, #tpu.memory_space<hbm>>
        %dma_start3A_573 = arith.constant 0 : i32
        %dma_start3A_574 = tpu.memref_slice %arg9[%dma_start3A_568, %dma_start3A_573] : memref<2x128xi32, #tpu.memory_space<vmem>> -> memref<1x128xi32, #tpu.memory_space<vmem>>
        %dma_start3A_575 = tpu.memref_squeeze %dma_start3A_574 : memref<1x128xi32, #tpu.memory_space<vmem>> -> memref<128xi32, #tpu.memory_space<vmem>>
        %dma_start3A_576 = tpu.memref_slice %arg3[%add3A_558] : memref<819200xi32, #tpu.memory_space<hbm>> -> memref<128xi32, #tpu.memory_space<hbm>>
        tpu.enqueue_dma source(%dma_start3A_576 : memref<128xi32, #tpu.memory_space<hbm>>) target(%dma_start3A_575 : memref<128xi32, #tpu.memory_space<vmem>>) target_semaphore(%arg15 : memref<!tpu.dma_semaphore, #tpu.memory_space<semaphore_mem>>)
        %dma_start3A_577 = arith.constant 0 : i32
        %dma_start3A_578 = arith.constant 0 : i32
        %dma_start3A_579 = tpu.memref_slice %arg10[%dma_start3A_577, %dma_start3A_578] : memref<2x128xi32, #tpu.memory_space<vmem>> -> memref<1x128xi32, #tpu.memory_space<vmem>>
        %dma_start3A_580 = tpu.memref_squeeze %dma_start3A_579 : memref<1x128xi32, #tpu.memory_space<vmem>> -> memref<128xi32, #tpu.memory_space<vmem>>
        %dma_start3A_581 = tpu.memref_slice %arg4[%add3A_558] : memref<819200xi32, #tpu.memory_space<hbm>> -> memref<128xi32, #tpu.memory_space<hbm>>
        %dma_start3A_582 = arith.constant 0 : i32
        %dma_start3A_583 = tpu.memref_slice %arg10[%dma_start3A_577, %dma_start3A_582] : memref<2x128xi32, #tpu.memory_space<vmem>> -> memref<1x128xi32, #tpu.memory_space<vmem>>
        %dma_start3A_584 = tpu.memref_squeeze %dma_start3A_583 : memref<1x128xi32, #tpu.memory_space<vmem>> -> memref<128xi32, #tpu.memory_space<vmem>>
        %dma_start3A_585 = tpu.memref_slice %arg4[%add3A_558] : memref<819200xi32, #tpu.memory_space<hbm>> -> memref<128xi32, #tpu.memory_space<hbm>>
        tpu.enqueue_dma source(%dma_start3A_585 : memref<128xi32, #tpu.memory_space<hbm>>) target(%dma_start3A_584 : memref<128xi32, #tpu.memory_space<vmem>>) target_semaphore(%arg15 : memref<!tpu.dma_semaphore, #tpu.memory_space<semaphore_mem>>)
        %dma_wait3A_586 = arith.constant 0 : i32
        %dma_wait3A_587 = arith.constant 0 : i32
        %dma_wait3A_588 = tpu.memref_slice %arg8[%dma_wait3A_586, %dma_wait3A_587] : memref<2x128xi32, #tpu.memory_space<vmem>> -> memref<1x128xi32, #tpu.memory_space<vmem>>
        %dma_wait3A_589 = tpu.memref_squeeze %dma_wait3A_588 : memref<1x128xi32, #tpu.memory_space<vmem>> -> memref<128xi32, #tpu.memory_space<vmem>>
        %dma_wait3A_590 = tpu.memref_slice %arg2[%add3A_558] : memref<819200xi32, #tpu.memory_space<hbm>> -> memref<128xi32, #tpu.memory_space<hbm>>
        %dma_wait3A_591 = arith.constant 0 : i32
        %dma_wait3A_592 = tpu.memref_slice %arg8[%dma_wait3A_586, %dma_wait3A_591] : memref<2x128xi32, #tpu.memory_space<vmem>> -> memref<1x128xi32, #tpu.memory_space<vmem>>
        %dma_wait3A_593 = tpu.memref_squeeze %dma_wait3A_592 : memref<1x128xi32, #tpu.memory_space<vmem>> -> memref<128xi32, #tpu.memory_space<vmem>>
        %dma_wait3A_594 = tpu.memref_slice %arg2[%add3A_558] : memref<819200xi32, #tpu.memory_space<hbm>> -> memref<128xi32, #tpu.memory_space<hbm>>
        tpu.wait_dma2 semaphore(%arg15 : memref<!tpu.dma_semaphore, #tpu.memory_space<semaphore_mem>>) src(%dma_wait3A_594 : memref<128xi32, #tpu.memory_space<hbm>>) dst(%dma_wait3A_593 : memref<128xi32, #tpu.memory_space<vmem>>)
        %dma_wait3A_595 = arith.constant 0 : i32
        %dma_wait3A_596 = arith.constant 0 : i32
        %dma_wait3A_597 = tpu.memref_slice %arg9[%dma_wait3A_595, %dma_wait3A_596] : memref<2x128xi32, #tpu.memory_space<vmem>> -> memref<1x128xi32, #tpu.memory_space<vmem>>
        %dma_wait3A_598 = tpu.memref_squeeze %dma_wait3A_597 : memref<1x128xi32, #tpu.memory_space<vmem>> -> memref<128xi32, #tpu.memory_space<vmem>>
        %dma_wait3A_599 = tpu.memref_slice %arg3[%add3A_558] : memref<819200xi32, #tpu.memory_space<hbm>> -> memref<128xi32, #tpu.memory_space<hbm>>
        %dma_wait3A_600 = arith.constant 0 : i32
        %dma_wait3A_601 = tpu.memref_slice %arg9[%dma_wait3A_595, %dma_wait3A_600] : memref<2x128xi32, #tpu.memory_space<vmem>> -> memref<1x128xi32, #tpu.memory_space<vmem>>
        %dma_wait3A_602 = tpu.memref_squeeze %dma_wait3A_601 : memref<1x128xi32, #tpu.memory_space<vmem>> -> memref<128xi32, #tpu.memory_space<vmem>>
        %dma_wait3A_603 = tpu.memref_slice %arg3[%add3A_558] : memref<819200xi32, #tpu.memory_space<hbm>> -> memref<128xi32, #tpu.memory_space<hbm>>
        tpu.wait_dma2 semaphore(%arg15 : memref<!tpu.dma_semaphore, #tpu.memory_space<semaphore_mem>>) src(%dma_wait3A_603 : memref<128xi32, #tpu.memory_space<hbm>>) dst(%dma_wait3A_602 : memref<128xi32, #tpu.memory_space<vmem>>)
        %dma_wait3A_604 = arith.constant 0 : i32
        %dma_wait3A_605 = arith.constant 0 : i32
        %dma_wait3A_606 = tpu.memref_slice %arg10[%dma_wait3A_604, %dma_wait3A_605] : memref<2x128xi32, #tpu.memory_space<vmem>> -> memref<1x128xi32, #tpu.memory_space<vmem>>
        %dma_wait3A_607 = tpu.memref_squeeze %dma_wait3A_606 : memref<1x128xi32, #tpu.memory_space<vmem>> -> memref<128xi32, #tpu.memory_space<vmem>>
        %dma_wait3A_608 = tpu.memref_slice %arg4[%add3A_558] : memref<819200xi32, #tpu.memory_space<hbm>> -> memref<128xi32, #tpu.memory_space<hbm>>
        %dma_wait3A_609 = arith.constant 0 : i32
        %dma_wait3A_610 = tpu.memref_slice %arg10[%dma_wait3A_604, %dma_wait3A_609] : memref<2x128xi32, #tpu.memory_space<vmem>> -> memref<1x128xi32, #tpu.memory_space<vmem>>
        %dma_wait3A_611 = tpu.memref_squeeze %dma_wait3A_610 : memref<1x128xi32, #tpu.memory_space<vmem>> -> memref<128xi32, #tpu.memory_space<vmem>>
        %dma_wait3A_612 = tpu.memref_slice %arg4[%add3A_558] : memref<819200xi32, #tpu.memory_space<hbm>> -> memref<128xi32, #tpu.memory_space<hbm>>
        tpu.wait_dma2 semaphore(%arg15 : memref<!tpu.dma_semaphore, #tpu.memory_space<semaphore_mem>>) src(%dma_wait3A_612 : memref<128xi32, #tpu.memory_space<hbm>>) dst(%dma_wait3A_611 : memref<128xi32, #tpu.memory_space<vmem>>)
        %get3A_613 = arith.constant 0 : i32
        %get3A_614 = arith.index_cast %get3A_613 : i32 to index
        %get3A_615 = arith.constant 0 : index
        %get3A_616 = tpu.vector_load %arg10[%get3A_614, %get3A_615] {strides = array<i32>} : memref<2x128xi32, #tpu.memory_space<vmem>>, vector<16xi32>,
        %mul3A_617 = arith.constant 512 : i32
        %mul3A_618 = vector.broadcast %mul3A_617 : i32 to vector<16xi32>
        %mul3A_619 = arith.muli %get3A_616, %mul3A_618 : vector<16xi32>
        %get3A_620 = arith.constant 0 : i32
        %get3A_621 = arith.index_cast %get3A_620 : i32 to index
        %get3A_622 = arith.constant 0 : index
        %get3A_623 = tpu.vector_load %arg9[%get3A_621, %get3A_622] {strides = array<i32>} : memref<2x128xi32, #tpu.memory_space<vmem>>, vector<16xi32>,
        %add3A_624 = arith.addi %mul3A_619, %get3A_623 : vector<16xi32>
        %swap3A_625 = arith.constant 0 : i32
        %swap3A_626 = arith.index_cast %swap3A_625 : i32 to index
        %swap3A_627 = arith.constant 0 : index
        %swap3A_628 = tpu.vector_load %arg11[%swap3A_626, %swap3A_627] {strides = array<i32>} : memref<2x128xi32, #tpu.memory_space<vmem>>, vector<16xi32>,
        tpu.vector_store %arg11[%swap3A_626, %swap3A_627], %add3A_624 {strides = array<i32>} : memref<2x128xi32, #tpu.memory_space<vmem>>, vector<16xi32>,
        %get3A_629 = arith.constant 0 : i32
        %get3A_630 = arith.index_cast %get3A_629 : i32 to index
        %get3A_631 = arith.constant 16 : index
        %get3A_632 = tpu.vector_load %arg10[%get3A_630, %get3A_631] {strides = array<i32>} : memref<2x128xi32, #tpu.memory_space<vmem>>, vector<16xi32>,
        %mul3A_633 = arith.constant 512 : i32
        %mul3A_634 = vector.broadcast %mul3A_633 : i32 to vector<16xi32>
        %mul3A_635 = arith.muli %get3A_632, %mul3A_634 : vector<16xi32>
        %get3A_636 = arith.constant 0 : i32
        %get3A_637 = arith.index_cast %get3A_636 : i32 to index
        %get3A_638 = arith.constant 16 : index
        %get3A_639 = tpu.vector_load %arg9[%get3A_637, %get3A_638] {strides = array<i32>} : memref<2x128xi32, #tpu.memory_space<vmem>>, vector<16xi32>,
        %add3A_640 = arith.addi %mul3A_635, %get3A_639 : vector<16xi32>
        %swap3A_641 = arith.constant 0 : i32
        %swap3A_642 = arith.index_cast %swap3A_641 : i32 to index
        %swap3A_643 = arith.constant 16 : index
        %swap3A_644 = tpu.vector_load %arg11[%swap3A_642, %swap3A_643] {strides = array<i32>} : memref<2x128xi32, #tpu.memory_space<vmem>>, vector<16xi32>,
        tpu.vector_store %arg11[%swap3A_642, %swap3A_643], %add3A_640 {strides = array<i32>} : memref<2x128xi32, #tpu.memory_space<vmem>>, vector<16xi32>,
        %get3A_645 = arith.constant 0 : i32
        %get3A_646 = arith.index_cast %get3A_645 : i32 to index
        %get3A_647 = arith.constant 32 : index
        %get3A_648 = tpu.vector_load %arg10[%get3A_646, %get3A_647] {strides = array<i32>} : memref<2x128xi32, #tpu.memory_space<vmem>>, vector<16xi32>,
        %mul3A_649 = arith.constant 512 : i32
        %mul3A_650 = vector.broadcast %mul3A_649 : i32 to vector<16xi32>
        %mul3A_651 = arith.muli %get3A_648, %mul3A_650 : vector<16xi32>
        %get3A_652 = arith.constant 0 : i32
        %get3A_653 = arith.index_cast %get3A_652 : i32 to index
        %get3A_654 = arith.constant 32 : index
        %get3A_655 = tpu.vector_load %arg9[%get3A_653, %get3A_654] {strides = array<i32>} : memref<2x128xi32, #tpu.memory_space<vmem>>, vector<16xi32>,
        %add3A_656 = arith.addi %mul3A_651, %get3A_655 : vector<16xi32>
        %swap3A_657 = arith.constant 0 : i32
        %swap3A_658 = arith.index_cast %swap3A_657 : i32 to index
        %swap3A_659 = arith.constant 32 : index
        %swap3A_660 = tpu.vector_load %arg11[%swap3A_658, %swap3A_659] {strides = array<i32>} : memref<2x128xi32, #tpu.memory_space<vmem>>, vector<16xi32>,
        tpu.vector_store %arg11[%swap3A_658, %swap3A_659], %add3A_656 {strides = array<i32>} : memref<2x128xi32, #tpu.memory_space<vmem>>, vector<16xi32>,
        %get3A_661 = arith.constant 0 : i32
        %get3A_662 = arith.index_cast %get3A_661 : i32 to index
        %get3A_663 = arith.constant 48 : index
        %get3A_664 = tpu.vector_load %arg10[%get3A_662, %get3A_663] {strides = array<i32>} : memref<2x128xi32, #tpu.memory_space<vmem>>, vector<16xi32>,
        %mul3A_665 = arith.constant 512 : i32
        %mul3A_666 = vector.broadcast %mul3A_665 : i32 to vector<16xi32>
        %mul3A_667 = arith.muli %get3A_664, %mul3A_666 : vector<16xi32>
        %get3A_668 = arith.constant 0 : i32
        %get3A_669 = arith.index_cast %get3A_668 : i32 to index
        %get3A_670 = arith.constant 48 : index
        %get3A_671 = tpu.vector_load %arg9[%get3A_669, %get3A_670] {strides = array<i32>} : memref<2x128xi32, #tpu.memory_space<vmem>>, vector<16xi32>,
        %add3A_672 = arith.addi %mul3A_667, %get3A_671 : vector<16xi32>
        %swap3A_673 = arith.constant 0 : i32
        %swap3A_674 = arith.index_cast %swap3A_673 : i32 to index
        %swap3A_675 = arith.constant 48 : index
        %swap3A_676 = tpu.vector_load %arg11[%swap3A_674, %swap3A_675] {strides = array<i32>} : memref<2x128xi32, #tpu.memory_space<vmem>>, vector<16xi32>,
        tpu.vector_store %arg11[%swap3A_674, %swap3A_675], %add3A_672 {strides = array<i32>} : memref<2x128xi32, #tpu.memory_space<vmem>>, vector<16xi32>,
        %get3A_677 = arith.constant 0 : i32
        %get3A_678 = arith.index_cast %get3A_677 : i32 to index
        %get3A_679 = arith.constant 64 : index
        %get3A_680 = tpu.vector_load %arg10[%get3A_678, %get3A_679] {strides = array<i32>} : memref<2x128xi32, #tpu.memory_space<vmem>>, vector<16xi32>,
        %mul3A_681 = arith.constant 512 : i32
        %mul3A_682 = vector.broadcast %mul3A_681 : i32 to vector<16xi32>
        %mul3A_683 = arith.muli %get3A_680, %mul3A_682 : vector<16xi32>
        %get3A_684 = arith.constant 0 : i32
        %get3A_685 = arith.index_cast %get3A_684 : i32 to index
        %get3A_686 = arith.constant 64 : index
        %get3A_687 = tpu.vector_load %arg9[%get3A_685, %get3A_686] {strides = array<i32>} : memref<2x128xi32, #tpu.memory_space<vmem>>, vector<16xi32>,
        %add3A_688 = arith.addi %mul3A_683, %get3A_687 : vector<16xi32>
        %swap3A_689 = arith.constant 0 : i32
        %swap3A_690 = arith.index_cast %swap3A_689 : i32 to index
        %swap3A_691 = arith.constant 64 : index
        %swap3A_692 = tpu.vector_load %arg11[%swap3A_690, %swap3A_691] {strides = array<i32>} : memref<2x128xi32, #tpu.memory_space<vmem>>, vector<16xi32>,
        tpu.vector_store %arg11[%swap3A_690, %swap3A_691], %add3A_688 {strides = array<i32>} : memref<2x128xi32, #tpu.memory_space<vmem>>, vector<16xi32>,
        %get3A_693 = arith.constant 0 : i32
        %get3A_694 = arith.index_cast %get3A_693 : i32 to index
        %get3A_695 = arith.constant 80 : index
        %get3A_696 = tpu.vector_load %arg10[%get3A_694, %get3A_695] {strides = array<i32>} : memref<2x128xi32, #tpu.memory_space<vmem>>, vector<16xi32>,
        %mul3A_697 = arith.constant 512 : i32
        %mul3A_698 = vector.broadcast %mul3A_697 : i32 to vector<16xi32>
        %mul3A_699 = arith.muli %get3A_696, %mul3A_698 : vector<16xi32>
        %get3A_700 = arith.constant 0 : i32
        %get3A_701 = arith.index_cast %get3A_700 : i32 to index
        %get3A_702 = arith.constant 80 : index
        %get3A_703 = tpu.vector_load %arg9[%get3A_701, %get3A_702] {strides = array<i32>} : memref<2x128xi32, #tpu.memory_space<vmem>>, vector<16xi32>,
        %add3A_704 = arith.addi %mul3A_699, %get3A_703 : vector<16xi32>
        %swap3A_705 = arith.constant 0 : i32
        %swap3A_706 = arith.index_cast %swap3A_705 : i32 to index
        %swap3A_707 = arith.constant 80 : index
        %swap3A_708 = tpu.vector_load %arg11[%swap3A_706, %swap3A_707] {strides = array<i32>} : memref<2x128xi32, #tpu.memory_space<vmem>>, vector<16xi32>,
        tpu.vector_store %arg11[%swap3A_706, %swap3A_707], %add3A_704 {strides = array<i32>} : memref<2x128xi32, #tpu.memory_space<vmem>>, vector<16xi32>,
        %get3A_709 = arith.constant 0 : i32
        %get3A_710 = arith.index_cast %get3A_709 : i32 to index
        %get3A_711 = arith.constant 96 : index
        %get3A_712 = tpu.vector_load %arg10[%get3A_710, %get3A_711] {strides = array<i32>} : memref<2x128xi32, #tpu.memory_space<vmem>>, vector<16xi32>,
        %mul3A_713 = arith.constant 512 : i32
        %mul3A_714 = vector.broadcast %mul3A_713 : i32 to vector<16xi32>
        %mul3A_715 = arith.muli %get3A_712, %mul3A_714 : vector<16xi32>
        %get3A_716 = arith.constant 0 : i32
        %get3A_717 = arith.index_cast %get3A_716 : i32 to index
        %get3A_718 = arith.constant 96 : index
        %get3A_719 = tpu.vector_load %arg9[%get3A_717, %get3A_718] {strides = array<i32>} : memref<2x128xi32, #tpu.memory_space<vmem>>, vector<16xi32>,
        %add3A_720 = arith.addi %mul3A_715, %get3A_719 : vector<16xi32>
        %swap3A_721 = arith.constant 0 : i32
        %swap3A_722 = arith.index_cast %swap3A_721 : i32 to index
        %swap3A_723 = arith.constant 96 : index
        %swap3A_724 = tpu.vector_load %arg11[%swap3A_722, %swap3A_723] {strides = array<i32>} : memref<2x128xi32, #tpu.memory_space<vmem>>, vector<16xi32>,
        tpu.vector_store %arg11[%swap3A_722, %swap3A_723], %add3A_720 {strides = array<i32>} : memref<2x128xi32, #tpu.memory_space<vmem>>, vector<16xi32>,
        %get3A_725 = arith.constant 0 : i32
        %get3A_726 = arith.index_cast %get3A_725 : i32 to index
        %get3A_727 = arith.constant 112 : index
        %get3A_728 = tpu.vector_load %arg10[%get3A_726, %get3A_727] {strides = array<i32>} : memref<2x128xi32, #tpu.memory_space<vmem>>, vector<16xi32>,
        %mul3A_729 = arith.constant 512 : i32
        %mul3A_730 = vector.broadcast %mul3A_729 : i32 to vector<16xi32>
        %mul3A_731 = arith.muli %get3A_728, %mul3A_730 : vector<16xi32>
        %get3A_732 = arith.constant 0 : i32
        %get3A_733 = arith.index_cast %get3A_732 : i32 to index
        %get3A_734 = arith.constant 112 : index
        %get3A_735 = tpu.vector_load %arg9[%get3A_733, %get3A_734] {strides = array<i32>} : memref<2x128xi32, #tpu.memory_space<vmem>>, vector<16xi32>,
        %add3A_736 = arith.addi %mul3A_731, %get3A_735 : vector<16xi32>
        %swap3A_737 = arith.constant 0 : i32
        %swap3A_738 = arith.index_cast %swap3A_737 : i32 to index
        %swap3A_739 = arith.constant 112 : index
        %swap3A_740 = tpu.vector_load %arg11[%swap3A_738, %swap3A_739] {strides = array<i32>} : memref<2x128xi32, #tpu.memory_space<vmem>>, vector<16xi32>,
        tpu.vector_store %arg11[%swap3A_738, %swap3A_739], %add3A_736 {strides = array<i32>} : memref<2x128xi32, #tpu.memory_space<vmem>>, vector<16xi32>,
        %dma_start3A_741 = arith.constant 0 : i32
        %dma_start3A_742 = arith.constant 0 : i32
        %dma_start3A_743 = arith.constant 0 : i32
        %dma_start3A_744 = arith.constant 0 : i32
        %dma_start3A_745 = tpu.memref_slice %arg12[%dma_start3A_742, %dma_start3A_743, %dma_start3A_744] : memref<2x128x64xi32, #tpu.memory_space<vmem>> -> memref<1x128x64xi32, #tpu.memory_space<vmem>>
        %dma_start3A_746 = tpu.memref_squeeze %dma_start3A_745 : memref<1x128x64xi32, #tpu.memory_space<vmem>> -> memref<128x64xi32, #tpu.memory_space<vmem>>
        %dma_start3A_747 = arith.constant 0 : i32
        %dma_start3A_748 = tpu.memref_slice %arg8[%dma_start3A_741, %dma_start3A_747] : memref<2x128xi32, #tpu.memory_space<vmem>> -> memref<1x128xi32, #tpu.memory_space<vmem>>
        %dma_start3A_749 = tpu.memref_squeeze %dma_start3A_748 : memref<1x128xi32, #tpu.memory_space<vmem>> -> memref<128xi32, #tpu.memory_space<vmem>>
        %dma_start3A_750 = arith.constant 0 : i32
        %dma_start3A_751 = arith.constant 0 : i32
        %dma_start3A_752 = tpu.memref_slice %arg5[%dma_start3A_750, %dma_start3A_751] : memref<100000x64xi32, #tpu.memory_space<hbm>> -> memref<100000x64xi32, #tpu.memory_space<hbm>>
        tpu.enqueue_indirect_dma source(%dma_start3A_752 : memref<100000x64xi32, #tpu.memory_space<hbm>>) target(%dma_start3A_746 : memref<128x64xi32, #tpu.memory_space<vmem>>) offsets(%dma_start3A_749 : memref<128xi32, #tpu.memory_space<vmem>>) semaphore(%arg16 : memref<!tpu.dma_semaphore, #tpu.memory_space<semaphore_mem>>)
        %dma_start3A_753 = arith.constant 0 : i32
        %dma_start3A_754 = arith.constant 0 : i32
        %dma_start3A_755 = arith.constant 0 : i32
        %dma_start3A_756 = arith.constant 0 : i32
        %dma_start3A_757 = tpu.memref_slice %arg13[%dma_start3A_754, %dma_start3A_755, %dma_start3A_756] : memref<2x128x64xi32, #tpu.memory_space<vmem>> -> memref<1x128x64xi32, #tpu.memory_space<vmem>>
        %dma_start3A_758 = tpu.memref_squeeze %dma_start3A_757 : memref<1x128x64xi32, #tpu.memory_space<vmem>> -> memref<128x64xi32, #tpu.memory_space<vmem>>
        %dma_start3A_759 = arith.constant 0 : i32
        %dma_start3A_760 = tpu.memref_slice %arg11[%dma_start3A_753, %dma_start3A_759] : memref<2x128xi32, #tpu.memory_space<vmem>> -> memref<1x128xi32, #tpu.memory_space<vmem>>
        %dma_start3A_761 = tpu.memref_squeeze %dma_start3A_760 : memref<1x128xi32, #tpu.memory_space<vmem>> -> memref<128xi32, #tpu.memory_space<vmem>>
        %dma_start3A_762 = arith.constant 0 : i32
        %dma_start3A_763 = arith.constant 0 : i32
        %dma_start3A_764 = tpu.memref_slice %arg6[%dma_start3A_762, %dma_start3A_763] : memref<1024x64xi32, #tpu.memory_space<hbm>> -> memref<1024x64xi32, #tpu.memory_space<hbm>>
        tpu.enqueue_indirect_dma source(%dma_start3A_764 : memref<1024x64xi32, #tpu.memory_space<hbm>>) target(%dma_start3A_758 : memref<128x64xi32, #tpu.memory_space<vmem>>) offsets(%dma_start3A_761 : memref<128xi32, #tpu.memory_space<vmem>>) semaphore(%arg20 : memref<!tpu.dma_semaphore, #tpu.memory_space<semaphore_mem>>)
      } else {
      }
      %dma_wait3A_506 = arith.constant 1 : i32
      %dma_wait3A_507 = arith.constant 1 : i32
      %dma_wait3A_508 = arith.constant 0 : i32
      %dma_wait3A_509 = arith.constant 0 : i32
      %dma_wait3A_510 = tpu.memref_slice %arg12[%dma_wait3A_507, %dma_wait3A_508, %dma_wait3A_509] : memref<2x128x64xi32, #tpu.memory_space<vmem>> -> memref<1x128x64xi32, #tpu.memory_space<vmem>>
      %dma_wait3A_511 = tpu.memref_squeeze %dma_wait3A_510 : memref<1x128x64xi32, #tpu.memory_space<vmem>> -> memref<128x64xi32, #tpu.memory_space<vmem>>
      %dma_wait3A_512 = arith.constant 0 : i32
      %dma_wait3A_513 = tpu.memref_slice %arg8[%dma_wait3A_506, %dma_wait3A_512] : memref<2x128xi32, #tpu.memory_space<vmem>> -> memref<1x128xi32, #tpu.memory_space<vmem>>
      %dma_wait3A_514 = tpu.memref_squeeze %dma_wait3A_513 : memref<1x128xi32, #tpu.memory_space<vmem>> -> memref<128xi32, #tpu.memory_space<vmem>>
      %dma_wait3A_515 = arith.constant 0 : i32
      %dma_wait3A_516 = arith.constant 0 : i32
      %dma_wait3A_517 = tpu.memref_slice %arg5[%dma_wait3A_515, %dma_wait3A_516] : memref<100000x64xi32, #tpu.memory_space<hbm>> -> memref<100000x64xi32, #tpu.memory_space<hbm>>
      tpu.wait_indirect_dma semaphore(%arg17 : memref<!tpu.dma_semaphore, #tpu.memory_space<semaphore_mem>>) src(%dma_wait3A_517 : memref<100000x64xi32, #tpu.memory_space<hbm>>) dst(%dma_wait3A_511 : memref<128x64xi32, #tpu.memory_space<vmem>>)
      %dma_wait3A_518 = arith.constant 1 : i32
      %dma_wait3A_519 = arith.constant 1 : i32
      %dma_wait3A_520 = arith.constant 0 : i32
      %dma_wait3A_521 = arith.constant 0 : i32
      %dma_wait3A_522 = tpu.memref_slice %arg13[%dma_wait3A_519, %dma_wait3A_520, %dma_wait3A_521] : memref<2x128x64xi32, #tpu.memory_space<vmem>> -> memref<1x128x64xi32, #tpu.memory_space<vmem>>
      %dma_wait3A_523 = tpu.memref_squeeze %dma_wait3A_522 : memref<1x128x64xi32, #tpu.memory_space<vmem>> -> memref<128x64xi32, #tpu.memory_space<vmem>>
      %dma_wait3A_524 = arith.constant 0 : i32
      %dma_wait3A_525 = tpu.memref_slice %arg11[%dma_wait3A_518, %dma_wait3A_524] : memref<2x128xi32, #tpu.memory_space<vmem>> -> memref<1x128xi32, #tpu.memory_space<vmem>>
      %dma_wait3A_526 = tpu.memref_squeeze %dma_wait3A_525 : memref<1x128xi32, #tpu.memory_space<vmem>> -> memref<128xi32, #tpu.memory_space<vmem>>
      %dma_wait3A_527 = arith.constant 0 : i32
      %dma_wait3A_528 = arith.constant 0 : i32
      %dma_wait3A_529 = tpu.memref_slice %arg6[%dma_wait3A_527, %dma_wait3A_528] : memref<1024x64xi32, #tpu.memory_space<hbm>> -> memref<1024x64xi32, #tpu.memory_space<hbm>>
      tpu.wait_indirect_dma semaphore(%arg21 : memref<!tpu.dma_semaphore, #tpu.memory_space<semaphore_mem>>) src(%dma_wait3A_529 : memref<1024x64xi32, #tpu.memory_space<hbm>>) dst(%dma_wait3A_523 : memref<128x64xi32, #tpu.memory_space<vmem>>)
      %ge3A_530 = arith.constant 1 : i32
      %ge3A_531 = arith.cmpi sge, %scan3A_238, %ge3A_530 : i32
      %convert_element_type3A_532 = arith.extui %ge3A_531 : i1 to i32
      %cond3A_533 = arith.constant 0 : i32
      %cond3A_534 = arith.cmpi ne, %convert_element_type3A_532, %cond3A_533 : i32
      scf.if %cond3A_534 {
        %dma_wait3A_554 = arith.constant 1 : i32
        %dma_wait3A_555 = arith.constant 0 : i32
        %dma_wait3A_556 = arith.constant 0 : i32
        %dma_wait3A_557 = tpu.memref_slice %arg14[%dma_wait3A_554, %dma_wait3A_555, %dma_wait3A_556] : memref<2x128x128xf32, #tpu.memory_space<vmem>> -> memref<1x128x128xf32, #tpu.memory_space<vmem>>
        %dma_wait3A_558 = tpu.memref_squeeze %dma_wait3A_557 : memref<1x128x128xf32, #tpu.memory_space<vmem>> -> memref<128x128xf32, #tpu.memory_space<vmem>>
        %dma_wait3A_559 = arith.constant 0 : i32
        %dma_wait3A_560 = tpu.memref_slice %arg7[%mul3A_2, %dma_wait3A_559] : memref<819200x128xf32, #tpu.memory_space<hbm>> -> memref<128x128xf32, #tpu.memory_space<hbm>>
        %dma_wait3A_561 = arith.constant 0 : i32
        %dma_wait3A_562 = tpu.memref_slice %arg7[%mul3A_2, %dma_wait3A_561] : memref<819200x128xf32, #tpu.memory_space<hbm>> -> memref<128x128xf32, #tpu.memory_space<hbm>>
        %dma_wait3A_563 = arith.constant 0 : i32
        %dma_wait3A_564 = arith.constant 0 : i32
        %dma_wait3A_565 = tpu.memref_slice %arg14[%dma_wait3A_554, %dma_wait3A_563, %dma_wait3A_564] : memref<2x128x128xf32, #tpu.memory_space<vmem>> -> memref<1x128x128xf32, #tpu.memory_space<vmem>>
        %dma_wait3A_566 = tpu.memref_squeeze %dma_wait3A_565 : memref<1x128x128xf32, #tpu.memory_space<vmem>> -> memref<128x128xf32, #tpu.memory_space<vmem>>
        tpu.wait_dma2 semaphore(%arg25 : memref<!tpu.dma_semaphore, #tpu.memory_space<semaphore_mem>>) src(%dma_wait3A_566 : memref<128x128xf32, #tpu.memory_space<vmem>>) dst(%dma_wait3A_562 : memref<128x128xf32, #tpu.memory_space<hbm>>)
      } else {
      }
      %parallel_loop3A_535 = arith.constant 0 : i32
      %parallel_loop3A_536 = arith.constant 128 : i32
      %parallel_loop3A_537 = arith.constant 1 : i32
      scf.for %parallel_loop3A_554 = %parallel_loop3A_535 to %parallel_loop3A_536 step %parallel_loop3A_537  : i32 {
        %parallel_loop3A_555 = arith.constant 1 : i32
        %parallel_loop3A_556 = arith.index_cast %parallel_loop3A_555 : i32 to index
        %parallel_loop3A_557 = arith.index_cast %parallel_loop3A_554 : i32 to index
        %parallel_loop3A_558 = arith.constant 0 : index
        %parallel_loop3A_559 = tpu.vector_load %arg12[%parallel_loop3A_556, %parallel_loop3A_557, %parallel_loop3A_558] {strides = array<i32>} : memref<2x128x64xi32, #tpu.memory_space<vmem>>, vector<16xi32>,
        %parallel_loop3A_560 = arith.constant 16 : i32
        %parallel_loop3A_561 = vector.broadcast %parallel_loop3A_560 : i32 to vector<16xi32>
        %parallel_loop3A_562 = arith.shli %parallel_loop3A_559, %parallel_loop3A_561 : vector<16xi32>
        %parallel_loop3A_563 = tpu.bitcast %parallel_loop3A_562 : vector<16xi32> -> vector<16xf32>
        %parallel_loop3A_564 = arith.constant -65536 : i32
        %parallel_loop3A_565 = vector.broadcast %parallel_loop3A_564 : i32 to vector<16xi32>
        %parallel_loop3A_566 = arith.andi %parallel_loop3A_559, %parallel_loop3A_565 : vector<16xi32>
        %parallel_loop3A_567 = tpu.bitcast %parallel_loop3A_566 : vector<16xi32> -> vector<16xf32>
        %parallel_loop3A_568 = arith.constant 1 : i32
        %parallel_loop3A_569 = arith.index_cast %parallel_loop3A_568 : i32 to index
        %parallel_loop3A_570 = arith.index_cast %parallel_loop3A_554 : i32 to index
        %parallel_loop3A_571 = arith.constant 0 : index
        %parallel_loop3A_572 = tpu.vector_load %arg13[%parallel_loop3A_569, %parallel_loop3A_570, %parallel_loop3A_571] {strides = array<i32>} : memref<2x128x64xi32, #tpu.memory_space<vmem>>, vector<16xi32>,
        %parallel_loop3A_573 = arith.constant 16 : i32
        %parallel_loop3A_574 = vector.broadcast %parallel_loop3A_573 : i32 to vector<16xi32>
        %parallel_loop3A_575 = arith.shli %parallel_loop3A_572, %parallel_loop3A_574 : vector<16xi32>
        %parallel_loop3A_576 = tpu.bitcast %parallel_loop3A_575 : vector<16xi32> -> vector<16xf32>
        %parallel_loop3A_577 = arith.constant -65536 : i32
        %parallel_loop3A_578 = vector.broadcast %parallel_loop3A_577 : i32 to vector<16xi32>
        %parallel_loop3A_579 = arith.andi %parallel_loop3A_572, %parallel_loop3A_578 : vector<16xi32>
        %parallel_loop3A_580 = tpu.bitcast %parallel_loop3A_579 : vector<16xi32> -> vector<16xf32>
        %parallel_loop3A_581 = arith.addf %parallel_loop3A_563, %parallel_loop3A_576 : vector<16xf32>
        %parallel_loop3A_582 = arith.constant 1 : i32
        %parallel_loop3A_583 = arith.index_cast %parallel_loop3A_582 : i32 to index
        %parallel_loop3A_584 = arith.index_cast %parallel_loop3A_554 : i32 to index
        %parallel_loop3A_585 = arith.constant 0 : index
        %parallel_loop3A_586 = tpu.vector_load %arg14[%parallel_loop3A_583, %parallel_loop3A_584, %parallel_loop3A_585] {strides = array<i32>} : memref<2x128x128xf32, #tpu.memory_space<vmem>>, vector<16xf32>,
        tpu.vector_store %arg14[%parallel_loop3A_583, %parallel_loop3A_584, %parallel_loop3A_585], %parallel_loop3A_581 {strides = array<i32>} : memref<2x128x128xf32, #tpu.memory_space<vmem>>, vector<16xf32>,
        %parallel_loop3A_587 = arith.addf %parallel_loop3A_567, %parallel_loop3A_580 : vector<16xf32>
        %parallel_loop3A_588 = arith.constant 1 : i32
        %parallel_loop3A_589 = arith.index_cast %parallel_loop3A_588 : i32 to index
        %parallel_loop3A_590 = arith.index_cast %parallel_loop3A_554 : i32 to index
        %parallel_loop3A_591 = arith.constant 64 : index
        %parallel_loop3A_592 = tpu.vector_load %arg14[%parallel_loop3A_589, %parallel_loop3A_590, %parallel_loop3A_591] {strides = array<i32>} : memref<2x128x128xf32, #tpu.memory_space<vmem>>, vector<16xf32>,
        tpu.vector_store %arg14[%parallel_loop3A_589, %parallel_loop3A_590, %parallel_loop3A_591], %parallel_loop3A_587 {strides = array<i32>} : memref<2x128x128xf32, #tpu.memory_space<vmem>>, vector<16xf32>,
        %parallel_loop3A_593 = arith.constant 1 : i32
        %parallel_loop3A_594 = arith.index_cast %parallel_loop3A_593 : i32 to index
        %parallel_loop3A_595 = arith.index_cast %parallel_loop3A_554 : i32 to index
        %parallel_loop3A_596 = arith.constant 16 : index
        %parallel_loop3A_597 = tpu.vector_load %arg12[%parallel_loop3A_594, %parallel_loop3A_595, %parallel_loop3A_596] {strides = array<i32>} : memref<2x128x64xi32, #tpu.memory_space<vmem>>, vector<16xi32>,
        %parallel_loop3A_598 = arith.constant 16 : i32
        %parallel_loop3A_599 = vector.broadcast %parallel_loop3A_598 : i32 to vector<16xi32>
        %parallel_loop3A_600 = arith.shli %parallel_loop3A_597, %parallel_loop3A_599 : vector<16xi32>
        %parallel_loop3A_601 = tpu.bitcast %parallel_loop3A_600 : vector<16xi32> -> vector<16xf32>
        %parallel_loop3A_602 = arith.constant -65536 : i32
        %parallel_loop3A_603 = vector.broadcast %parallel_loop3A_602 : i32 to vector<16xi32>
        %parallel_loop3A_604 = arith.andi %parallel_loop3A_597, %parallel_loop3A_603 : vector<16xi32>
        %parallel_loop3A_605 = tpu.bitcast %parallel_loop3A_604 : vector<16xi32> -> vector<16xf32>
        %parallel_loop3A_606 = arith.constant 1 : i32
        %parallel_loop3A_607 = arith.index_cast %parallel_loop3A_606 : i32 to index
        %parallel_loop3A_608 = arith.index_cast %parallel_loop3A_554 : i32 to index
        %parallel_loop3A_609 = arith.constant 16 : index
        %parallel_loop3A_610 = tpu.vector_load %arg13[%parallel_loop3A_607, %parallel_loop3A_608, %parallel_loop3A_609] {strides = array<i32>} : memref<2x128x64xi32, #tpu.memory_space<vmem>>, vector<16xi32>,
        %parallel_loop3A_611 = arith.constant 16 : i32
        %parallel_loop3A_612 = vector.broadcast %parallel_loop3A_611 : i32 to vector<16xi32>
        %parallel_loop3A_613 = arith.shli %parallel_loop3A_610, %parallel_loop3A_612 : vector<16xi32>
        %parallel_loop3A_614 = tpu.bitcast %parallel_loop3A_613 : vector<16xi32> -> vector<16xf32>
        %parallel_loop3A_615 = arith.constant -65536 : i32
        %parallel_loop3A_616 = vector.broadcast %parallel_loop3A_615 : i32 to vector<16xi32>
        %parallel_loop3A_617 = arith.andi %parallel_loop3A_610, %parallel_loop3A_616 : vector<16xi32>
        %parallel_loop3A_618 = tpu.bitcast %parallel_loop3A_617 : vector<16xi32> -> vector<16xf32>
        %parallel_loop3A_619 = arith.addf %parallel_loop3A_601, %parallel_loop3A_614 : vector<16xf32>
        %parallel_loop3A_620 = arith.constant 1 : i32
        %parallel_loop3A_621 = arith.index_cast %parallel_loop3A_620 : i32 to index
        %parallel_loop3A_622 = arith.index_cast %parallel_loop3A_554 : i32 to index
        %parallel_loop3A_623 = arith.constant 16 : index
        %parallel_loop3A_624 = tpu.vector_load %arg14[%parallel_loop3A_621, %parallel_loop3A_622, %parallel_loop3A_623] {strides = array<i32>} : memref<2x128x128xf32, #tpu.memory_space<vmem>>, vector<16xf32>,
        tpu.vector_store %arg14[%parallel_loop3A_621, %parallel_loop3A_622, %parallel_loop3A_623], %parallel_loop3A_619 {strides = array<i32>} : memref<2x128x128xf32, #tpu.memory_space<vmem>>, vector<16xf32>,
        %parallel_loop3A_625 = arith.addf %parallel_loop3A_605, %parallel_loop3A_618 : vector<16xf32>
        %parallel_loop3A_626 = arith.constant 1 : i32
        %parallel_loop3A_627 = arith.index_cast %parallel_loop3A_626 : i32 to index
        %parallel_loop3A_628 = arith.index_cast %parallel_loop3A_554 : i32 to index
        %parallel_loop3A_629 = arith.constant 80 : index
        %parallel_loop3A_630 = tpu.vector_load %arg14[%parallel_loop3A_627, %parallel_loop3A_628, %parallel_loop3A_629] {strides = array<i32>} : memref<2x128x128xf32, #tpu.memory_space<vmem>>, vector<16xf32>,
        tpu.vector_store %arg14[%parallel_loop3A_627, %parallel_loop3A_628, %parallel_loop3A_629], %parallel_loop3A_625 {strides = array<i32>} : memref<2x128x128xf32, #tpu.memory_space<vmem>>, vector<16xf32>,
        %parallel_loop3A_631 = arith.constant 1 : i32
        %parallel_loop3A_632 = arith.index_cast %parallel_loop3A_631 : i32 to index
        %parallel_loop3A_633 = arith.index_cast %parallel_loop3A_554 : i32 to index
        %parallel_loop3A_634 = arith.constant 32 : index
        %parallel_loop3A_635 = tpu.vector_load %arg12[%parallel_loop3A_632, %parallel_loop3A_633, %parallel_loop3A_634] {strides = array<i32>} : memref<2x128x64xi32, #tpu.memory_space<vmem>>, vector<16xi32>,
        %parallel_loop3A_636 = arith.constant 16 : i32
        %parallel_loop3A_637 = vector.broadcast %parallel_loop3A_636 : i32 to vector<16xi32>
        %parallel_loop3A_638 = arith.shli %parallel_loop3A_635, %parallel_loop3A_637 : vector<16xi32>
        %parallel_loop3A_639 = tpu.bitcast %parallel_loop3A_638 : vector<16xi32> -> vector<16xf32>
        %parallel_loop3A_640 = arith.constant -65536 : i32
        %parallel_loop3A_641 = vector.broadcast %parallel_loop3A_640 : i32 to vector<16xi32>
        %parallel_loop3A_642 = arith.andi %parallel_loop3A_635, %parallel_loop3A_641 : vector<16xi32>
        %parallel_loop3A_643 = tpu.bitcast %parallel_loop3A_642 : vector<16xi32> -> vector<16xf32>
        %parallel_loop3A_644 = arith.constant 1 : i32
        %parallel_loop3A_645 = arith.index_cast %parallel_loop3A_644 : i32 to index
        %parallel_loop3A_646 = arith.index_cast %parallel_loop3A_554 : i32 to index
        %parallel_loop3A_647 = arith.constant 32 : index
        %parallel_loop3A_648 = tpu.vector_load %arg13[%parallel_loop3A_645, %parallel_loop3A_646, %parallel_loop3A_647] {strides = array<i32>} : memref<2x128x64xi32, #tpu.memory_space<vmem>>, vector<16xi32>,
        %parallel_loop3A_649 = arith.constant 16 : i32
        %parallel_loop3A_650 = vector.broadcast %parallel_loop3A_649 : i32 to vector<16xi32>
        %parallel_loop3A_651 = arith.shli %parallel_loop3A_648, %parallel_loop3A_650 : vector<16xi32>
        %parallel_loop3A_652 = tpu.bitcast %parallel_loop3A_651 : vector<16xi32> -> vector<16xf32>
        %parallel_loop3A_653 = arith.constant -65536 : i32
        %parallel_loop3A_654 = vector.broadcast %parallel_loop3A_653 : i32 to vector<16xi32>
        %parallel_loop3A_655 = arith.andi %parallel_loop3A_648, %parallel_loop3A_654 : vector<16xi32>
        %parallel_loop3A_656 = tpu.bitcast %parallel_loop3A_655 : vector<16xi32> -> vector<16xf32>
        %parallel_loop3A_657 = arith.addf %parallel_loop3A_639, %parallel_loop3A_652 : vector<16xf32>
        %parallel_loop3A_658 = arith.constant 1 : i32
        %parallel_loop3A_659 = arith.index_cast %parallel_loop3A_658 : i32 to index
        %parallel_loop3A_660 = arith.index_cast %parallel_loop3A_554 : i32 to index
        %parallel_loop3A_661 = arith.constant 32 : index
        %parallel_loop3A_662 = tpu.vector_load %arg14[%parallel_loop3A_659, %parallel_loop3A_660, %parallel_loop3A_661] {strides = array<i32>} : memref<2x128x128xf32, #tpu.memory_space<vmem>>, vector<16xf32>,
        tpu.vector_store %arg14[%parallel_loop3A_659, %parallel_loop3A_660, %parallel_loop3A_661], %parallel_loop3A_657 {strides = array<i32>} : memref<2x128x128xf32, #tpu.memory_space<vmem>>, vector<16xf32>,
        %parallel_loop3A_663 = arith.addf %parallel_loop3A_643, %parallel_loop3A_656 : vector<16xf32>
        %parallel_loop3A_664 = arith.constant 1 : i32
        %parallel_loop3A_665 = arith.index_cast %parallel_loop3A_664 : i32 to index
        %parallel_loop3A_666 = arith.index_cast %parallel_loop3A_554 : i32 to index
        %parallel_loop3A_667 = arith.constant 96 : index
        %parallel_loop3A_668 = tpu.vector_load %arg14[%parallel_loop3A_665, %parallel_loop3A_666, %parallel_loop3A_667] {strides = array<i32>} : memref<2x128x128xf32, #tpu.memory_space<vmem>>, vector<16xf32>,
        tpu.vector_store %arg14[%parallel_loop3A_665, %parallel_loop3A_666, %parallel_loop3A_667], %parallel_loop3A_663 {strides = array<i32>} : memref<2x128x128xf32, #tpu.memory_space<vmem>>, vector<16xf32>,
        %parallel_loop3A_669 = arith.constant 1 : i32
        %parallel_loop3A_670 = arith.index_cast %parallel_loop3A_669 : i32 to index
        %parallel_loop3A_671 = arith.index_cast %parallel_loop3A_554 : i32 to index
        %parallel_loop3A_672 = arith.constant 48 : index
        %parallel_loop3A_673 = tpu.vector_load %arg12[%parallel_loop3A_670, %parallel_loop3A_671, %parallel_loop3A_672] {strides = array<i32>} : memref<2x128x64xi32, #tpu.memory_space<vmem>>, vector<16xi32>,
        %parallel_loop3A_674 = arith.constant 16 : i32
        %parallel_loop3A_675 = vector.broadcast %parallel_loop3A_674 : i32 to vector<16xi32>
        %parallel_loop3A_676 = arith.shli %parallel_loop3A_673, %parallel_loop3A_675 : vector<16xi32>
        %parallel_loop3A_677 = tpu.bitcast %parallel_loop3A_676 : vector<16xi32> -> vector<16xf32>
        %parallel_loop3A_678 = arith.constant -65536 : i32
        %parallel_loop3A_679 = vector.broadcast %parallel_loop3A_678 : i32 to vector<16xi32>
        %parallel_loop3A_680 = arith.andi %parallel_loop3A_673, %parallel_loop3A_679 : vector<16xi32>
        %parallel_loop3A_681 = tpu.bitcast %parallel_loop3A_680 : vector<16xi32> -> vector<16xf32>
        %parallel_loop3A_682 = arith.constant 1 : i32
        %parallel_loop3A_683 = arith.index_cast %parallel_loop3A_682 : i32 to index
        %parallel_loop3A_684 = arith.index_cast %parallel_loop3A_554 : i32 to index
        %parallel_loop3A_685 = arith.constant 48 : index
        %parallel_loop3A_686 = tpu.vector_load %arg13[%parallel_loop3A_683, %parallel_loop3A_684, %parallel_loop3A_685] {strides = array<i32>} : memref<2x128x64xi32, #tpu.memory_space<vmem>>, vector<16xi32>,
        %parallel_loop3A_687 = arith.constant 16 : i32
        %parallel_loop3A_688 = vector.broadcast %parallel_loop3A_687 : i32 to vector<16xi32>
        %parallel_loop3A_689 = arith.shli %parallel_loop3A_686, %parallel_loop3A_688 : vector<16xi32>
        %parallel_loop3A_690 = tpu.bitcast %parallel_loop3A_689 : vector<16xi32> -> vector<16xf32>
        %parallel_loop3A_691 = arith.constant -65536 : i32
        %parallel_loop3A_692 = vector.broadcast %parallel_loop3A_691 : i32 to vector<16xi32>
        %parallel_loop3A_693 = arith.andi %parallel_loop3A_686, %parallel_loop3A_692 : vector<16xi32>
        %parallel_loop3A_694 = tpu.bitcast %parallel_loop3A_693 : vector<16xi32> -> vector<16xf32>
        %parallel_loop3A_695 = arith.addf %parallel_loop3A_677, %parallel_loop3A_690 : vector<16xf32>
        %parallel_loop3A_696 = arith.constant 1 : i32
        %parallel_loop3A_697 = arith.index_cast %parallel_loop3A_696 : i32 to index
        %parallel_loop3A_698 = arith.index_cast %parallel_loop3A_554 : i32 to index
        %parallel_loop3A_699 = arith.constant 48 : index
        %parallel_loop3A_700 = tpu.vector_load %arg14[%parallel_loop3A_697, %parallel_loop3A_698, %parallel_loop3A_699] {strides = array<i32>} : memref<2x128x128xf32, #tpu.memory_space<vmem>>, vector<16xf32>,
        tpu.vector_store %arg14[%parallel_loop3A_697, %parallel_loop3A_698, %parallel_loop3A_699], %parallel_loop3A_695 {strides = array<i32>} : memref<2x128x128xf32, #tpu.memory_space<vmem>>, vector<16xf32>,
        %parallel_loop3A_701 = arith.addf %parallel_loop3A_681, %parallel_loop3A_694 : vector<16xf32>
        %parallel_loop3A_702 = arith.constant 1 : i32
        %parallel_loop3A_703 = arith.index_cast %parallel_loop3A_702 : i32 to index
        %parallel_loop3A_704 = arith.index_cast %parallel_loop3A_554 : i32 to index
        %parallel_loop3A_705 = arith.constant 112 : index
        %parallel_loop3A_706 = tpu.vector_load %arg14[%parallel_loop3A_703, %parallel_loop3A_704, %parallel_loop3A_705] {strides = array<i32>} : memref<2x128x128xf32, #tpu.memory_space<vmem>>, vector<16xf32>,
        tpu.vector_store %arg14[%parallel_loop3A_703, %parallel_loop3A_704, %parallel_loop3A_705], %parallel_loop3A_701 {strides = array<i32>} : memref<2x128x128xf32, #tpu.memory_space<vmem>>, vector<16xf32>,
      } {sc.loop_unroll_factor = 8 : i64, sc.parallel_access}
      %mul3A_538 = arith.constant 128 : i32
      %mul3A_539 = arith.muli %add3A_501, %mul3A_538 : i32
      %add3A_540 = arith.addi %mul3A_2, %mul3A_539 : i32
      %dma_start3A_541 = arith.constant 1 : i32
      %dma_start3A_542 = arith.constant 0 : i32
      %dma_start3A_543 = arith.constant 0 : i32
      %dma_start3A_544 = tpu.memref_slice %arg14[%dma_start3A_541, %dma_start3A_542, %dma_start3A_543] : memref<2x128x128xf32, #tpu.memory_space<vmem>> -> memref<1x128x128xf32, #tpu.memory_space<vmem>>
      %dma_start3A_545 = tpu.memref_squeeze %dma_start3A_544 : memref<1x128x128xf32, #tpu.memory_space<vmem>> -> memref<128x128xf32, #tpu.memory_space<vmem>>
      %dma_start3A_546 = arith.constant 0 : i32
      %dma_start3A_547 = tpu.memref_slice %arg7[%add3A_540, %dma_start3A_546] : memref<819200x128xf32, #tpu.memory_space<hbm>> -> memref<128x128xf32, #tpu.memory_space<hbm>>
      %dma_start3A_548 = arith.constant 0 : i32
      %dma_start3A_549 = tpu.memref_slice %arg7[%add3A_540, %dma_start3A_548] : memref<819200x128xf32, #tpu.memory_space<hbm>> -> memref<128x128xf32, #tpu.memory_space<hbm>>
      %dma_start3A_550 = arith.constant 0 : i32
      %dma_start3A_551 = arith.constant 0 : i32
      %dma_start3A_552 = tpu.memref_slice %arg14[%dma_start3A_541, %dma_start3A_550, %dma_start3A_551] : memref<2x128x128xf32, #tpu.memory_space<vmem>> -> memref<1x128x128xf32, #tpu.memory_space<vmem>>
      %dma_start3A_553 = tpu.memref_squeeze %dma_start3A_552 : memref<1x128x128xf32, #tpu.memory_space<vmem>> -> memref<128x128xf32, #tpu.memory_space<vmem>>
      tpu.enqueue_dma source(%dma_start3A_553 : memref<128x128xf32, #tpu.memory_space<vmem>>) target(%dma_start3A_549 : memref<128x128xf32, #tpu.memory_space<hbm>>) target_semaphore(%arg25 : memref<!tpu.dma_semaphore, #tpu.memory_space<semaphore_mem>>)
    }
    %scan3A_211 = arith.constant 100 : i32
    %dma_wait3A_212 = arith.constant 0 : i32
    %dma_wait3A_213 = arith.constant 0 : i32
    %dma_wait3A_214 = arith.constant 0 : i32
    %dma_wait3A_215 = tpu.memref_slice %arg14[%dma_wait3A_212, %dma_wait3A_213, %dma_wait3A_214] : memref<2x128x128xf32, #tpu.memory_space<vmem>> -> memref<1x128x128xf32, #tpu.memory_space<vmem>>
    %dma_wait3A_216 = tpu.memref_squeeze %dma_wait3A_215 : memref<1x128x128xf32, #tpu.memory_space<vmem>> -> memref<128x128xf32, #tpu.memory_space<vmem>>
    %dma_wait3A_217 = arith.constant 0 : i32
    %dma_wait3A_218 = tpu.memref_slice %arg7[%mul3A_2, %dma_wait3A_217] : memref<819200x128xf32, #tpu.memory_space<hbm>> -> memref<128x128xf32, #tpu.memory_space<hbm>>
    %dma_wait3A_219 = arith.constant 0 : i32
    %dma_wait3A_220 = tpu.memref_slice %arg7[%mul3A_2, %dma_wait3A_219] : memref<819200x128xf32, #tpu.memory_space<hbm>> -> memref<128x128xf32, #tpu.memory_space<hbm>>
    %dma_wait3A_221 = arith.constant 0 : i32
    %dma_wait3A_222 = arith.constant 0 : i32
    %dma_wait3A_223 = tpu.memref_slice %arg14[%dma_wait3A_212, %dma_wait3A_221, %dma_wait3A_222] : memref<2x128x128xf32, #tpu.memory_space<vmem>> -> memref<1x128x128xf32, #tpu.memory_space<vmem>>
    %dma_wait3A_224 = tpu.memref_squeeze %dma_wait3A_223 : memref<1x128x128xf32, #tpu.memory_space<vmem>> -> memref<128x128xf32, #tpu.memory_space<vmem>>
    tpu.wait_dma2 semaphore(%arg24 : memref<!tpu.dma_semaphore, #tpu.memory_space<semaphore_mem>>) src(%dma_wait3A_224 : memref<128x128xf32, #tpu.memory_space<vmem>>) dst(%dma_wait3A_220 : memref<128x128xf32, #tpu.memory_space<hbm>>)
    %dma_wait3A_225 = arith.constant 1 : i32
    %dma_wait3A_226 = arith.constant 0 : i32
    %dma_wait3A_227 = arith.constant 0 : i32
    %dma_wait3A_228 = tpu.memref_slice %arg14[%dma_wait3A_225, %dma_wait3A_226, %dma_wait3A_227] : memref<2x128x128xf32, #tpu.memory_space<vmem>> -> memref<1x128x128xf32, #tpu.memory_space<vmem>>
    %dma_wait3A_229 = tpu.memref_squeeze %dma_wait3A_228 : memref<1x128x128xf32, #tpu.memory_space<vmem>> -> memref<128x128xf32, #tpu.memory_space<vmem>>
    %dma_wait3A_230 = arith.constant 0 : i32
    %dma_wait3A_231 = tpu.memref_slice %arg7[%mul3A_2, %dma_wait3A_230] : memref<819200x128xf32, #tpu.memory_space<hbm>> -> memref<128x128xf32, #tpu.memory_space<hbm>>
    %dma_wait3A_232 = arith.constant 0 : i32
    %dma_wait3A_233 = tpu.memref_slice %arg7[%mul3A_2, %dma_wait3A_232] : memref<819200x128xf32, #tpu.memory_space<hbm>> -> memref<128x128xf32, #tpu.memory_space<hbm>>
    %dma_wait3A_234 = arith.constant 0 : i32
    %dma_wait3A_235 = arith.constant 0 : i32
    %dma_wait3A_236 = tpu.memref_slice %arg14[%dma_wait3A_225, %dma_wait3A_234, %dma_wait3A_235] : memref<2x128x128xf32, #tpu.memory_space<vmem>> -> memref<1x128x128xf32, #tpu.memory_space<vmem>>
    %dma_wait3A_237 = tpu.memref_squeeze %dma_wait3A_236 : memref<1x128x128xf32, #tpu.memory_space<vmem>> -> memref<128x128xf32, #tpu.memory_space<vmem>>
    tpu.wait_dma2 semaphore(%arg25 : memref<!tpu.dma_semaphore, #tpu.memory_space<semaphore_mem>>) src(%dma_wait3A_237 : memref<128x128xf32, #tpu.memory_space<vmem>>) dst(%dma_wait3A_233 : memref<128x128xf32, #tpu.memory_space<hbm>>)
    return
  }
}

module attributes {stable_mosaic.version = 14 : i64} {
  func.func @_fuse_tables_body(%arg0: memref<2x128xf32, #tpu.memory_space<vmem>>, %arg1: memref<512x128xf32, #tpu.memory_space<vmem>>, %arg2: memref<2x512x64xi32, #tpu.memory_space<vmem>>) attributes {dimension_semantics = [], scalar_prefetch = 0 : i64, scratch_operands = 0 : i64, tpu.core_type = #tpu.core_type<tc>} {
    %get3A = arith.constant 0 : index
    %get3A_0 = arith.constant 0 : index
    %get3A_1 = vector.load %arg1[%get3A, %get3A_0] : memref<512x128xf32, #tpu.memory_space<vmem>>, vector<512x128xf32>
    %get3A_2 = arith.constant 0 : index
    %get3A_3 = arith.constant 0 : index
    %get3A_4 = vector.load %arg0[%get3A_2, %get3A_3] : memref<2x128xf32, #tpu.memory_space<vmem>>, vector<2x128xf32>
    %broadcast_in_dim3A = vector.shape_cast %get3A_4 : vector<2x128xf32> to vector<2x1x128xf32>
    %broadcast_in_dim3A_5 = vector.shape_cast %get3A_1 : vector<512x128xf32> to vector<1x512x128xf32>
    %add3A = vector.broadcast %broadcast_in_dim3A : vector<2x1x128xf32> to vector<2x512x128xf32>
    %add3A_6 = vector.broadcast %broadcast_in_dim3A_5 : vector<1x512x128xf32> to vector<2x512x128xf32>
    %add3A_7 = arith.addf %add3A, %add3A_6 : vector<2x512x128xf32>
    %bitcast_convert_type3A = tpu.bitcast %add3A_7 : vector<2x512x128xf32> -> vector<2x512x128xi32>
    %slice3A = vector.extract_strided_slice %bitcast_convert_type3A {offsets = [0, 0, 0], sizes = [2, 512, 64], strides = [1, 1, 1]} : vector<2x512x128xi32> to vector<2x512x64xi32>
    %shift_right_logical3A = arith.constant 16 : i32
    %shift_right_logical3A_8 = vector.broadcast %shift_right_logical3A : i32 to vector<2x512x64xi32>
    %shift_right_logical3A_9 = arith.shrui %slice3A, %shift_right_logical3A_8 : vector<2x512x64xi32>
    %and3A = arith.constant 1 : i32
    %and3A_10 = vector.broadcast %and3A : i32 to vector<2x512x64xi32>
    %and3A_11 = arith.andi %shift_right_logical3A_9, %and3A_10 : vector<2x512x64xi32>
    %add3A_12 = arith.constant 32767 : i32
    %add3A_13 = vector.broadcast %add3A_12 : i32 to vector<2x512x64xi32>
    %add3A_14 = arith.addi %slice3A, %add3A_13 : vector<2x512x64xi32>
    %add3A_15 = arith.addi %add3A_14, %and3A_11 : vector<2x512x64xi32>
    %slice3A_16 = vector.extract_strided_slice %bitcast_convert_type3A {offsets = [0, 0, 64], sizes = [2, 512, 64], strides = [1, 1, 1]} : vector<2x512x128xi32> to vector<2x512x64xi32>
    %shift_right_logical3A_17 = arith.constant 16 : i32
    %shift_right_logical3A_18 = vector.broadcast %shift_right_logical3A_17 : i32 to vector<2x512x64xi32>
    %shift_right_logical3A_19 = arith.shrui %slice3A_16, %shift_right_logical3A_18 : vector<2x512x64xi32>
    %and3A_20 = arith.constant 1 : i32
    %and3A_21 = vector.broadcast %and3A_20 : i32 to vector<2x512x64xi32>
    %and3A_22 = arith.andi %shift_right_logical3A_19, %and3A_21 : vector<2x512x64xi32>
    %add3A_23 = arith.constant 32767 : i32
    %add3A_24 = vector.broadcast %add3A_23 : i32 to vector<2x512x64xi32>
    %add3A_25 = arith.addi %slice3A_16, %add3A_24 : vector<2x512x64xi32>
    %add3A_26 = arith.addi %add3A_25, %and3A_22 : vector<2x512x64xi32>
    %shift_right_logical3A_27 = arith.constant 16 : i32
    %shift_right_logical3A_28 = vector.broadcast %shift_right_logical3A_27 : i32 to vector<2x512x64xi32>
    %shift_right_logical3A_29 = arith.shrui %add3A_15, %shift_right_logical3A_28 : vector<2x512x64xi32>
    %and3A_30 = arith.constant 65535 : i32
    %and3A_31 = vector.broadcast %and3A_30 : i32 to vector<2x512x64xi32>
    %and3A_32 = arith.andi %shift_right_logical3A_29, %and3A_31 : vector<2x512x64xi32>
    %and3A_33 = arith.constant -65536 : i32
    %and3A_34 = vector.broadcast %and3A_33 : i32 to vector<2x512x64xi32>
    %and3A_35 = arith.andi %add3A_26, %and3A_34 : vector<2x512x64xi32>
    %or3A = arith.ori %and3A_32, %and3A_35 : vector<2x512x64xi32>
    %swap3A = arith.constant 0 : index
    %swap3A_36 = arith.constant 0 : index
    %swap3A_37 = arith.constant 0 : index
    %swap3A_38 = vector.load %arg2[%swap3A, %swap3A_36, %swap3A_37] : memref<2x512x64xi32, #tpu.memory_space<vmem>>, vector<2x512x64xi32>
    tpu.vector_store %arg2[%swap3A, %swap3A_36, %swap3A_37], %or3A {strides = array<i32>} : memref<2x512x64xi32, #tpu.memory_space<vmem>>, vector<2x512x64xi32>,
    return
  }
}

module attributes {stable_mosaic.version = 14 : i64} {
  func.func @_pack_word_body(%arg0: i32, %arg1: memref<1000x128xf32, #tpu.memory_space<vmem>>, %arg2: memref<1000x64xi32, #tpu.memory_space<vmem>>) attributes {dimension_semantics = [#tpu.dimension_semantics<arbitrary>], iteration_bounds = array<i64: 100>, scalar_prefetch = 0 : i64, scratch_operands = 0 : i64, tpu.core_type = #tpu.core_type<tc>, window_params = [{transform_indices = @transform_0, window_bounds = array<i64: 1000, 128>}, {transform_indices = @transform_1, window_bounds = array<i64: 1000, 64>}]} {
    %get3A = arith.constant 0 : index
    %get3A_0 = arith.constant 0 : index
    %get3A_1 = vector.load %arg1[%get3A, %get3A_0] : memref<1000x128xf32, #tpu.memory_space<vmem>>, vector<1000x128xf32>
    %bitcast_convert_type3A = tpu.bitcast %get3A_1 : vector<1000x128xf32> -> vector<1000x128xi32>
    %slice3A = vector.extract_strided_slice %bitcast_convert_type3A {offsets = [0, 0], sizes = [1000, 64], strides = [1, 1]} : vector<1000x128xi32> to vector<1000x64xi32>
    %shift_right_logical3A = arith.constant 16 : i32
    %shift_right_logical3A_2 = vector.broadcast %shift_right_logical3A : i32 to vector<1000x64xi32>
    %shift_right_logical3A_3 = arith.shrui %slice3A, %shift_right_logical3A_2 : vector<1000x64xi32>
    %and3A = arith.constant 1 : i32
    %and3A_4 = vector.broadcast %and3A : i32 to vector<1000x64xi32>
    %and3A_5 = arith.andi %shift_right_logical3A_3, %and3A_4 : vector<1000x64xi32>
    %add3A = arith.constant 32767 : i32
    %add3A_6 = vector.broadcast %add3A : i32 to vector<1000x64xi32>
    %add3A_7 = arith.addi %slice3A, %add3A_6 : vector<1000x64xi32>
    %add3A_8 = arith.addi %add3A_7, %and3A_5 : vector<1000x64xi32>
    %slice3A_9 = vector.extract_strided_slice %bitcast_convert_type3A {offsets = [0, 64], sizes = [1000, 64], strides = [1, 1]} : vector<1000x128xi32> to vector<1000x64xi32>
    %shift_right_logical3A_10 = arith.constant 16 : i32
    %shift_right_logical3A_11 = vector.broadcast %shift_right_logical3A_10 : i32 to vector<1000x64xi32>
    %shift_right_logical3A_12 = arith.shrui %slice3A_9, %shift_right_logical3A_11 : vector<1000x64xi32>
    %and3A_13 = arith.constant 1 : i32
    %and3A_14 = vector.broadcast %and3A_13 : i32 to vector<1000x64xi32>
    %and3A_15 = arith.andi %shift_right_logical3A_12, %and3A_14 : vector<1000x64xi32>
    %add3A_16 = arith.constant 32767 : i32
    %add3A_17 = vector.broadcast %add3A_16 : i32 to vector<1000x64xi32>
    %add3A_18 = arith.addi %slice3A_9, %add3A_17 : vector<1000x64xi32>
    %add3A_19 = arith.addi %add3A_18, %and3A_15 : vector<1000x64xi32>
    %shift_right_logical3A_20 = arith.constant 16 : i32
    %shift_right_logical3A_21 = vector.broadcast %shift_right_logical3A_20 : i32 to vector<1000x64xi32>
    %shift_right_logical3A_22 = arith.shrui %add3A_8, %shift_right_logical3A_21 : vector<1000x64xi32>
    %and3A_23 = arith.constant 65535 : i32
    %and3A_24 = vector.broadcast %and3A_23 : i32 to vector<1000x64xi32>
    %and3A_25 = arith.andi %shift_right_logical3A_22, %and3A_24 : vector<1000x64xi32>
    %and3A_26 = arith.constant -65536 : i32
    %and3A_27 = vector.broadcast %and3A_26 : i32 to vector<1000x64xi32>
    %and3A_28 = arith.andi %add3A_19, %and3A_27 : vector<1000x64xi32>
    %or3A = arith.ori %and3A_25, %and3A_28 : vector<1000x64xi32>
    %swap3A = arith.constant 0 : index
    %swap3A_29 = arith.constant 0 : index
    %swap3A_30 = vector.load %arg2[%swap3A, %swap3A_29] : memref<1000x64xi32, #tpu.memory_space<vmem>>, vector<1000x64xi32>
    tpu.vector_store %arg2[%swap3A, %swap3A_29], %or3A {strides = array<i32>} : memref<1000x64xi32, #tpu.memory_space<vmem>>, vector<1000x64xi32>,
    return
  }
  func.func @transform_0(%arg0: i32) -> (i32, i32) {
    %c0_i32 = arith.constant 0 : i32
    %c0_i32_0 = arith.constant 0 : i32
    return %arg0, %c0_i32 : i32, i32
  }
  func.func @transform_1(%arg0: i32) -> (i32, i32) {
    %c0_i32 = arith.constant 0 : i32
    %c0_i32_0 = arith.constant 0 : i32
    return %arg0, %c0_i32 : i32, i32
  }
}

</mosaic_0001>

<sc_bundles>
// kernel: kernel.5.cloned.1.call-start
scs
__scs_entry_jumppad:
0x0: {  	(pc) =	sbr.rel $0x88, $3  }
0x1: {  	(tag) =	ssettag $0x0;
	lr =	simm.s32 $0x1  }
0x2: {  	[smem:$0x3F9B] =	sst lr;
	_ =	strace $0xD0000000  }
0x3: {  	_ = 	snop  }
0x4: {  	_ = 	snop  }
0x5: {  	_ = 	snop  }
0x6: {  	_ = 	snop  }
0x7: {  	_ = 	snop  }
__scs_overlays_trampoline_lowered:
0x8: {  	[smem:$0x3FAA] =	sst s0  }
0x9: {  	[smem:$0x3FAB] =	sst s1  }
0xa: {  	[smem:$0x3FAC] =	sst s2  }
0xb: {  	[smem:$0x3FAD] =	sst s3  }
0xc: {  	[smem:$0x3FAE] =	sst s4  }
0xd: {  	[smem:$0x3FAF] =	sst s5  }
0xe: {  	[smem:$0x3FB0] =	sst s6  }
0xf: {  	[smem:$0x3FB1] =	sst s7  }
0x10: {  	[smem:$0x3FB2] =	sst s8  }
0x11: {  	[smem:$0x3FB3] =	sst s9;
	s0 =	simm.s32 @!p0 $0x0  }
0x12: {  	s1 =	sld [smem:$0x3F99];
	s0 =	simm.s32 @p0 $0x1  }
0x13: {  	[smem:$0x3FB4] =	sst s0;
	s0 =	simm.s32 @!p1 $0x0  }
0x14: {  	s2 =	sld [smem:$0x3F98];
	s0 =	simm.s32 @p1 $0x1  }
0x15: {  	[smem:$0x3FB5] =	sst s0;
	s0 =	simm.s32 @!p2 $0x0  }
0x16: {  	s3 =	sld [smem:$0x3FDB];
	s0 =	simm.s32 @p2 $0x1  }
0x17: {  	s4 =	simm.s32 $0x1BF5;
	[smem:$0x3FB7] =	sst s0  }
0x18: {  	s0 =	sld [smem:$0x3F9A];
	_ =	swait.ge [sflag:s4], $0x0  }
0x19: {  	s7 =	sld [smem:$0x3F9B]  }
0x1a: {  	s8 =	sadd.s32 $0xFFFFE003, lr  }
0x1b: {  	s9 =	sadd.s32 $0xFFFFFEF7, lr;
	s5 =	simm.s32 $0xFFFFFFFF;
	p2 =	slt.u32 s8, $0xFFFFF086  }
0x1c: {  	p1 =	slt.u32 s9, $0xF7A;
	s5 =	simm.s32 @!p2 $0x0  }
0x1d: {  	s5 =	simm.s32 @p1 $0x1;
	p0 =	seq.s32 s7, s2  }
0x1e: {  	s7 =	smul.u32 @!p0 $0xF7A, s2;
	p2 =	seq.s32 @!p0 s5, $0x0  }
0x1f: {  	s9 =	smul.u32 $0xF7A, s1;
	s8 =	simm.s32 @!p0 $0x1BF5;
	p2 =	por !p2, p0  }
0x20: {  	[sflag:s8] =	ssyncset.s32 @!p0 $0xFFFFF086;
	s6 =	sadd.s32 @!p0 s3, s7;
	s7 =	simm.s32 @!p0 $0x108  }
0x21: {  	s3 =	sadd.s32 s3, s9;
	s6 =	sadd.s32 @!p0 $0x88, s6;
	s7 =	simm.s32 @p2 $0x1082  }
0x22: {  	[simem:s7], [sflag:s8] =	dma.local @!p0 [hbm:s6], $0xF7A  }
0x23: {  	s9 =	sor.u32 $0xD0000000, s2;
	s6 =	simm.s32 $0x108;
	_ =	swait.ge @!p0 [sflag:s8], $0x0  }
0x24: {  	s3 =	sadd.s32 $0x88, s3;
	s6 =	simm.s32 @!p1 $0x1082;
	[sflag:s4] =	ssyncset.s32 $0xFFFFF086  }
0x25: {  	[simem:s6], [sflag:s4] =	dma.local [hbm:s3], $0xF7A  }
0x26: {  	[smem:$0x3F9B] =	sst s1;
	(tag) =	ssettag s2;
	_ =	strace s9  }
0x27: {  	s1 =	sld [smem:$0x3FAB]  }
0x28: {  	s2 =	sld [smem:$0x3FAC]  }
0x29: {  	s4 =	sld [smem:$0x3FAE]  }
0x2a: {  	p0 =	seq.s32 s5, $0x0;
	s5 =	sld [smem:$0x3FAF]  }
0x2b: {  	s6 =	sld [smem:$0x3FB0]  }
0x2c: {  	s7 =	sld [smem:$0x3FB1]  }
0x2d: {  	s3 =	simm.s32 $0x108;
	s8 =	sld [smem:$0x3FB2]  }
0x2e: {  	s3 =	simm.s32 @!p0 $0x1082;
	s9 =	sld [smem:$0x3FB3]  }
0x2f: {  	lr =	sadd.s32 s0, s3;
	s0 =	sld [smem:$0x3FAA]  }
0x30: {  	s3 =	sld [smem:$0x3FAD]  }
0x31: {  	[smem:$0x3FB6] =	sst s10  }
0x32: {  	s10 =	sld [smem:$0x3FB4];
	_ =	sdelay $0x3  }
0x33: {  	p0 =	seq.s32 s10, $0x1;
	s10 =	sld [smem:$0x3FB6];
	_ =	sdelay $0x3  }
0x34: {  	[smem:$0x3FB6] =	sst s10  }
0x35: {  	s10 =	sld [smem:$0x3FB5];
	_ =	sdelay $0x3  }
0x36: {  	p1 =	seq.s32 s10, $0x1;
	s10 =	sld [smem:$0x3FB6];
	_ =	sdelay $0x3  }
0x37: {  	[smem:$0x3FB6] =	sst s10  }
0x38: {  	s10 =	sld [smem:$0x3FB7]  }
0x39: {  	_ = 	snop;
	(pc) =	sbr.ind lr, $3  }
0x3a: {  	_ = 	snop  }
0x3b: {  	_ = 	snop  }
0x3c: {  	p2 =	seq.s32 s10, $0x1;
	s10 =	sld [smem:$0x3FB6]  }
0x3d: {  	_ =	shalt  }
0x3e: {  	_ =	shalt  }
0x3f: {  	_ =	shalt  }
0x40: {  	_ =	shalt  }
0x41: {  	_ =	shalt  }
0x42: {  	_ =	shalt  }
0x43: {  	_ =	shalt  }
0x44: {  	_ =	shalt  }
0x45: {  	_ =	shalt  }
0x46: {  	_ =	shalt  }
0x47: {  	_ =	shalt  }
0x48: {  	_ =	shalt  }
0x49: {  	_ =	shalt  }
0x4a: {  	_ =	shalt  }
0x4b: {  	_ =	shalt  }
0x4c: {  	_ =	shalt  }
0x4d: {  	_ =	shalt  }
0x4e: {  	_ =	shalt  }
0x4f: {  	_ =	shalt  }
0x50: {  	_ =	shalt  }
0x51: {  	_ =	shalt  }
0x52: {  	_ =	shalt  }
0x53: {  	_ =	shalt  }
0x54: {  	_ =	shalt  }
0x55: {  	_ =	shalt  }
0x56: {  	_ =	shalt  }
0x57: {  	_ =	shalt  }
0x58: {  	_ =	shalt  }
0x59: {  	_ =	shalt  }
0x5a: {  	_ =	shalt  }
0x5b: {  	_ =	shalt  }
0x5c: {  	_ =	shalt  }
0x5d: {  	_ =	shalt  }
0x5e: {  	_ =	shalt  }
0x5f: {  	_ =	shalt  }
0x60: {  	_ =	shalt  }
0x61: {  	_ =	shalt  }
0x62: {  	_ =	shalt  }
0x63: {  	_ =	shalt  }
0x64: {  	_ =	shalt  }
0x65: {  	_ =	shalt  }
0x66: {  	_ =	shalt  }
0x67: {  	_ =	shalt  }
0x68: {  	_ =	shalt  }
0x69: {  	_ =	shalt  }
0x6a: {  	_ =	shalt  }
0x6b: {  	_ =	shalt  }
0x6c: {  	_ =	shalt  }
0x6d: {  	_ =	shalt  }
0x6e: {  	_ =	shalt  }
0x6f: {  	_ =	shalt  }
0x70: {  	_ =	shalt  }
0x71: {  	_ =	shalt  }
0x72: {  	_ =	shalt  }
0x73: {  	_ =	shalt  }
0x74: {  	_ =	shalt  }
0x75: {  	_ =	shalt  }
0x76: {  	_ =	shalt  }
0x77: {  	_ =	shalt  }
0x78: {  	_ =	shalt  }
0x79: {  	_ =	shalt  }
0x7a: {  	_ =	shalt  }
0x7b: {  	_ =	shalt  }
0x7c: {  	_ =	shalt  }
0x7d: {  	_ =	shalt  }
0x7e: {  	_ =	shalt  }
0x7f: {  	_ =	shalt  }
0x80: {  	_ =	shalt  }
0x81: {  	_ =	shalt  }
0x82: {  	_ =	shalt  }
0x83: {  	_ =	shalt  }
0x84: {  	_ =	shalt  }
0x85: {  	_ =	shalt  }
0x86: {  	_ =	shalt  }
0x87: {  	_ =	shalt  }
.Lfunc_end0:
.L_simem_size_0:
called_computation_lowered:
.L_overlay_start_0:
0x88: {  	s2 =	sld [smem:$0x3FD9]  }
0x89: {  	s3 =	sld [smem:$0x3FFE];
	_ =	sdelay $0x1  }
0x8a: {  	s1 =	srdreg.scid  }
0x8b: {  	s0 =	sand.u32 $0x1, s1  }
0x8c: {  	s17 =	sshll.u32 s0, $0xA;
	s2 =	sadd.s32 s3, s2  }
0x8d: {  	s2 =	sadd.s32 s2, s17  }
0x8e: {  	[smem:$0x3FC2] =	sst s2  }
0x8f: {  	_ = 	snop  }
0x90: {  	s2 =	sld [smem:$0x3FD0];
	(tm) =	ssettm $0x1  }
0x91: {  	s18 =	sld [smem:$0x3FFB];
	_ =	sdelay $0x3  }
0x92: {  	_ =	strace s18  }
0x93: {  	s3 =	sld [smem:$0x3FFC];
	_ =	sdelay $0x3  }
0x94: {  	_ =	strace s3  }
0x95: {  	s3 =	sld [smem:$0x3FFD];
	_ =	sdelay $0x3  }
0x96: {  	_ =	strace s3  }
0x97: {  	_ =	strace $0x8FFFFFFF  }
0x98: {  	s19 =	sld [smem:$0x3FDB];
	_ =	sdelay $0x1  }
0x99: {  	s4 =	simm.s32 $_scs_section_size  }
0x9a: {  	s5 =	simm.s32 $_size__tile_overlayer_lowered;
	s6 =	simm.s32 $_tile_overlayer_lowered  }
0x9b: {  	s22 =	simm.s32 $0x1BFF;
	s21 =	sshll.u32 s6, $0x1;
	s3 =	sadd.s32 s4, s19  }
0x9c: {  	s7 =	simm.s32 $0x0;
	s20 =	sshll.u32 s5, $0x1;
	s5 =	sadd.s32 s21, s3  }
0x9d: {  	[timem:s7], [sflag:s22] =	dma.local [hbm:s5], s20  }
0x9e: {  	_ =	swait.ge [sflag:s22], s20  }
0x9f: {  	s4 =	ssub.s32 $0x0, s20;
	[sflag:s22] =	ssyncset.done $0x0  }
0xa0: {  	[sflag:s22] =	ssyncadd.s32 s4;
	_ =	sdelay $0x1  }
0xa1: {  	s23 =	simm.s32 $0x1B8B  }
0xa2: {  	_ =	swait.ge [sflag:s23], $0x1  }
0xa3: {  	[sflag:s23] =	ssyncset.done $0x0  }
0xa4: {  	s25 =	simm.s32 $0x1B8E;
	s24 =	sld [smem:$0x3FFE];
	[sflag:s23] =	ssyncadd.s32 $0xFFFFFFFF  }
0xa5: {  	s26 =	simm.s32 $execute0_lowered;
	[smem:$0x3FD2] =	sst s25  }
0xa6: {  	s5 =	sshll.u32 s26, $0x1;
	_ =	strace $0x80000046;
	[dreg:$0x1] =	wrdreg $0xFFFFFFFF  }
0xa7: {  	s28 =	simm.s32 $_size_execute0_lowered;
	s3 =	sadd.s32 s3, s5;
	[dreg:$0x0] =	wrdreg $0x0  }
0xa8: {  	s5 =	sshll.u32 s28, $0x1;
	[dreg:$0x2] =	wrdreg s3  }
0xa9: {  	[dreg:$0x3] =	wrdreg s5  }
0xaa: {  	[dreg:$0x4] =	wrdreg $0xC0  }
0xab: {  	_ =	task [dreg:s7], $0x5FFFF  }
0xac: {  	[dreg:$0x1] =	wrdreg $0xFFFFFFFF  }
0xad: {  	[dreg:$0x0] =	wrdreg $0x60  }
0xae: {  	[dreg:$0x2] =	wrdreg s24  }
0xaf: {  	[dreg:$0x3] =	wrdreg s2  }
0xb0: {  	[dreg:$0x4] =	wrdreg $0x9  }
0xb1: {  	_ =	task.clear_ibuf [dreg:s7], $0x5FFFF;
	_ =	strace $0x90000046  }
0xb2: {  	s29 =	simm.s32 $0x9;
	_ =	strace $0x80000048  }
0xb3: {  	_ =	swait.ge [sflag:s29], $0x1  }
0xb4: {  	[sflag:s29] =	ssyncadd.s32 $0xFFFFFFFF  }
0xb5: {  	_ =	strace $0x90000048  }
0xb6: {  	_ =	sfence  }
0xb7: {  	s30 =	sld [smem:$0x0];
	_ =	sdelay $0x2  }
0xb8: {  	s31 =	sshll.u32 s1, $0xD;
	s1 =	sshrl.u32 s1, $0x2  }
0xb9: {  	s3 =	sand.u32 $0x4000, s31;
	s1 =	sadd.s32 s1, s30  }
0xba: {  	s0 =	sor.u32 s3, s0;
	s1 =	sshll.u32 s1, $0x11  }
0xbb: {  	s0 =	sor.u32 s1, s0  }
0xbc: {  	s0 =	sadd.s32 $0x8F2B, s0  }
0xbd: {  	[sflag:s0] =	ssyncadd.remote.s32 $0x1  }
0xbe: {  	_ =	sfence.sel $0xFFFF  }
0xbf: {  	[dreg:$0x0] =	wrdreg $0xFFFFFFFF;
	(pc) =	sbr.abs _section_cstart, $3  }
0xc0: {  	[dreg:$0x1] =	wrdreg $0xFFFFFFFF  }
0xc1: {  	_ =	task.clear_ibuf [dreg:s7], $0x2FFFF;
	_ =	strace $0x9FFFFFFF  }
0xc2: {  	(tm) =	ssettm $0x7FFFFFFF  }
0xc3: {  	_ =	shalt  }
tec
execute0_lowered:
.L_overlay_start_1:
0x0: {  	(tag) =	ssettag $0x1  }
0x1: {  	s0 =	rddreg [dreg:$0x0]  }
0x2: {  	s2 =	rddreg [dreg:$0x1]  }
0x3: {  	s3 =	simm.s32 $0x0;
	s1 =	srdreg.scid;
	s4 =	stileid.u32  }
0x4: {  	s18 =	simm.s32 $0x1;
	s19 =	simm.s32 $0x80;
	s28 =	simm.s32 $0x6400  }
0x5: {  	s29 =	simm.s32 $0x2;
	s30 =	simm.s32 $0x4;
	s31 =	simm.s32 $0x8400  }
0x6: {  	s15 =	simm.s32 $0x0;
	[smem:$0x7FF] =	sst s3;
	s1 =	sand.u32 $0x1, s1  }
0x7: {  	s5 =	sshll.u32 s4, $0x1;
	s4 =	sadd.s32 $0x2C00, s0;
	s7 =	sadd.s32 $0x34C00, s0  }
0x8: {  	s8 =	sadd.s32 $0x4DC00, s0;
	s10 =	sor.u32 s1, s5;
	s1 =	ssub.s32 $0x2, s1  }
0x9: {  	s9 =	sadd.s32 $0xC00, s0;
	s6 =	smul.u32 $0x6400, s10;
	s11 =	sshrl.u32 s1, $0x1  }
0xa: {  	_ =	strace $0x80000047;
	s5 =	sadd.s32 $0x1BC00, s0;
	s23 =	ssub.s32 s1, s11  }
0xb: {  	s13 =	smul.u32 $0x320000, s10;
	s24 =	sshrl.u32 s6, $0x3;
	s0 =	smax.u32 s23, $0x1  }
0xc: {  	s10 =	simm.s32 $0xC400;
	s25 =	sadd.s32 s4, s24;
	[dreg:$0x6] =	wrdreg s0  }
0xd: {  	s14 =	sor.u32 $0x100, s6;
	s26 =	sadd.s32 s5, s24;
	[dreg:$0x3] =	wrdreg s25  }
0xe: {  	s23 =	simm.s32 $0x180;
	s1 =	sadd.s32 s7, s24;
	[dreg:$0x4] =	wrdreg s26  }
0xf: {  	s24 =	simm.s32 $0x280;
	s0 =	simm.s32 $0x3;
	[dreg:$0x5] =	wrdreg s1  }
0x10: {  	s25 =	simm.s32 $0x2400;
	s26 =	simm.s32 $0x380;
	s1 =	simm.s32 $0x5  }
.LBB2_1:
0x11: {  	[dreg:$0x7] =	wrdreg s15  }
0x12: {  	s11 =	rddreg [dreg:$0x3]  }
0x13: {  	[tilespmem:s3], [sflag:$0x1] =	stream.linear.gather [hbm4b:s11+s3], $0x80, $0x38;
	[tilespmem:$0x10400] =	vst v63  }
0x14: {  	s15 =	rddreg [dreg:$0x4];
	s12 =	simm.s32 $0x100  }
0x15: {  	[tilespmem:s12], [sflag:$0x1] =	stream.linear.gather [hbm4b:s15+s3], $0x80, $0x38;
	[tilespmem:$0x10400] =	vst v63  }
0x16: {  	s16 =	rddreg [dreg:$0x5];
	s17 =	simm.s32 $0x200  }
0x17: {  	[tilespmem:s17], [sflag:$0x1] =	stream.linear.gather [hbm4b:s16+s3], $0x80, $0x38;
	[tilespmem:$0x10400] =	vst v63  }
0x18: {  	_ =	swait.ge [sflag:s18], $0x80  }
0x19: {  	[sflag:s18] =	ssyncset.done $0x0  }
0x1a: {  	[sflag:s18] =	ssyncadd.s32 $0xFFFFFF80  }
0x1b: {  	_ =	swait.ge [sflag:s18], $0x80  }
0x1c: {  	[sflag:s18] =	ssyncset.done $0x0  }
0x1d: {  	[sflag:s18] =	ssyncadd.s32 $0xFFFFFF80  }
0x1e: {  	_ =	swait.ge [sflag:s18], $0x80  }
0x1f: {  	[sflag:s18] =	ssyncset.done $0x0  }
0x20: {  	[sflag:s18] =	ssyncadd.s32 $0xFFFFFF80  }
0x21: {  	v0 =	vld [tilespmem:$0x200]  }
0x22: {  	v1 =	vld [tilespmem:$0x100]  }
0x23: {  	v2 =	vld [tilespmem:$0x210]  }
0x24: {  	v3 =	vld [tilespmem:$0x110]  }
0x25: {  	v4 =	vld [tilespmem:$0x220]  }
0x26: {  	v5 =	vld [tilespmem:$0x120]  }
0x27: {  	v6 =	vld [tilespmem:$0x230]  }
0x28: {  	v7 =	vld [tilespmem:$0x130]  }
0x29: {  	v8 =	vld [tilespmem:$0x240]  }
0x2a: {  	v9 =	vld [tilespmem:$0x140]  }
0x2b: {  	v10 =	vld [tilespmem:$0x250]  }
0x2c: {  	v11 =	vld [tilespmem:$0x150]  }
0x2d: {  	v12 =	vld [tilespmem:$0x260];
	v0 =	vshll.u32 v0, $0x9  }
0x2e: {  	v48 =	vld [tilespmem:$0x160];
	v47 =	vshll.u32 v2, $0x9;
	v0 =	vadd.s32 v1, v0  }
0x2f: {  	v51 =	vld [tilespmem:$0x270];
	v50 =	vshll.u32 v4, $0x9;
	v49 =	vadd.s32 v3, v47;
	[tilespmem:$0x300] =	vst v0  }
0x30: {  	v54 =	vld [tilespmem:$0x170];
	v53 =	vshll.u32 v6, $0x9;
	v52 =	vadd.s32 v5, v50;
	[tilespmem:$0x310] =	vst v49  }
0x31: {  	v56 =	vshll.u32 v8, $0x9;
	v55 =	vadd.s32 v7, v53;
	[tilespmem:$0x320] =	vst v52  }
0x32: {  	v58 =	vshll.u32 v10, $0x9;
	v57 =	vadd.s32 v9, v56;
	[tilespmem:$0x330] =	vst v55  }
0x33: {  	v60 =	vshll.u32 v12, $0x9;
	v59 =	vadd.s32 v11, v58;
	[tilespmem:$0x340] =	vst v57  }
0x34: {  	v62 =	vshll.u32 v51, $0x9;
	v61 =	vadd.s32 v48, v60;
	[tilespmem:$0x350] =	vst v59  }
0x35: {  	v63 =	vadd.s32 v54, v62;
	[tilespmem:$0x360] =	vst v61  }
0x36: {  	s20 =	simm.s32 $0x400;
	[tilespmem:$0x370] =	vst v63  }
0x37: {  	[tilespmem:s20], [sflag:$0x2] =	stream.indirect.gather [hbm4b:s8+s19], $0x40, s3, s19, $0xb8;
	[tilespmem:$0x10400] =	vst v63  }
0x38: {  	s21 =	simm.s32 $0x300;
	s22 =	simm.s32 $0x4400;
	s11 =	simm.s32 $0x0  }
0x39: {  	[tilespmem:s22], [sflag:$0x4] =	stream.indirect.gather [hbm4b:s9+s19], $0x40, s21, s19, $0xb8;
	[tilespmem:$0x10400] =	vst v63  }
.LBB2_2:
0x3a: {  	s15 =	sshll.u32 s11, $0x8  }
0x3b: {  	s12 =	sadd.s32 s15, s6  }
0x3c: {  	s12 =	sadd.s32 $0x80, s12  }
0x3d: {  	s16 =	sshrl.u32 s12, $0x3  }
0x3e: {  	s17 =	sadd.s32 s4, s16  }
0x3f: {  	[tilespmem:s19], [sflag:$0x1] =	stream.linear.gather [hbm4b:s17+s3], $0x80, $0x38;
	[tilespmem:$0x10400] =	vst v63  }
0x40: {  	s22 =	sadd.s32 s5, s16  }
0x41: {  	[tilespmem:s23], [sflag:$0x1] =	stream.linear.gather [hbm4b:s22+s3], $0x80, $0x38;
	[tilespmem:$0x10400] =	vst v63  }
0x42: {  	s16 =	sadd.s32 s7, s16  }
0x43: {  	[tilespmem:s24], [sflag:$0x1] =	stream.linear.gather [hbm4b:s16+s3], $0x80, $0x38;
	[tilespmem:$0x10400] =	vst v63  }
0x44: {  	_ =	swait.ge [sflag:s18], $0x80  }
0x45: {  	[sflag:s18] =	ssyncset.done $0x0  }
0x46: {  	[sflag:s18] =	ssyncadd.s32 $0xFFFFFF80  }
0x47: {  	_ =	swait.ge [sflag:s18], $0x80  }
0x48: {  	[sflag:s18] =	ssyncset.done $0x0  }
0x49: {  	[sflag:s18] =	ssyncadd.s32 $0xFFFFFF80  }
0x4a: {  	_ =	swait.ge [sflag:s18], $0x80  }
0x4b: {  	[sflag:s18] =	ssyncset.done $0x0  }
0x4c: {  	[sflag:s18] =	ssyncadd.s32 $0xFFFFFF80  }
0x4d: {  	v0 =	vld [tilespmem:$0x280]  }
0x4e: {  	v1 =	vld [tilespmem:$0x180]  }
0x4f: {  	v2 =	vld [tilespmem:$0x290]  }
0x50: {  	v3 =	vld [tilespmem:$0x190]  }
0x51: {  	v4 =	vld [tilespmem:$0x2A0]  }
0x52: {  	v5 =	vld [tilespmem:$0x1A0]  }
0x53: {  	v6 =	vld [tilespmem:$0x2B0]  }
0x54: {  	v7 =	vld [tilespmem:$0x1B0]  }
0x55: {  	v8 =	vld [tilespmem:$0x2C0]  }
0x56: {  	v9 =	vld [tilespmem:$0x1C0]  }
0x57: {  	v10 =	vld [tilespmem:$0x2D0]  }
0x58: {  	v11 =	vld [tilespmem:$0x1D0]  }
0x59: {  	v12 =	vld [tilespmem:$0x2E0];
	v0 =	vshll.u32 v0, $0x9  }
0x5a: {  	v0 =	vadd.s32 v1, v0;
	v1 =	vshll.u32 v2, $0x9;
	v2 =	vld [tilespmem:$0x1E0]  }
0x5b: {  	[tilespmem:$0x380] =	vst v0;
	v0 =	vadd.s32 v3, v1;
	v1 =	vshll.u32 v4, $0x9;
	v3 =	vld [tilespmem:$0x2F0]  }
0x5c: {  	v4 =	vld [tilespmem:$0x1F0];
	[tilespmem:$0x390] =	vst v0;
	v0 =	vadd.s32 v5, v1;
	v1 =	vshll.u32 v6, $0x9  }
0x5d: {  	[tilespmem:$0x3A0] =	vst v0;
	v0 =	vadd.s32 v7, v1;
	v1 =	vshll.u32 v8, $0x9  }
0x5e: {  	[tilespmem:$0x3B0] =	vst v0;
	v0 =	vadd.s32 v9, v1;
	v1 =	vshll.u32 v10, $0x9  }
0x5f: {  	[tilespmem:$0x3C0] =	vst v0;
	v0 =	vadd.s32 v11, v1;
	v1 =	vshll.u32 v12, $0x9  }
0x60: {  	[tilespmem:$0x3D0] =	vst v0;
	v0 =	vadd.s32 v2, v1;
	v1 =	vshll.u32 v3, $0x9  }
0x61: {  	[tilespmem:$0x3E0] =	vst v0;
	v0 =	vadd.s32 v4, v1  }
0x62: {  	[tilespmem:$0x3F0] =	vst v0  }
0x63: {  	[tilespmem:s25], [sflag:$0x3] =	stream.indirect.gather [hbm4b:s8+s19], $0x40, s19, s19, $0xb8;
	[tilespmem:$0x10400] =	vst v63  }
0x64: {  	_ = 	snop  }
0x65: {  	[tilespmem:s28], [sflag:$0x5] =	stream.indirect.gather [hbm4b:s9+s19], $0x40, s26, s19, $0xb8;
	[tilespmem:$0x10400] =	vst v63  }
0x66: {  	_ =	swait.ge [sflag:s29], $0x2000  }
0x67: {  	[sflag:s29] =	ssyncset.done $0x0  }
0x68: {  	[sflag:s29] =	ssyncadd.s32 $0xFFFFE000  }
0x69: {  	_ =	swait.ge [sflag:s30], $0x2000  }
0x6a: {  	p0 =	seq.s32 s11, $0x0;
	[sflag:s30] =	ssyncset.done $0x0  }
0x6b: {  	s16 =	simm.s32 @!p0 $0x6;
	[sflag:s30] =	ssyncadd.s32 $0xFFFFE000  }
0x6c: {  	_ =	swait.ge @!p0 [sflag:s16], $0x4000  }
0x6d: {  	[sflag:s16] =	ssyncset.done @!p0 $0x0  }
0x6e: {  	s20 =	simm.s32 $0x500;
	[sflag:s16] =	ssyncadd.s32 @!p0 $0xFFFFC000  }
0x6f: {  	s17 =	simm.s32 $0x4500;
	v0 =	vld [tilespmem:s20+$0xC0]  }
0x70: {  	v1 =	vld [tilespmem:s17+$0xC0]  }
0x71: {  	v2 =	vld [tilespmem:s17+$0xFFFFFF00]  }
0x72: {  	v5 =	vld [tilespmem:s20+$0xFFFFFF80]  }
0x73: {  	v3 =	vld [tilespmem:s20+$0xFFFFFF40]  }
0x74: {  	v4 =	vld [tilespmem:s17+$0xFFFFFF40]  }
0x75: {  	v6 =	vld [tilespmem:s17+$0xFFFFFF80]  }
0x76: {  	v9 =	vld [tilespmem:s20+$0xFFFFFFC0];
	v7 =	vshll.u32 v0, $0x10;
	v8 =	vshll.u32 v1, $0x10;
	v0 =	vand.u32 $0xFFFF0000, v0  }
0x77: {  	v10 =	vld [tilespmem:s17+$0xFFFFFFC0];
	v1 =	vand.u32 $0xFFFF0000, v1;
	v12 =	vshll.u32 v5, $0x10;
	v7 =	vadd.f32 v8, v7  }
0x78: {  	s16 =	simm.s32 $0x8600;
	v11 =	vld [tilespmem:s20+$0x0];
	v8 =	vshll.u32 v2, $0x10;
	v0 =	vadd.f32 v1, v0;
	v1 =	vand.u32 $0xFFFF0000, v2  }
0x79: {  	v13 =	vld [tilespmem:s17+$0x0];
	v2 =	vshll.u32 v3, $0x10;
	v3 =	vand.u32 $0xFFFF0000, v3;
	[tilespmem:s16+$0x180] =	vst v7;
	v7 =	vshll.u32 v4, $0x10  }
0x7a: {  	v15 =	vld [tilespmem:s20+$0x40];
	v4 =	vand.u32 $0xFFFF0000, v4;
	[tilespmem:s16+$0x1C0] =	vst v0;
	v0 =	vand.u32 $0xFFFF0000, v5;
	v2 =	vadd.f32 v7, v2  }
0x7b: {  	v5 =	vshll.u32 v6, $0x10;
	v6 =	vand.u32 $0xFFFF0000, v6;
	v7 =	vld [tilespmem:s20+$0xD0];
	v3 =	vadd.f32 v4, v3  }
0x7c: {  	v4 =	vshll.u32 v9, $0x10;
	v14 =	vld [tilespmem:s17+$0xD0];
	v5 =	vadd.f32 v5, v12;
	v12 =	vshll.u32 v10, $0x10;
	[tilespmem:s16+$0xFFFFFE80] =	vst v2  }
0x7d: {  	v9 =	vand.u32 $0xFFFF0000, v9;
	v0 =	vadd.f32 v6, v0;
	v4 =	vadd.f32 v12, v4;
	v12 =	vld [tilespmem:s20+$0x80];
	[tilespmem:s16+$0xFFFFFEC0] =	vst v3  }
0x7e: {  	v6 =	vshll.u32 v11, $0x10;
	v2 =	vand.u32 $0xFFFF0000, v10;
	v10 =	vld [tilespmem:s17+$0x40];
	v3 =	vand.u32 $0xFFFF0000, v11;
	[tilespmem:s16+$0xFFFFFF00] =	vst v5  }
0x7f: {  	v11 =	vshll.u32 v13, $0x10;
	v5 =	vand.u32 $0xFFFF0000, v13;
	[tilespmem:s16+$0xFFFFFF40] =	vst v0;
	v0 =	vld [tilespmem:s20+$0xFFFFFF00];
	v2 =	vadd.f32 v2, v9  }
0x80: {  	v6 =	vadd.f32 v11, v6;
	v9 =	vld [tilespmem:s17+$0x80];
	v3 =	vadd.f32 v5, v3;
	[tilespmem:s16+$0xFFFFFF80] =	vst v4  }
0x81: {  	v4 =	vld [tilespmem:s20+$0xFFFFFF50];
	v5 =	vshll.u32 v7, $0x10;
	v11 =	vshll.u32 v14, $0x10;
	v7 =	vand.u32 $0xFFFF0000, v7;
	[tilespmem:s16+$0xFFFFFFC0] =	vst v2  }
0x82: {  	v13 =	vand.u32 $0xFFFF0000, v14;
	v2 =	vld [tilespmem:s17+$0xFFFFFF50];
	v14 =	vand.u32 $0xFFFF0000, v15;
	[tilespmem:s16+$0x0] =	vst v6;
	v5 =	vadd.f32 v11, v5  }
0x83: {  	[tilespmem:s16+$0x40] =	vst v3;
	v11 =	vshll.u32 v15, $0x10;
	v7 =	vadd.f32 v13, v7;
	v13 =	vld [tilespmem:s20+$0xFFFFFF90];
	v16 =	vshll.u32 v12, $0x10  }
0x84: {  	v12 =	vand.u32 $0xFFFF0000, v12;
	v15 =	vshll.u32 v10, $0x10;
	v6 =	vshll.u32 v0, $0x10;
	[tilespmem:s16+$0x190] =	vst v5;
	v5 =	vld [tilespmem:s17+$0xFFFFFF90]  }
0x85: {  	v10 =	vand.u32 $0xFFFF0000, v10;
	[tilespmem:s16+$0x1D0] =	vst v7;
	v7 =	vadd.f32 v15, v11;
	v3 =	vadd.f32 v8, v6;
	v8 =	vld [tilespmem:s20+$0xFFFFFFD0]  }
0x86: {  	v0 =	vand.u32 $0xFFFF0000, v0;
	v17 =	vshll.u32 v9, $0x10;
	v9 =	vand.u32 $0xFFFF0000, v9;
	v11 =	vld [tilespmem:s20+$0xE0]  }
0x87: {  	v0 =	vadd.f32 v1, v0;
	v1 =	vshll.u32 v4, $0x10;
	v4 =	vand.u32 $0xFFFF0000, v4;
	v6 =	vld [tilespmem:s17+$0xE0];
	[tilespmem:s16+$0x80] =	vst v7  }
0x88: {  	v15 =	vld [tilespmem:s20+$0x10];
	v9 =	vadd.f32 v9, v12;
	v7 =	vadd.f32 v10, v14;
	[tilespmem:s16+$0xFFFFFE00] =	vst v3;
	v3 =	vshll.u32 v2, $0x10  }
0x89: {  	v10 =	vadd.f32 v17, v16;
	v2 =	vand.u32 $0xFFFF0000, v2;
	[tilespmem:s16+$0xFFFFFE40] =	vst v0;
	v1 =	vadd.f32 v3, v1  }
0x8a: {  	v14 =	vld [tilespmem:s17+$0xFFFFFFD0];
	v0 =	vshll.u32 v13, $0x10;
	v12 =	vand.u32 $0xFFFF0000, v13;
	v2 =	vadd.f32 v2, v4;
	[tilespmem:s16+$0x140] =	vst v9  }
0x8b: {  	v16 =	vld [tilespmem:s20+$0xFFFFFF10];
	v13 =	vshll.u32 v5, $0x10;
	v3 =	vand.u32 $0xFFFF0000, v5;
	[tilespmem:s16+$0xFFFFFE90] =	vst v1;
	v1 =	vshll.u32 v8, $0x10  }
0x8c: {  	v4 =	vld [tilespmem:s17+$0xFFFFFF10];
	[tilespmem:s16+$0xC0] =	vst v7;
	v0 =	vadd.f32 v13, v0;
	v5 =	vshll.u32 v11, $0x10;
	v7 =	vshll.u32 v6, $0x10  }
0x8d: {  	[tilespmem:s16+$0x100] =	vst v10;
	v10 =	vld [tilespmem:s17+$0x10];
	v9 =	vand.u32 $0xFFFF0000, v11;
	v6 =	vand.u32 $0xFFFF0000, v6;
	v13 =	vshll.u32 v15, $0x10  }
0x8e: {  	v17 =	vld [tilespmem:s20+$0x90];
	[tilespmem:s16+$0xFFFFFED0] =	vst v2;
	v2 =	vadd.f32 v3, v12;
	v5 =	vadd.f32 v7, v5;
	v7 =	vand.u32 $0xFFFF0000, v8  }
0x8f: {  	v8 =	vld [tilespmem:s20+$0x50];
	v6 =	vadd.f32 v6, v9;
	v9 =	vshll.u32 v14, $0x10;
	v11 =	vand.u32 $0xFFFF0000, v14;
	[tilespmem:s16+$0xFFFFFF10] =	vst v0  }
0x90: {  	v15 =	vand.u32 $0xFFFF0000, v15;
	v14 =	vld [tilespmem:s17+$0x50];
	v1 =	vadd.f32 v9, v1;
	v7 =	vadd.f32 v11, v7;
	[tilespmem:s16+$0x1A0] =	vst v5  }
0x91: {  	v12 =	vld [tilespmem:s17+$0x90];
	v5 =	vshll.u32 v16, $0x10;
	v16 =	vand.u32 $0xFFFF0000, v16;
	[tilespmem:s16+$0x1E0] =	vst v6;
	v6 =	vshll.u32 v4, $0x10  }
0x92: {  	[tilespmem:s16+$0xFFFFFF50] =	vst v2;
	v4 =	vand.u32 $0xFFFF0000, v4;
	v0 =	vshll.u32 v10, $0x10;
	v3 =	vld [tilespmem:s20+$0xF0];
	v5 =	vadd.f32 v6, v5  }
0x93: {  	v6 =	vand.u32 $0xFFFF0000, v10;
	v10 =	vld [tilespmem:s17+$0xF0];
	v4 =	vadd.f32 v4, v16;
	v11 =	vshll.u32 v17, $0x10;
	[tilespmem:s16+$0xFFFFFF90] =	vst v1  }
0x94: {  	v16 =	vand.u32 $0xFFFF0000, v17;
	v1 =	vadd.f32 v0, v13;
	v6 =	vadd.f32 v6, v15;
	[tilespmem:s16+$0xFFFFFE10] =	vst v5;
	v5 =	vld [tilespmem:s20+$0xFFFFFF60]  }
0x95: {  	v2 =	vshll.u32 v8, $0x10;
	v8 =	vand.u32 $0xFFFF0000, v8;
	v9 =	vshll.u32 v14, $0x10;
	[tilespmem:s16+$0xFFFFFE50] =	vst v4;
	v4 =	vld [tilespmem:s17+$0xFFFFFF60]  }
0x96: {  	v14 =	vand.u32 $0xFFFF0000, v14;
	[tilespmem:s16+$0x10] =	vst v1;
	v1 =	vshll.u32 v12, $0x10;
	v17 =	vld [tilespmem:s20+$0xFFFFFF20];
	v2 =	vadd.f32 v9, v2  }
0x97: {  	v12 =	vand.u32 $0xFFFF0000, v12;
	v13 =	vld [tilespmem:s17+$0xFFFFFF20];
	[tilespmem:s16+$0x50] =	vst v6;
	v6 =	vadd.f32 v14, v8;
	v1 =	vadd.f32 v1, v11  }
0x98: {  	[tilespmem:s16+$0xFFFFFFD0] =	vst v7;
	v9 =	vld [tilespmem:s20+$0xFFFFFFA0];
	v0 =	vshll.u32 v3, $0x10;
	v3 =	vand.u32 $0xFFFF0000, v3;
	v7 =	vand.u32 $0xFFFF0000, v10  }
0x99: {  	v15 =	vld [tilespmem:s17+$0xFFFFFFA0];
	v12 =	vadd.f32 v12, v16;
	[tilespmem:s16+$0x90] =	vst v2;
	v3 =	vadd.f32 v7, v3  }
0x9a: {  	v11 =	vld [tilespmem:s20+$0xFFFFFFE0];
	[tilespmem:s16+$0xD0] =	vst v6;
	v7 =	vshll.u32 v5, $0x10;
	v5 =	vand.u32 $0xFFFF0000, v5;
	v8 =	vshll.u32 v4, $0x10  }
0x9b: {  	v16 =	vld [tilespmem:s17+$0xFFFFFFE0];
	v4 =	vand.u32 $0xFFFF0000, v4;
	[tilespmem:s16+$0x1F0] =	vst v3;
	v3 =	vshll.u32 v17, $0x10;
	v14 =	vand.u32 $0xFFFF0000, v17  }
0x9c: {  	[tilespmem:s16+$0x110] =	vst v1;
	v2 =	vshll.u32 v13, $0x10;
	v13 =	vand.u32 $0xFFFF0000, v13;
	v7 =	vadd.f32 v8, v7;
	v8 =	vld [tilespmem:s20+$0x20]  }
0x9d: {  	[tilespmem:s16+$0x150] =	vst v12;
	v6 =	vand.u32 $0xFFFF0000, v9;
	v2 =	vadd.f32 v2, v3;
	v3 =	vshll.u32 v9, $0x10;
	v9 =	vld [tilespmem:s17+$0x20]  }
0x9e: {  	v1 =	vadd.f32 v13, v14;
	v13 =	vshll.u32 v15, $0x10;
	v14 =	vand.u32 $0xFFFF0000, v15;
	v15 =	vld [tilespmem:s20+$0x60];
	[tilespmem:s16+$0xFFFFFEA0] =	vst v7  }
0x9f: {  	[tilespmem:s16+$0xFFFFFE20] =	vst v2;
	v2 =	vadd.f32 v4, v5;
	v4 =	vshll.u32 v11, $0x10;
	v5 =	vand.u32 $0xFFFF0000, v11;
	v11 =	vld [tilespmem:s17+$0x60]  }
0xa0: {  	v12 =	vand.u32 $0xFFFF0000, v16;
	v6 =	vadd.f32 v14, v6;
	[tilespmem:s16+$0xFFFFFE60] =	vst v1;
	v1 =	vadd.f32 v13, v3;
	v13 =	vld [tilespmem:s20+$0xA0]  }
0xa1: {  	v14 =	vld [tilespmem:s17+$0xA0];
	v3 =	vshll.u32 v16, $0x10;
	v7 =	vshll.u32 v8, $0x10;
	v8 =	vand.u32 $0xFFFF0000, v8;
	[tilespmem:s16+$0xFFFFFEE0] =	vst v2  }
0xa2: {  	v16 =	vld [tilespmem:s20+$0xFFFFFF30];
	v2 =	vadd.f32 v3, v4;
	[tilespmem:s16+$0xFFFFFF20] =	vst v1;
	v1 =	vadd.f32 v12, v5;
	v3 =	vshll.u32 v9, $0x10  }
0xa3: {  	[tilespmem:s16+$0xFFFFFF60] =	vst v6;
	v4 =	vand.u32 $0xFFFF0000, v9;
	v9 =	vld [tilespmem:s17+$0xFFFFFF30];
	v5 =	vshll.u32 v15, $0x10;
	v12 =	vand.u32 $0xFFFF0000, v15  }
0xa4: {  	v15 =	vld [tilespmem:s20+$0xFFFFFF70];
	v3 =	vadd.f32 v3, v7;
	[tilespmem:s16+$0xFFFFFFA0] =	vst v2;
	v2 =	vadd.f32 v4, v8;
	v6 =	vshll.u32 v11, $0x10  }
0xa5: {  	v17 =	vld [tilespmem:s17+$0xFFFFFFB0];
	v7 =	vand.u32 $0xFFFF0000, v11;
	v4 =	vshll.u32 v13, $0x10;
	v8 =	vand.u32 $0xFFFF0000, v13  }
0xa6: {  	[tilespmem:s16+$0xFFFFFFE0] =	vst v1;
	v11 =	vld [tilespmem:s17+$0xFFFFFF70];
	v1 =	vadd.f32 v6, v5;
	v5 =	vshll.u32 v14, $0x10;
	v6 =	vand.u32 $0xFFFF0000, v14  }
0xa7: {  	v13 =	vld [tilespmem:s20+$0xFFFFFFB0];
	v14 =	vshll.u32 v16, $0x10;
	[tilespmem:s16+$0x20] =	vst v3;
	v3 =	vadd.f32 v7, v12;
	v4 =	vadd.f32 v5, v4  }
0xa8: {  	v12 =	vld [tilespmem:s20+$0xFFFFFFF0];
	[tilespmem:s16+$0x60] =	vst v2;
	v5 =	vand.u32 $0xFFFF0000, v16;
	v2 =	vadd.f32 v6, v8;
	v7 =	vshll.u32 v9, $0x10  }
0xa9: {  	v6 =	vand.u32 $0xFFFF0000, v9;
	v8 =	vshll.u32 v15, $0x10;
	v9 =	vand.u32 $0xFFFF0000, v15;
	v15 =	vld [tilespmem:s17+$0xFFFFFFF0];
	[tilespmem:s16+$0xA0] =	vst v1  }
0xaa: {  	v18 =	vld [tilespmem:s20+$0x30];
	[tilespmem:s16+$0xE0] =	vst v3;
	v1 =	vshll.u32 v10, $0x10;
	v10 =	vshll.u32 v17, $0x10;
	v17 =	vand.u32 $0xFFFF0000, v17  }
0xab: {  	v19 =	vld [tilespmem:s17+$0x30];
	v3 =	vadd.f32 v7, v14;
	[tilespmem:s16+$0x120] =	vst v4;
	v5 =	vadd.f32 v6, v5;
	v16 =	vshll.u32 v11, $0x10  }
0xac: {  	[tilespmem:s16+$0x160] =	vst v2;
	v2 =	vld [tilespmem:s20+$0x70];
	v11 =	vand.u32 $0xFFFF0000, v11;
	v7 =	vshll.u32 v13, $0x10;
	v13 =	vand.u32 $0xFFFF0000, v13  }
0xad: {  	v4 =	vld [tilespmem:s17+$0x70];
	[tilespmem:s16+$0xFFFFFE30] =	vst v3;
	v14 =	vadd.f32 v16, v8;
	v8 =	vshll.u32 v12, $0x10;
	v6 =	vand.u32 $0xFFFF0000, v12  }
0xae: {  	[tilespmem:s16+$0xFFFFFE70] =	vst v5;
	v11 =	vadd.f32 v11, v9;
	v3 =	vld [tilespmem:s20+$0xB0];
	v12 =	vshll.u32 v15, $0x10;
	v9 =	vand.u32 $0xFFFF0000, v15  }
0xaf: {  	v5 =	vld [tilespmem:s17+$0xB0];
	[tilespmem:s16+$0xFFFFFEB0] =	vst v14;
	v14 =	vadd.f32 v10, v7;
	v10 =	vshll.u32 v18, $0x10;
	v7 =	vand.u32 $0xFFFF0000, v18  }
0xb0: {  	s21 =	simm.s32 $0x0;
	s22 =	simm.s32 $0x700;
	s20 =	simm.s32 $0x8600;
	[tilespmem:s16+$0xFFFFFEF0] =	vst v11;
	v15 =	vadd.f32 v17, v13;
	v13 =	vshll.u32 v19, $0x10;
	v11 =	vand.u32 $0xFFFF0000, v19  }
.LBB2_3:
0xb1: {  	v16 =	vld [tilespmem:s22+$0xC0];
	[tilespmem:s16+$0xFFFFFF30] =	vst v14;
	v8 =	vadd.f32 v12, v8;
	v12 =	vshll.u32 v2, $0x10;
	v2 =	vand.u32 $0xFFFF0000, v2;
	s17 =	sadd.s32 $0x200, s17  }
0xb2: {  	v6 =	vadd.f32 v9, v6;
	v14 =	vld [tilespmem:s17+$0xC0];
	[tilespmem:s16+$0xFFFFFF70] =	vst v15;
	v9 =	vshll.u32 v4, $0x10;
	v4 =	vand.u32 $0xFFFF0000, v4  }
0xb3: {  	v15 =	vld [tilespmem:s17+$0xFFFFFF00];
	[tilespmem:s16+$0xFFFFFFB0] =	vst v8;
	v8 =	vadd.f32 v13, v10;
	v10 =	vshll.u32 v3, $0x10;
	v3 =	vand.u32 $0xFFFF0000, v3  }
0xb4: {  	v13 =	vld [tilespmem:s22+$0xFFFFFF40];
	[tilespmem:s16+$0xFFFFFFF0] =	vst v6;
	v6 =	vadd.f32 v11, v7;
	v7 =	vshll.u32 v5, $0x10;
	v5 =	vand.u32 $0xFFFF0000, v5  }
0xb5: {  	v2 =	vadd.f32 v4, v2;
	v11 =	vld [tilespmem:s17+$0xFFFFFF40];
	[tilespmem:s16+$0x30] =	vst v8;
	v8 =	vadd.f32 v9, v12  }
0xb6: {  	v3 =	vadd.f32 v5, v3;
	v4 =	vld [tilespmem:s22+$0xFFFFFF80];
	[tilespmem:s16+$0x70] =	vst v6;
	v6 =	vadd.f32 v7, v10  }
0xb7: {  	v0 =	vadd.f32 v1, v0;
	v7 =	vshll.u32 v16, $0x10;
	v5 =	vld [tilespmem:s17+$0xFFFFFF80];
	v9 =	vshll.u32 v14, $0x10;
	[tilespmem:s16+$0xB0] =	vst v8  }
0xb8: {  	s21 =	sadd.s32 $0x8, s21;
	v8 =	vand.u32 $0xFFFF0000, v16;
	v10 =	vand.u32 $0xFFFF0000, v14;
	v1 =	vld [tilespmem:s22+$0xFFFFFFC0];
	v7 =	vadd.f32 v9, v7;
	[tilespmem:s16+$0xF0] =	vst v2  }
0xb9: {  	p1 =	slt.u32 s21, $0x78;
	v2 =	vshll.u32 v15, $0x10;
	v9 =	vand.u32 $0xFFFF0000, v15;
	v8 =	vadd.f32 v10, v8;
	s16 =	sadd.s32 $0x400, s16;
	v12 =	vld [tilespmem:s17+$0xFFFFFFC0];
	[tilespmem:s20+$0x130] =	vst v6  }
0xba: {  	v6 =	vshll.u32 v13, $0x10;
	v10 =	vand.u32 $0xFFFF0000, v13;
	v13 =	vshll.u32 v11, $0x10;
	v14 =	vld [tilespmem:s22+$0x0];
	[tilespmem:s16+$0x180] =	vst v7  }
0xbb: {  	v7 =	vand.u32 $0xFFFF0000, v11;
	v11 =	vshll.u32 v4, $0x10;
	v4 =	vand.u32 $0xFFFF0000, v4;
	v15 =	vld [tilespmem:s17+$0x0];
	[tilespmem:s16+$0x1C0] =	vst v8  }
0xbc: {  	v6 =	vadd.f32 v13, v6;
	v8 =	vshll.u32 v5, $0x10;
	v5 =	vand.u32 $0xFFFF0000, v5;
	v13 =	vld [tilespmem:s22+$0xD0];
	[tilespmem:s20+$0x170] =	vst v3  }
0xbd: {  	v3 =	vadd.f32 v7, v10;
	v7 =	vshll.u32 v1, $0x10;
	v1 =	vand.u32 $0xFFFF0000, v1;
	v10 =	vld [tilespmem:s17+$0xD0];
	[tilespmem:s20+$0x1B0] =	vst v0;
	s20 =	smov.u32 s16  }
0xbe: {  	v0 =	vadd.f32 v8, v11;
	[tilespmem:s16+$0xFFFFFE80] =	vst v6;
	v6 =	vshll.u32 v12, $0x10;
	v8 =	vand.u32 $0xFFFF0000, v12;
	v11 =	vld [tilespmem:s22+$0x40]  }
0xbf: {  	[tilespmem:s16+$0xFFFFFEC0] =	vst v3;
	v3 =	vadd.f32 v5, v4;
	v4 =	vshll.u32 v14, $0x10;
	v5 =	vand.u32 $0xFFFF0000, v14;
	v12 =	vld [tilespmem:s17+$0x40]  }
0xc0: {  	[tilespmem:s16+$0xFFFFFF00] =	vst v0;
	v0 =	vadd.f32 v6, v7;
	v6 =	vshll.u32 v15, $0x10;
	v7 =	vand.u32 $0xFFFF0000, v15;
	v14 =	vld [tilespmem:s22+$0x80]  }
0xc1: {  	v1 =	vadd.f32 v8, v1;
	[tilespmem:s16+$0xFFFFFF40] =	vst v3;
	v3 =	vadd.f32 v6, v4;
	v4 =	vld [tilespmem:s17+$0x80]  }
0xc2: {  	v6 =	vld [tilespmem:s22+$0xFFFFFF00];
	[tilespmem:s16+$0xFFFFFF80] =	vst v0;
	v0 =	vadd.f32 v7, v5;
	v5 =	vshll.u32 v13, $0x10;
	v7 =	vshll.u32 v10, $0x10  }
0xc3: {  	v10 =	vand.u32 $0xFFFF0000, v10;
	v8 =	vld [tilespmem:s22+$0xFFFFFF50];
	[tilespmem:s16+$0xFFFFFFC0] =	vst v1;
	v1 =	vand.u32 $0xFFFF0000, v13;
	v5 =	vadd.f32 v7, v5  }
0xc4: {  	v7 =	vld [tilespmem:s17+$0xFFFFFF50];
	[tilespmem:s16+$0x0] =	vst v3;
	v3 =	vshll.u32 v11, $0x10;
	v11 =	vand.u32 $0xFFFF0000, v11;
	v1 =	vadd.f32 v10, v1  }
0xc5: {  	v13 =	vshll.u32 v12, $0x10;
	v12 =	vand.u32 $0xFFFF0000, v12;
	v10 =	vld [tilespmem:s22+$0xFFFFFF90];
	v15 =	vshll.u32 v14, $0x10;
	[tilespmem:s16+$0x190] =	vst v5  }
0xc6: {  	v14 =	vand.u32 $0xFFFF0000, v14;
	v5 =	vld [tilespmem:s17+$0xFFFFFF90];
	v16 =	vshll.u32 v4, $0x10;
	v4 =	vand.u32 $0xFFFF0000, v4;
	[tilespmem:s16+$0x1D0] =	vst v1  }
0xc7: {  	v1 =	vshll.u32 v6, $0x10;
	v6 =	vand.u32 $0xFFFF0000, v6;
	[tilespmem:s16+$0x40] =	vst v0;
	v0 =	vadd.f32 v13, v3;
	v3 =	vld [tilespmem:s22+$0xE0]  }
0xc8: {  	v1 =	vadd.f32 v2, v1;
	v2 =	vadd.f32 v9, v6;
	v6 =	vshll.u32 v8, $0x10;
	v9 =	vld [tilespmem:s17+$0xE0]  }
0xc9: {  	v8 =	vand.u32 $0xFFFF0000, v8;
	v13 =	vld [tilespmem:s22+$0xFFFFFFD0];
	[tilespmem:s16+$0x80] =	vst v0;
	v0 =	vadd.f32 v12, v11;
	v11 =	vadd.f32 v16, v15  }
0xca: {  	v4 =	vadd.f32 v4, v14;
	[tilespmem:s16+$0xFFFFFE00] =	vst v1;
	v1 =	vshll.u32 v7, $0x10;
	v7 =	vand.u32 $0xFFFF0000, v7;
	v12 =	vld [tilespmem:s17+$0xFFFFFFD0]  }
0xcb: {  	[tilespmem:s16+$0xFFFFFE40] =	vst v2;
	v2 =	vshll.u32 v10, $0x10;
	v10 =	vand.u32 $0xFFFF0000, v10;
	v14 =	vshll.u32 v5, $0x10;
	v15 =	vld [tilespmem:s22+$0x10]  }
0xcc: {  	v1 =	vadd.f32 v1, v6;
	v6 =	vadd.f32 v7, v8;
	v5 =	vand.u32 $0xFFFF0000, v5;
	v16 =	vld [tilespmem:s22+$0xFFFFFF10];
	[tilespmem:s16+$0xC0] =	vst v0  }
0xcd: {  	v2 =	vadd.f32 v14, v2;
	v7 =	vshll.u32 v3, $0x10;
	v0 =	vld [tilespmem:s17+$0xFFFFFF10];
	[tilespmem:s16+$0x100] =	vst v11;
	v8 =	vshll.u32 v9, $0x10  }
0xce: {  	v3 =	vand.u32 $0xFFFF0000, v3;
	v11 =	vld [tilespmem:s17+$0x10];
	[tilespmem:s16+$0x140] =	vst v4;
	v4 =	vand.u32 $0xFFFF0000, v9;
	v7 =	vadd.f32 v8, v7  }
0xcf: {  	v8 =	vshll.u32 v13, $0x10;
	v9 =	vand.u32 $0xFFFF0000, v13;
	[tilespmem:s16+$0xFFFFFE90] =	vst v1;
	v13 =	vld [tilespmem:s22+$0x50];
	v1 =	vadd.f32 v4, v3  }
0xd0: {  	v3 =	vshll.u32 v12, $0x10;
	v4 =	vand.u32 $0xFFFF0000, v12;
	v12 =	vshll.u32 v15, $0x10;
	v14 =	vld [tilespmem:s17+$0x50];
	[tilespmem:s16+$0x1A0] =	vst v7  }
0xd1: {  	v15 =	vand.u32 $0xFFFF0000, v15;
	v7 =	vshll.u32 v16, $0x10;
	v16 =	vand.u32 $0xFFFF0000, v16;
	v17 =	vld [tilespmem:s22+$0x90];
	[tilespmem:s16+$0x1E0] =	vst v1  }
0xd2: {  	v5 =	vadd.f32 v5, v10;
	v1 =	vshll.u32 v0, $0x10;
	v0 =	vand.u32 $0xFFFF0000, v0;
	[tilespmem:s16+$0xFFFFFED0] =	vst v6;
	v6 =	vld [tilespmem:s22+$0xF0]  }
0xd3: {  	v7 =	vadd.f32 v1, v7;
	[tilespmem:s16+$0xFFFFFF10] =	vst v2;
	v2 =	vshll.u32 v11, $0x10;
	v10 =	vand.u32 $0xFFFF0000, v11;
	v1 =	vld [tilespmem:s17+$0xF0]  }
0xd4: {  	v0 =	vadd.f32 v0, v16;
	[tilespmem:s16+$0xFFFFFF50] =	vst v5;
	v5 =	vshll.u32 v13, $0x10;
	v11 =	vand.u32 $0xFFFF0000, v13;
	v13 =	vld [tilespmem:s17+$0x90]  }
0xd5: {  	v3 =	vadd.f32 v3, v8;
	[tilespmem:s16+$0xFFFFFE10] =	vst v7;
	v7 =	vld [tilespmem:s22+$0xFFFFFF60];
	v8 =	vshll.u32 v14, $0x10;
	v14 =	vand.u32 $0xFFFF0000, v14  }
0xd6: {  	v4 =	vadd.f32 v4, v9;
	[tilespmem:s16+$0xFFFFFE50] =	vst v0;
	v16 =	vld [tilespmem:s17+$0xFFFFFF60];
	v9 =	vshll.u32 v17, $0x10;
	v17 =	vand.u32 $0xFFFF0000, v17  }
0xd7: {  	v2 =	vadd.f32 v2, v12;
	v18 =	vld [tilespmem:s22+$0xFFFFFF20];
	[tilespmem:s16+$0xFFFFFF90] =	vst v3;
	v3 =	vadd.f32 v10, v15;
	v0 =	vshll.u32 v6, $0x10  }
0xd8: {  	v10 =	vld [tilespmem:s17+$0xFFFFFF20];
	[tilespmem:s16+$0xFFFFFFD0] =	vst v4;
	v4 =	vadd.f32 v8, v5;
	v5 =	vand.u32 $0xFFFF0000, v6;
	v6 =	vand.u32 $0xFFFF0000, v1  }
0xd9: {  	v8 =	vld [tilespmem:s22+$0xFFFFFFA0];
	[tilespmem:s16+$0x10] =	vst v2;
	v2 =	vshll.u32 v13, $0x10;
	v12 =	vand.u32 $0xFFFF0000, v13;
	v5 =	vadd.f32 v6, v5  }
0xda: {  	v6 =	vshll.u32 v7, $0x10;
	v13 =	vld [tilespmem:s17+$0xFFFFFFA0];
	[tilespmem:s16+$0x50] =	vst v3;
	v3 =	vadd.f32 v14, v11;
	v2 =	vadd.f32 v2, v9  }
0xdb: {  	v7 =	vand.u32 $0xFFFF0000, v7;
	v12 =	vadd.f32 v12, v17;
	v9 =	vshll.u32 v16, $0x10;
	v11 =	vld [tilespmem:s22+$0xFFFFFFE0];
	[tilespmem:s16+$0x1F0] =	vst v5  }
0xdc: {  	v15 =	vand.u32 $0xFFFF0000, v16;
	v5 =	vshll.u32 v18, $0x10;
	v14 =	vand.u32 $0xFFFF0000, v18;
	v16 =	vld [tilespmem:s17+$0xFFFFFFE0];
	[tilespmem:s16+$0x90] =	vst v4  }
0xdd: {  	v6 =	vadd.f32 v9, v6;
	v4 =	vshll.u32 v10, $0x10;
	v10 =	vand.u32 $0xFFFF0000, v10;
	v9 =	vld [tilespmem:s22+$0x20];
	[tilespmem:s16+$0xD0] =	vst v3  }
0xde: {  	v3 =	vadd.f32 v4, v5;
	v4 =	vshll.u32 v8, $0x10;
	v5 =	vand.u32 $0xFFFF0000, v8;
	v8 =	vld [tilespmem:s17+$0x20];
	[tilespmem:s16+$0x110] =	vst v2  }
0xdf: {  	v2 =	vadd.f32 v10, v14;
	v10 =	vshll.u32 v13, $0x10;
	v13 =	vand.u32 $0xFFFF0000, v13;
	v14 =	vld [tilespmem:s22+$0x60];
	[tilespmem:s16+$0x150] =	vst v12  }
0xe0: {  	[tilespmem:s16+$0xFFFFFE20] =	vst v3;
	v3 =	vadd.f32 v15, v7;
	v7 =	vshll.u32 v11, $0x10;
	v11 =	vand.u32 $0xFFFF0000, v11;
	v12 =	vld [tilespmem:s17+$0x60]  }
0xe1: {  	[tilespmem:s16+$0xFFFFFE60] =	vst v2;
	v2 =	vadd.f32 v10, v4;
	v4 =	vshll.u32 v16, $0x10;
	v10 =	vand.u32 $0xFFFF0000, v16;
	v15 =	vld [tilespmem:s22+$0xA0]  }
0xe2: {  	v5 =	vadd.f32 v13, v5;
	[tilespmem:s16+$0xFFFFFEA0] =	vst v6;
	v6 =	vshll.u32 v9, $0x10;
	v9 =	vand.u32 $0xFFFF0000, v9;
	v13 =	vld [tilespmem:s17+$0xA0]  }
0xe3: {  	v16 =	vld [tilespmem:s22+$0xFFFFFF30];
	[tilespmem:s16+$0xFFFFFEE0] =	vst v3;
	v3 =	vadd.f32 v4, v7;
	v4 =	vshll.u32 v8, $0x10;
	v7 =	vand.u32 $0xFFFF0000, v8  }
0xe4: {  	v8 =	vld [tilespmem:s17+$0xFFFFFF30];
	[tilespmem:s16+$0xFFFFFF20] =	vst v2;
	v2 =	vadd.f32 v10, v11;
	v10 =	vshll.u32 v14, $0x10;
	v11 =	vand.u32 $0xFFFF0000, v14  }
0xe5: {  	v4 =	vadd.f32 v4, v6;
	v14 =	vld [tilespmem:s22+$0xFFFFFF70];
	[tilespmem:s16+$0xFFFFFF60] =	vst v5;
	v5 =	vshll.u32 v12, $0x10;
	v6 =	vand.u32 $0xFFFF0000, v12  }
0xe6: {  	v12 =	vld [tilespmem:s17+$0xFFFFFF70];
	[tilespmem:s16+$0xFFFFFFA0] =	vst v3;
	v3 =	vadd.f32 v7, v9;
	v7 =	vshll.u32 v15, $0x10;
	v9 =	vand.u32 $0xFFFF0000, v15  }
0xe7: {  	v15 =	vld [tilespmem:s22+$0xFFFFFFB0];
	[tilespmem:s16+$0xFFFFFFE0] =	vst v2;
	v2 =	vadd.f32 v5, v10;
	v5 =	vshll.u32 v13, $0x10;
	v10 =	vand.u32 $0xFFFF0000, v13  }
0xe8: {  	v13 =	vshll.u32 v16, $0x10;
	v17 =	vld [tilespmem:s17+$0xFFFFFFB0];
	[tilespmem:s16+$0x20] =	vst v4;
	v4 =	vadd.f32 v6, v11;
	v5 =	vadd.f32 v5, v7  }
0xe9: {  	v6 =	vand.u32 $0xFFFF0000, v16;
	v7 =	vshll.u32 v8, $0x10;
	v11 =	vld [tilespmem:s22+$0xFFFFFFF0];
	[tilespmem:s16+$0x60] =	vst v3;
	v3 =	vadd.f32 v10, v9  }
0xea: {  	v8 =	vand.u32 $0xFFFF0000, v8;
	v9 =	vshll.u32 v14, $0x10;
	v10 =	vand.u32 $0xFFFF0000, v14;
	v14 =	vld [tilespmem:s17+$0xFFFFFFF0];
	[tilespmem:s16+$0xA0] =	vst v2  }
0xeb: {  	v1 =	vshll.u32 v1, $0x10;
	v16 =	vshll.u32 v12, $0x10;
	v12 =	vand.u32 $0xFFFF0000, v12;
	v18 =	vld [tilespmem:s22+$0x30];
	[tilespmem:s16+$0xE0] =	vst v4  }
0xec: {  	v4 =	vadd.f32 v7, v13;
	v7 =	vshll.u32 v15, $0x10;
	v13 =	vand.u32 $0xFFFF0000, v15;
	v19 =	vld [tilespmem:s17+$0x30];
	[tilespmem:s16+$0x120] =	vst v5  }
.Ltmp0:
0xed: {  	v5 =	vadd.f32 v8, v6;
	v15 =	vshll.u32 v17, $0x10;
	v17 =	vand.u32 $0xFFFF0000, v17;
	v2 =	vld [tilespmem:s22+$0x70];
	[tilespmem:s16+$0x160] =	vst v3;
	(pc) =	sbr.rel @p1 .LBB2_3-.Ltmp0, $4  }
0xee: {  	v16 =	vadd.f32 v16, v9;
	[tilespmem:s16+$0xFFFFFE30] =	vst v4;
	v8 =	vshll.u32 v11, $0x10;
	v6 =	vand.u32 $0xFFFF0000, v11;
	v4 =	vld [tilespmem:s17+$0x70]  }
0xef: {  	v11 =	vadd.f32 v12, v10;
	[tilespmem:s16+$0xFFFFFE70] =	vst v5;
	v12 =	vshll.u32 v14, $0x10;
	v9 =	vand.u32 $0xFFFF0000, v14;
	v3 =	vld [tilespmem:s22+$0xB0]  }
0xf0: {  	v14 =	vadd.f32 v15, v7;
	[tilespmem:s16+$0xFFFFFEB0] =	vst v16;
	v10 =	vshll.u32 v18, $0x10;
	v7 =	vand.u32 $0xFFFF0000, v18;
	v5 =	vld [tilespmem:s17+$0xB0]  }
0xf1: {  	v15 =	vadd.f32 v17, v13;
	s22 =	sadd.s32 $0x200, s22;
	[tilespmem:s16+$0xFFFFFEF0] =	vst v11;
	v13 =	vshll.u32 v19, $0x10;
	v11 =	vand.u32 $0xFFFF0000, v19  }
0xf2: {  	[tilespmem:s16+$0xFFFFFF30] =	vst v14;
	v8 =	vadd.f32 v12, v8  }
0xf3: {  	v6 =	vadd.f32 v9, v6;
	[tilespmem:s16+$0xFFFFFF70] =	vst v15  }
0xf4: {  	v52 =	vadd.f32 v13, v10;
	[tilespmem:s16+$0xFFFFFFB0] =	vst v8  }
0xf5: {  	v55 =	vadd.f32 v11, v7;
	[tilespmem:s16+$0xFFFFFFF0] =	vst v6  }
0xf6: {  	v53 =	vshll.u32 v2, $0x10;
	v0 =	vadd.f32 v1, v0;
	v54 =	vshll.u32 v4, $0x10;
	[tilespmem:s16+$0x30] =	vst v52  }
0xf7: {  	v56 =	vand.u32 $0xFFFF0000, v2;
	v57 =	vand.u32 $0xFFFF0000, v4;
	v58 =	vadd.f32 v54, v53;
	[tilespmem:s16+$0x70] =	vst v55  }
0xf8: {  	p1 =	seq.s32 s11, $0x63;
	v59 =	vshll.u32 v3, $0x10;
	v2 =	vadd.f32 v57, v56;
	[tilespmem:s20+$0x1B0] =	vst v0;
	v60 =	vshll.u32 v5, $0x10  }
.Ltmp1:
0xf9: {  	s22 =	sshll.u32 s11, $0xF;
	v61 =	vand.u32 $0xFFFF0000, v3;
	v62 =	vand.u32 $0xFFFF0000, v5;
	v63 =	vadd.f32 v60, v59;
	[tilespmem:s16+$0xB0] =	vst v58;
	(pc) =	sbr.rel @p1 .LBB2_6-.Ltmp1, $4  }
0xfa: {  	v3 =	vadd.f32 v62, v61;
	[tilespmem:s16+$0xF0] =	vst v2;
	s16 =	sadd.s32 s13, s22  }
0xfb: {  	s16 =	sshrl.u32 s16, $0x3;
	[tilespmem:s20+$0x130] =	vst v63  }
0xfc: {  	[tilespmem:s20+$0x170] =	vst v3;
	s16 =	sadd.s32 s2, s16  }
0xfd: {  	[hbm4b:s16+s3] =	stream.linear.scatter [tilespmem:s31], [sflag:$0x6], $0x4000, $0x38;
	[tilespmem:$0x10400] =	vst v63  }
0xfe: {  	s15 =	sadd.s32 s15, s14  }
0xff: {  	s15 =	sshrl.u32 s15, $0x3  }
0x100: {  	s16 =	sadd.s32 s4, s15  }
0x101: {  	[tilespmem:s3], [sflag:$0x1] =	stream.linear.gather [hbm4b:s16+s3], $0x80, $0x38;
	[tilespmem:$0x10400] =	vst v63  }
0x102: {  	s17 =	simm.s32 $0x100;
	s22 =	sadd.s32 s5, s15  }
0x103: {  	[tilespmem:s17], [sflag:$0x1] =	stream.linear.gather [hbm4b:s22+s3], $0x80, $0x38;
	[tilespmem:$0x10400] =	vst v63  }
0x104: {  	s15 =	sadd.s32 s7, s15;
	s17 =	simm.s32 $0x200  }
0x105: {  	[tilespmem:s17], [sflag:$0x1] =	stream.linear.gather [hbm4b:s15+s3], $0x80, $0x38;
	[tilespmem:$0x10400] =	vst v63  }
0x106: {  	_ =	swait.ge [sflag:s18], $0x80  }
0x107: {  	[sflag:s18] =	ssyncset.done $0x0  }
0x108: {  	[sflag:s18] =	ssyncadd.s32 $0xFFFFFF80  }
0x109: {  	_ =	swait.ge [sflag:s18], $0x80  }
0x10a: {  	[sflag:s18] =	ssyncset.done $0x0  }
0x10b: {  	[sflag:s18] =	ssyncadd.s32 $0xFFFFFF80  }
0x10c: {  	_ =	swait.ge [sflag:s18], $0x80  }
0x10d: {  	[sflag:s18] =	ssyncset.done $0x0  }
0x10e: {  	[sflag:s18] =	ssyncadd.s32 $0xFFFFFF80  }
0x10f: {  	v0 =	vld [tilespmem:$0x200]  }
0x110: {  	v1 =	vld [tilespmem:$0x100]  }
0x111: {  	v2 =	vld [tilespmem:$0x210]  }
0x112: {  	v3 =	vld [tilespmem:$0x110]  }
0x113: {  	v4 =	vld [tilespmem:$0x220]  }
0x114: {  	v5 =	vld [tilespmem:$0x120]  }
0x115: {  	v6 =	vld [tilespmem:$0x230]  }
0x116: {  	v7 =	vld [tilespmem:$0x130]  }
0x117: {  	v8 =	vld [tilespmem:$0x240]  }
0x118: {  	v9 =	vld [tilespmem:$0x140]  }
0x119: {  	v10 =	vld [tilespmem:$0x250]  }
0x11a: {  	v11 =	vld [tilespmem:$0x150]  }
0x11b: {  	v12 =	vld [tilespmem:$0x260];
	v0 =	vshll.u32 v0, $0x9  }
0x11c: {  	v48 =	vld [tilespmem:$0x160];
	v47 =	vshll.u32 v2, $0x9;
	v0 =	vadd.s32 v1, v0  }
0x11d: {  	v51 =	vld [tilespmem:$0x270];
	v50 =	vshll.u32 v4, $0x9;
	v49 =	vadd.s32 v3, v47;
	[tilespmem:$0x300] =	vst v0  }
0x11e: {  	v54 =	vld [tilespmem:$0x170];
	v53 =	vshll.u32 v6, $0x9;
	v52 =	vadd.s32 v5, v50;
	[tilespmem:$0x310] =	vst v49  }
0x11f: {  	v56 =	vshll.u32 v8, $0x9;
	v55 =	vadd.s32 v7, v53;
	[tilespmem:$0x320] =	vst v52  }
0x120: {  	v58 =	vshll.u32 v10, $0x9;
	v57 =	vadd.s32 v9, v56;
	[tilespmem:$0x330] =	vst v55  }
0x121: {  	v60 =	vshll.u32 v12, $0x9;
	v59 =	vadd.s32 v11, v58;
	[tilespmem:$0x340] =	vst v57  }
0x122: {  	v62 =	vshll.u32 v51, $0x9;
	v61 =	vadd.s32 v48, v60;
	[tilespmem:$0x350] =	vst v59  }
0x123: {  	v63 =	vadd.s32 v54, v62;
	[tilespmem:$0x360] =	vst v61  }
0x124: {  	s20 =	simm.s32 $0x400;
	[tilespmem:$0x370] =	vst v63  }
0x125: {  	[tilespmem:s20], [sflag:$0x2] =	stream.indirect.gather [hbm4b:s8+s19], $0x40, s3, s19, $0xb8;
	[tilespmem:$0x10400] =	vst v63  }
0x126: {  	s21 =	simm.s32 $0x300;
	s22 =	simm.s32 $0x4400  }
0x127: {  	[tilespmem:s22], [sflag:$0x4] =	stream.indirect.gather [hbm4b:s9+s19], $0x40, s21, s19, $0xb8;
	[tilespmem:$0x10400] =	vst v63  }
.LBB2_6:
0x128: {  	_ =	swait.ge [sflag:s0], $0x2000  }
0x129: {  	[sflag:s0] =	ssyncset.done $0x0  }
0x12a: {  	[sflag:s0] =	ssyncadd.s32 $0xFFFFE000  }
0x12b: {  	_ =	swait.ge [sflag:s1], $0x2000  }
0x12c: {  	[sflag:s1] =	ssyncset.done $0x0  }
0x12d: {  	s15 =	simm.s32 @!p0 $0x7;
	[sflag:s1] =	ssyncadd.s32 $0xFFFFE000  }
0x12e: {  	_ =	swait.ge @!p0 [sflag:s15], $0x4000  }
0x12f: {  	[sflag:s15] =	ssyncset.done @!p0 $0x0  }
0x130: {  	s17 =	simm.s32 $0x25F0;
	[sflag:s15] =	ssyncadd.s32 @!p0 $0xFFFFC000  }
0x131: {  	s16 =	simm.s32 $0x65F0;
	v0 =	vld [tilespmem:s17+$0xFFFFFFD0]  }
0x132: {  	v1 =	vld [tilespmem:s16+$0xFFFFFFD0]  }
0x133: {  	v2 =	vld [tilespmem:s16+$0xFFFFFE10]  }
0x134: {  	v5 =	vld [tilespmem:s17+$0xFFFFFE90]  }
0x135: {  	v3 =	vld [tilespmem:s17+$0xFFFFFE50]  }
0x136: {  	v4 =	vld [tilespmem:s16+$0xFFFFFE50]  }
0x137: {  	v6 =	vld [tilespmem:s16+$0xFFFFFE90]  }
0x138: {  	v9 =	vld [tilespmem:s17+$0xFFFFFED0];
	v7 =	vshll.u32 v0, $0x10;
	v8 =	vshll.u32 v1, $0x10;
	v0 =	vand.u32 $0xFFFF0000, v0  }
0x139: {  	v10 =	vld [tilespmem:s16+$0xFFFFFED0];
	v1 =	vand.u32 $0xFFFF0000, v1;
	v12 =	vshll.u32 v5, $0x10;
	v7 =	vadd.f32 v8, v7  }
0x13a: {  	s15 =	simm.s32 $0xC7F0;
	v11 =	vld [tilespmem:s17+$0xFFFFFF10];
	v8 =	vshll.u32 v2, $0x10;
	v0 =	vadd.f32 v1, v0;
	v1 =	vand.u32 $0xFFFF0000, v2  }
0x13b: {  	v13 =	vld [tilespmem:s16+$0xFFFFFF10];
	v2 =	vshll.u32 v3, $0x10;
	v3 =	vand.u32 $0xFFFF0000, v3;
	[tilespmem:s15+$0xFFFFFF90] =	vst v7;
	v7 =	vshll.u32 v4, $0x10  }
0x13c: {  	v15 =	vld [tilespmem:s17+$0xFFFFFF50];
	v4 =	vand.u32 $0xFFFF0000, v4;
	[tilespmem:s15+$0xFFFFFFD0] =	vst v0;
	v0 =	vand.u32 $0xFFFF0000, v5;
	v2 =	vadd.f32 v7, v2  }
0x13d: {  	v5 =	vshll.u32 v6, $0x10;
	v6 =	vand.u32 $0xFFFF0000, v6;
	v7 =	vld [tilespmem:s17+$0xFFFFFFE0];
	v3 =	vadd.f32 v4, v3  }
0x13e: {  	v4 =	vshll.u32 v9, $0x10;
	v14 =	vld [tilespmem:s16+$0xFFFFFFE0];
	v5 =	vadd.f32 v5, v12;
	v12 =	vshll.u32 v10, $0x10;
	[tilespmem:s15+$0xFFFFFC90] =	vst v2  }
0x13f: {  	v9 =	vand.u32 $0xFFFF0000, v9;
	v0 =	vadd.f32 v6, v0;
	v4 =	vadd.f32 v12, v4;
	v12 =	vld [tilespmem:s17+$0xFFFFFF90];
	[tilespmem:s15+$0xFFFFFCD0] =	vst v3  }
0x140: {  	v6 =	vshll.u32 v11, $0x10;
	v2 =	vand.u32 $0xFFFF0000, v10;
	v10 =	vld [tilespmem:s16+$0xFFFFFF50];
	v3 =	vand.u32 $0xFFFF0000, v11;
	[tilespmem:s15+$0xFFFFFD10] =	vst v5  }
0x141: {  	v11 =	vshll.u32 v13, $0x10;
	v5 =	vand.u32 $0xFFFF0000, v13;
	[tilespmem:s15+$0xFFFFFD50] =	vst v0;
	v0 =	vld [tilespmem:s17+$0xFFFFFE10];
	v2 =	vadd.f32 v2, v9  }
0x142: {  	v6 =	vadd.f32 v11, v6;
	v9 =	vld [tilespmem:s16+$0xFFFFFF90];
	v3 =	vadd.f32 v5, v3;
	[tilespmem:s15+$0xFFFFFD90] =	vst v4  }
0x143: {  	v4 =	vld [tilespmem:s17+$0xFFFFFE60];
	v5 =	vshll.u32 v7, $0x10;
	v11 =	vshll.u32 v14, $0x10;
	v7 =	vand.u32 $0xFFFF0000, v7;
	[tilespmem:s15+$0xFFFFFDD0] =	vst v2  }
0x144: {  	v13 =	vand.u32 $0xFFFF0000, v14;
	v2 =	vld [tilespmem:s16+$0xFFFFFE60];
	v14 =	vand.u32 $0xFFFF0000, v15;
	[tilespmem:s15+$0xFFFFFE10] =	vst v6;
	v5 =	vadd.f32 v11, v5  }
0x145: {  	[tilespmem:s15+$0xFFFFFE50] =	vst v3;
	v11 =	vshll.u32 v15, $0x10;
	v7 =	vadd.f32 v13, v7;
	v13 =	vld [tilespmem:s17+$0xFFFFFEA0];
	v16 =	vshll.u32 v12, $0x10  }
0x146: {  	v12 =	vand.u32 $0xFFFF0000, v12;
	v15 =	vshll.u32 v10, $0x10;
	v6 =	vshll.u32 v0, $0x10;
	[tilespmem:s15+$0xFFFFFFA0] =	vst v5;
	v5 =	vld [tilespmem:s16+$0xFFFFFEA0]  }
0x147: {  	v10 =	vand.u32 $0xFFFF0000, v10;
	[tilespmem:s15+$0xFFFFFFE0] =	vst v7;
	v7 =	vadd.f32 v15, v11;
	v3 =	vadd.f32 v8, v6;
	v8 =	vld [tilespmem:s17+$0xFFFFFEE0]  }
0x148: {  	v0 =	vand.u32 $0xFFFF0000, v0;
	v17 =	vshll.u32 v9, $0x10;
	v9 =	vand.u32 $0xFFFF0000, v9;
	v11 =	vld [tilespmem:s17+$0xFFFFFFF0]  }
0x149: {  	v0 =	vadd.f32 v1, v0;
	v1 =	vshll.u32 v4, $0x10;
	v4 =	vand.u32 $0xFFFF0000, v4;
	v6 =	vld [tilespmem:s16+$0xFFFFFFF0];
	[tilespmem:s15+$0xFFFFFE90] =	vst v7  }
0x14a: {  	v15 =	vld [tilespmem:s17+$0xFFFFFF20];
	v9 =	vadd.f32 v9, v12;
	v7 =	vadd.f32 v10, v14;
	[tilespmem:s15+$0xFFFFFC10] =	vst v3;
	v3 =	vshll.u32 v2, $0x10  }
0x14b: {  	v10 =	vadd.f32 v17, v16;
	v2 =	vand.u32 $0xFFFF0000, v2;
	[tilespmem:s15+$0xFFFFFC50] =	vst v0;
	v1 =	vadd.f32 v3, v1  }
0x14c: {  	v14 =	vld [tilespmem:s16+$0xFFFFFEE0];
	v0 =	vshll.u32 v13, $0x10;
	v12 =	vand.u32 $0xFFFF0000, v13;
	v2 =	vadd.f32 v2, v4;
	[tilespmem:s15+$0xFFFFFF50] =	vst v9  }
0x14d: {  	v16 =	vld [tilespmem:s17+$0xFFFFFE20];
	v13 =	vshll.u32 v5, $0x10;
	v3 =	vand.u32 $0xFFFF0000, v5;
	[tilespmem:s15+$0xFFFFFCA0] =	vst v1;
	v1 =	vshll.u32 v8, $0x10  }
0x14e: {  	v4 =	vld [tilespmem:s16+$0xFFFFFE20];
	[tilespmem:s15+$0xFFFFFED0] =	vst v7;
	v0 =	vadd.f32 v13, v0;
	v5 =	vshll.u32 v11, $0x10;
	v7 =	vshll.u32 v6, $0x10  }
0x14f: {  	[tilespmem:s15+$0xFFFFFF10] =	vst v10;
	v10 =	vld [tilespmem:s16+$0xFFFFFF20];
	v9 =	vand.u32 $0xFFFF0000, v11;
	v6 =	vand.u32 $0xFFFF0000, v6;
	v13 =	vshll.u32 v15, $0x10  }
0x150: {  	v17 =	vld [tilespmem:s17+$0xFFFFFFA0];
	[tilespmem:s15+$0xFFFFFCE0] =	vst v2;
	v2 =	vadd.f32 v3, v12;
	v5 =	vadd.f32 v7, v5;
	v7 =	vand.u32 $0xFFFF0000, v8  }
0x151: {  	v8 =	vld [tilespmem:s17+$0xFFFFFF60];
	v6 =	vadd.f32 v6, v9;
	v9 =	vshll.u32 v14, $0x10;
	v11 =	vand.u32 $0xFFFF0000, v14;
	[tilespmem:s15+$0xFFFFFD20] =	vst v0  }
0x152: {  	v15 =	vand.u32 $0xFFFF0000, v15;
	v14 =	vld [tilespmem:s16+$0xFFFFFF60];
	v1 =	vadd.f32 v9, v1;
	v7 =	vadd.f32 v11, v7;
	[tilespmem:s15+$0xFFFFFFB0] =	vst v5  }
0x153: {  	v12 =	vld [tilespmem:s16+$0xFFFFFFA0];
	v5 =	vshll.u32 v16, $0x10;
	v16 =	vand.u32 $0xFFFF0000, v16;
	[tilespmem:s15+$0xFFFFFFF0] =	vst v6;
	v6 =	vshll.u32 v4, $0x10  }
0x154: {  	[tilespmem:s15+$0xFFFFFD60] =	vst v2;
	v4 =	vand.u32 $0xFFFF0000, v4;
	v0 =	vshll.u32 v10, $0x10;
	v3 =	vld [tilespmem:s17+$0x0];
	v5 =	vadd.f32 v6, v5  }
0x155: {  	v6 =	vand.u32 $0xFFFF0000, v10;
	v10 =	vld [tilespmem:s16+$0x0];
	v4 =	vadd.f32 v4, v16;
	v11 =	vshll.u32 v17, $0x10;
	[tilespmem:s15+$0xFFFFFDA0] =	vst v1  }
0x156: {  	v16 =	vand.u32 $0xFFFF0000, v17;
	v1 =	vadd.f32 v0, v13;
	v6 =	vadd.f32 v6, v15;
	[tilespmem:s15+$0xFFFFFC20] =	vst v5;
	v5 =	vld [tilespmem:s17+$0xFFFFFE70]  }
0x157: {  	v2 =	vshll.u32 v8, $0x10;
	v8 =	vand.u32 $0xFFFF0000, v8;
	v9 =	vshll.u32 v14, $0x10;
	[tilespmem:s15+$0xFFFFFC60] =	vst v4;
	v4 =	vld [tilespmem:s16+$0xFFFFFE70]  }
0x158: {  	v14 =	vand.u32 $0xFFFF0000, v14;
	[tilespmem:s15+$0xFFFFFE20] =	vst v1;
	v1 =	vshll.u32 v12, $0x10;
	v17 =	vld [tilespmem:s17+$0xFFFFFE30];
	v2 =	vadd.f32 v9, v2  }
0x159: {  	v12 =	vand.u32 $0xFFFF0000, v12;
	v13 =	vld [tilespmem:s16+$0xFFFFFE30];
	[tilespmem:s15+$0xFFFFFE60] =	vst v6;
	v6 =	vadd.f32 v14, v8;
	v1 =	vadd.f32 v1, v11  }
0x15a: {  	[tilespmem:s15+$0xFFFFFDE0] =	vst v7;
	v9 =	vld [tilespmem:s17+$0xFFFFFEB0];
	v0 =	vshll.u32 v3, $0x10;
	v3 =	vand.u32 $0xFFFF0000, v3;
	v7 =	vand.u32 $0xFFFF0000, v10  }
0x15b: {  	v15 =	vld [tilespmem:s16+$0xFFFFFEB0];
	v12 =	vadd.f32 v12, v16;
	[tilespmem:s15+$0xFFFFFEA0] =	vst v2;
	v3 =	vadd.f32 v7, v3  }
0x15c: {  	v11 =	vld [tilespmem:s17+$0xFFFFFEF0];
	[tilespmem:s15+$0xFFFFFEE0] =	vst v6;
	v7 =	vshll.u32 v5, $0x10;
	v5 =	vand.u32 $0xFFFF0000, v5;
	v8 =	vshll.u32 v4, $0x10  }
0x15d: {  	v16 =	vld [tilespmem:s16+$0xFFFFFEF0];
	v4 =	vand.u32 $0xFFFF0000, v4;
	[tilespmem:s15+$0x0] =	vst v3;
	v3 =	vshll.u32 v17, $0x10;
	v14 =	vand.u32 $0xFFFF0000, v17  }
0x15e: {  	[tilespmem:s15+$0xFFFFFF20] =	vst v1;
	v2 =	vshll.u32 v13, $0x10;
	v13 =	vand.u32 $0xFFFF0000, v13;
	v7 =	vadd.f32 v8, v7;
	v8 =	vld [tilespmem:s17+$0xFFFFFF30]  }
0x15f: {  	[tilespmem:s15+$0xFFFFFF60] =	vst v12;
	v6 =	vand.u32 $0xFFFF0000, v9;
	v2 =	vadd.f32 v2, v3;
	v3 =	vshll.u32 v9, $0x10;
	v9 =	vld [tilespmem:s16+$0xFFFFFF30]  }
0x160: {  	v1 =	vadd.f32 v13, v14;
	v13 =	vshll.u32 v15, $0x10;
	v14 =	vand.u32 $0xFFFF0000, v15;
	v15 =	vld [tilespmem:s17+$0xFFFFFF70];
	[tilespmem:s15+$0xFFFFFCB0] =	vst v7  }
0x161: {  	[tilespmem:s15+$0xFFFFFC30] =	vst v2;
	v2 =	vadd.f32 v4, v5;
	v4 =	vshll.u32 v11, $0x10;
	v5 =	vand.u32 $0xFFFF0000, v11;
	v11 =	vld [tilespmem:s16+$0xFFFFFF70]  }
0x162: {  	v12 =	vand.u32 $0xFFFF0000, v16;
	v6 =	vadd.f32 v14, v6;
	[tilespmem:s15+$0xFFFFFC70] =	vst v1;
	v1 =	vadd.f32 v13, v3;
	v13 =	vld [tilespmem:s17+$0xFFFFFFB0]  }
0x163: {  	v14 =	vld [tilespmem:s16+$0xFFFFFFB0];
	v3 =	vshll.u32 v16, $0x10;
	v7 =	vshll.u32 v8, $0x10;
	v8 =	vand.u32 $0xFFFF0000, v8;
	[tilespmem:s15+$0xFFFFFCF0] =	vst v2  }
0x164: {  	v16 =	vld [tilespmem:s17+$0xFFFFFE40];
	v2 =	vadd.f32 v3, v4;
	[tilespmem:s15+$0xFFFFFD30] =	vst v1;
	v1 =	vadd.f32 v12, v5;
	v3 =	vshll.u32 v9, $0x10  }
0x165: {  	[tilespmem:s15+$0xFFFFFD70] =	vst v6;
	v4 =	vand.u32 $0xFFFF0000, v9;
	v9 =	vld [tilespmem:s16+$0xFFFFFE40];
	v5 =	vshll.u32 v15, $0x10;
	v12 =	vand.u32 $0xFFFF0000, v15  }
0x166: {  	v15 =	vld [tilespmem:s17+$0xFFFFFE80];
	v3 =	vadd.f32 v3, v7;
	[tilespmem:s15+$0xFFFFFDB0] =	vst v2;
	v2 =	vadd.f32 v4, v8;
	v6 =	vshll.u32 v11, $0x10  }
0x167: {  	v17 =	vld [tilespmem:s16+$0xFFFFFEC0];
	v7 =	vand.u32 $0xFFFF0000, v11;
	v4 =	vshll.u32 v13, $0x10;
	v8 =	vand.u32 $0xFFFF0000, v13  }
0x168: {  	[tilespmem:s15+$0xFFFFFDF0] =	vst v1;
	v11 =	vld [tilespmem:s16+$0xFFFFFE80];
	v1 =	vadd.f32 v6, v5;
	v5 =	vshll.u32 v14, $0x10;
	v6 =	vand.u32 $0xFFFF0000, v14  }
0x169: {  	v13 =	vld [tilespmem:s17+$0xFFFFFEC0];
	v14 =	vshll.u32 v16, $0x10;
	[tilespmem:s15+$0xFFFFFE30] =	vst v3;
	v3 =	vadd.f32 v7, v12;
	v4 =	vadd.f32 v5, v4  }
0x16a: {  	v12 =	vld [tilespmem:s17+$0xFFFFFF00];
	[tilespmem:s15+$0xFFFFFE70] =	vst v2;
	v5 =	vand.u32 $0xFFFF0000, v16;
	v2 =	vadd.f32 v6, v8;
	v7 =	vshll.u32 v9, $0x10  }
0x16b: {  	v6 =	vand.u32 $0xFFFF0000, v9;
	v8 =	vshll.u32 v15, $0x10;
	v9 =	vand.u32 $0xFFFF0000, v15;
	v15 =	vld [tilespmem:s16+$0xFFFFFF00];
	[tilespmem:s15+$0xFFFFFEB0] =	vst v1  }
0x16c: {  	v18 =	vld [tilespmem:s17+$0xFFFFFF40];
	[tilespmem:s15+$0xFFFFFEF0] =	vst v3;
	v1 =	vshll.u32 v10, $0x10;
	v10 =	vshll.u32 v17, $0x10;
	v17 =	vand.u32 $0xFFFF0000, v17  }
0x16d: {  	v19 =	vld [tilespmem:s16+$0xFFFFFF40];
	v3 =	vadd.f32 v7, v14;
	[tilespmem:s15+$0xFFFFFF30] =	vst v4;
	v5 =	vadd.f32 v6, v5;
	v16 =	vshll.u32 v11, $0x10  }
0x16e: {  	[tilespmem:s15+$0xFFFFFF70] =	vst v2;
	v2 =	vld [tilespmem:s17+$0xFFFFFF80];
	v11 =	vand.u32 $0xFFFF0000, v11;
	v7 =	vshll.u32 v13, $0x10;
	v13 =	vand.u32 $0xFFFF0000, v13  }
0x16f: {  	v4 =	vld [tilespmem:s16+$0xFFFFFF80];
	[tilespmem:s15+$0xFFFFFC40] =	vst v3;
	v14 =	vadd.f32 v16, v8;
	v8 =	vshll.u32 v12, $0x10;
	v6 =	vand.u32 $0xFFFF0000, v12  }
0x170: {  	[tilespmem:s15+$0xFFFFFC80] =	vst v5;
	v11 =	vadd.f32 v11, v9;
	v3 =	vld [tilespmem:s17+$0xFFFFFFC0];
	v12 =	vshll.u32 v15, $0x10;
	v9 =	vand.u32 $0xFFFF0000, v15  }
0x171: {  	v5 =	vld [tilespmem:s16+$0xFFFFFFC0];
	[tilespmem:s15+$0xFFFFFCC0] =	vst v14;
	v14 =	vadd.f32 v10, v7;
	v10 =	vshll.u32 v18, $0x10;
	v7 =	vand.u32 $0xFFFF0000, v18  }
0x172: {  	s20 =	simm.s32 $0x0;
	s21 =	simm.s32 $0x27F0;
	s17 =	simm.s32 $0xC7F0;
	[tilespmem:s15+$0xFFFFFD00] =	vst v11;
	v15 =	vadd.f32 v17, v13;
	v13 =	vshll.u32 v19, $0x10;
	v11 =	vand.u32 $0xFFFF0000, v19  }
.LBB2_7:
0x173: {  	v16 =	vld [tilespmem:s21+$0xFFFFFFD0];
	[tilespmem:s15+$0xFFFFFD40] =	vst v14;
	v8 =	vadd.f32 v12, v8;
	v12 =	vshll.u32 v2, $0x10;
	v2 =	vand.u32 $0xFFFF0000, v2;
	s16 =	sadd.s32 $0x200, s16  }
0x174: {  	v6 =	vadd.f32 v9, v6;
	v14 =	vld [tilespmem:s16+$0xFFFFFFD0];
	[tilespmem:s15+$0xFFFFFD80] =	vst v15;
	v9 =	vshll.u32 v4, $0x10;
	v4 =	vand.u32 $0xFFFF0000, v4  }
0x175: {  	v15 =	vld [tilespmem:s16+$0xFFFFFE10];
	[tilespmem:s15+$0xFFFFFDC0] =	vst v8;
	v8 =	vadd.f32 v13, v10;
	v10 =	vshll.u32 v3, $0x10;
	v3 =	vand.u32 $0xFFFF0000, v3  }
0x176: {  	v13 =	vld [tilespmem:s21+$0xFFFFFE50];
	[tilespmem:s15+$0xFFFFFE00] =	vst v6;
	v6 =	vadd.f32 v11, v7;
	v7 =	vshll.u32 v5, $0x10;
	v5 =	vand.u32 $0xFFFF0000, v5  }
0x177: {  	v2 =	vadd.f32 v4, v2;
	v11 =	vld [tilespmem:s16+$0xFFFFFE50];
	[tilespmem:s15+$0xFFFFFE40] =	vst v8;
	v8 =	vadd.f32 v9, v12  }
0x178: {  	v3 =	vadd.f32 v5, v3;
	v4 =	vld [tilespmem:s21+$0xFFFFFE90];
	[tilespmem:s15+$0xFFFFFE80] =	vst v6;
	v6 =	vadd.f32 v7, v10  }
0x179: {  	v0 =	vadd.f32 v1, v0;
	v7 =	vshll.u32 v16, $0x10;
	v5 =	vld [tilespmem:s16+$0xFFFFFE90];
	v9 =	vshll.u32 v14, $0x10;
	[tilespmem:s15+$0xFFFFFEC0] =	vst v8  }
0x17a: {  	s20 =	sadd.s32 $0x8, s20;
	v8 =	vand.u32 $0xFFFF0000, v16;
	v10 =	vand.u32 $0xFFFF0000, v14;
	v1 =	vld [tilespmem:s21+$0xFFFFFED0];
	v7 =	vadd.f32 v9, v7;
	[tilespmem:s15+$0xFFFFFF00] =	vst v2  }
0x17b: {  	p0 =	slt.u32 s20, $0x78;
	v2 =	vshll.u32 v15, $0x10;
	v9 =	vand.u32 $0xFFFF0000, v15;
	v8 =	vadd.f32 v10, v8;
	s15 =	sadd.s32 $0x400, s15;
	v12 =	vld [tilespmem:s16+$0xFFFFFED0];
	[tilespmem:s17+$0xFFFFFF40] =	vst v6  }
0x17c: {  	v6 =	vshll.u32 v13, $0x10;
	v10 =	vand.u32 $0xFFFF0000, v13;
	v13 =	vshll.u32 v11, $0x10;
	v14 =	vld [tilespmem:s21+$0xFFFFFF10];
	[tilespmem:s15+$0xFFFFFF90] =	vst v7  }
0x17d: {  	v7 =	vand.u32 $0xFFFF0000, v11;
	v11 =	vshll.u32 v4, $0x10;
	v4 =	vand.u32 $0xFFFF0000, v4;
	v15 =	vld [tilespmem:s16+$0xFFFFFF10];
	[tilespmem:s15+$0xFFFFFFD0] =	vst v8  }
0x17e: {  	v6 =	vadd.f32 v13, v6;
	v8 =	vshll.u32 v5, $0x10;
	v5 =	vand.u32 $0xFFFF0000, v5;
	v13 =	vld [tilespmem:s21+$0xFFFFFFE0];
	[tilespmem:s17+$0xFFFFFF80] =	vst v3  }
0x17f: {  	v3 =	vadd.f32 v7, v10;
	v7 =	vshll.u32 v1, $0x10;
	v1 =	vand.u32 $0xFFFF0000, v1;
	v10 =	vld [tilespmem:s16+$0xFFFFFFE0];
	[tilespmem:s17+$0xFFFFFFC0] =	vst v0;
	s17 =	smov.u32 s15  }
0x180: {  	v0 =	vadd.f32 v8, v11;
	[tilespmem:s15+$0xFFFFFC90] =	vst v6;
	v6 =	vshll.u32 v12, $0x10;
	v8 =	vand.u32 $0xFFFF0000, v12;
	v11 =	vld [tilespmem:s21+$0xFFFFFF50]  }
0x181: {  	[tilespmem:s15+$0xFFFFFCD0] =	vst v3;
	v3 =	vadd.f32 v5, v4;
	v4 =	vshll.u32 v14, $0x10;
	v5 =	vand.u32 $0xFFFF0000, v14;
	v12 =	vld [tilespmem:s16+$0xFFFFFF50]  }
0x182: {  	[tilespmem:s15+$0xFFFFFD10] =	vst v0;
	v0 =	vadd.f32 v6, v7;
	v6 =	vshll.u32 v15, $0x10;
	v7 =	vand.u32 $0xFFFF0000, v15;
	v14 =	vld [tilespmem:s21+$0xFFFFFF90]  }
0x183: {  	v1 =	vadd.f32 v8, v1;
	[tilespmem:s15+$0xFFFFFD50] =	vst v3;
	v3 =	vadd.f32 v6, v4;
	v4 =	vld [tilespmem:s16+$0xFFFFFF90]  }
0x184: {  	v6 =	vld [tilespmem:s21+$0xFFFFFE10];
	[tilespmem:s15+$0xFFFFFD90] =	vst v0;
	v0 =	vadd.f32 v7, v5;
	v5 =	vshll.u32 v13, $0x10;
	v7 =	vshll.u32 v10, $0x10  }
0x185: {  	v10 =	vand.u32 $0xFFFF0000, v10;
	v8 =	vld [tilespmem:s21+$0xFFFFFE60];
	[tilespmem:s15+$0xFFFFFDD0] =	vst v1;
	v1 =	vand.u32 $0xFFFF0000, v13;
	v5 =	vadd.f32 v7, v5  }
0x186: {  	v7 =	vld [tilespmem:s16+$0xFFFFFE60];
	[tilespmem:s15+$0xFFFFFE10] =	vst v3;
	v3 =	vshll.u32 v11, $0x10;
	v11 =	vand.u32 $0xFFFF0000, v11;
	v1 =	vadd.f32 v10, v1  }
0x187: {  	v13 =	vshll.u32 v12, $0x10;
	v12 =	vand.u32 $0xFFFF0000, v12;
	v10 =	vld [tilespmem:s21+$0xFFFFFEA0];
	v15 =	vshll.u32 v14, $0x10;
	[tilespmem:s15+$0xFFFFFFA0] =	vst v5  }
0x188: {  	v14 =	vand.u32 $0xFFFF0000, v14;
	v5 =	vld [tilespmem:s16+$0xFFFFFEA0];
	v16 =	vshll.u32 v4, $0x10;
	v4 =	vand.u32 $0xFFFF0000, v4;
	[tilespmem:s15+$0xFFFFFFE0] =	vst v1  }
0x189: {  	v1 =	vshll.u32 v6, $0x10;
	v6 =	vand.u32 $0xFFFF0000, v6;
	[tilespmem:s15+$0xFFFFFE50] =	vst v0;
	v0 =	vadd.f32 v13, v3;
	v3 =	vld [tilespmem:s21+$0xFFFFFFF0]  }
0x18a: {  	v1 =	vadd.f32 v2, v1;
	v2 =	vadd.f32 v9, v6;
	v6 =	vshll.u32 v8, $0x10;
	v9 =	vld [tilespmem:s16+$0xFFFFFFF0]  }
0x18b: {  	v8 =	vand.u32 $0xFFFF0000, v8;
	v13 =	vld [tilespmem:s21+$0xFFFFFEE0];
	[tilespmem:s15+$0xFFFFFE90] =	vst v0;
	v0 =	vadd.f32 v12, v11;
	v11 =	vadd.f32 v16, v15  }
0x18c: {  	v4 =	vadd.f32 v4, v14;
	[tilespmem:s15+$0xFFFFFC10] =	vst v1;
	v1 =	vshll.u32 v7, $0x10;
	v7 =	vand.u32 $0xFFFF0000, v7;
	v12 =	vld [tilespmem:s16+$0xFFFFFEE0]  }
0x18d: {  	[tilespmem:s15+$0xFFFFFC50] =	vst v2;
	v2 =	vshll.u32 v10, $0x10;
	v10 =	vand.u32 $0xFFFF0000, v10;
	v14 =	vshll.u32 v5, $0x10;
	v15 =	vld [tilespmem:s21+$0xFFFFFF20]  }
0x18e: {  	v1 =	vadd.f32 v1, v6;
	v6 =	vadd.f32 v7, v8;
	v5 =	vand.u32 $0xFFFF0000, v5;
	v16 =	vld [tilespmem:s21+$0xFFFFFE20];
	[tilespmem:s15+$0xFFFFFED0] =	vst v0  }
0x18f: {  	v2 =	vadd.f32 v14, v2;
	v7 =	vshll.u32 v3, $0x10;
	v0 =	vld [tilespmem:s16+$0xFFFFFE20];
	[tilespmem:s15+$0xFFFFFF10] =	vst v11;
	v8 =	vshll.u32 v9, $0x10  }
0x190: {  	v3 =	vand.u32 $0xFFFF0000, v3;
	v11 =	vld [tilespmem:s16+$0xFFFFFF20];
	[tilespmem:s15+$0xFFFFFF50] =	vst v4;
	v4 =	vand.u32 $0xFFFF0000, v9;
	v7 =	vadd.f32 v8, v7  }
0x191: {  	v8 =	vshll.u32 v13, $0x10;
	v9 =	vand.u32 $0xFFFF0000, v13;
	[tilespmem:s15+$0xFFFFFCA0] =	vst v1;
	v13 =	vld [tilespmem:s21+$0xFFFFFF60];
	v1 =	vadd.f32 v4, v3  }
0x192: {  	v3 =	vshll.u32 v12, $0x10;
	v4 =	vand.u32 $0xFFFF0000, v12;
	v12 =	vshll.u32 v15, $0x10;
	v14 =	vld [tilespmem:s16+$0xFFFFFF60];
	[tilespmem:s15+$0xFFFFFFB0] =	vst v7  }
0x193: {  	v15 =	vand.u32 $0xFFFF0000, v15;
	v7 =	vshll.u32 v16, $0x10;
	v16 =	vand.u32 $0xFFFF0000, v16;
	v17 =	vld [tilespmem:s21+$0xFFFFFFA0];
	[tilespmem:s15+$0xFFFFFFF0] =	vst v1  }
0x194: {  	v5 =	vadd.f32 v5, v10;
	v1 =	vshll.u32 v0, $0x10;
	v0 =	vand.u32 $0xFFFF0000, v0;
	[tilespmem:s15+$0xFFFFFCE0] =	vst v6;
	v6 =	vld [tilespmem:s21+$0x0]  }
0x195: {  	v7 =	vadd.f32 v1, v7;
	[tilespmem:s15+$0xFFFFFD20] =	vst v2;
	v2 =	vshll.u32 v11, $0x10;
	v10 =	vand.u32 $0xFFFF0000, v11;
	v1 =	vld [tilespmem:s16+$0x0]  }
0x196: {  	v0 =	vadd.f32 v0, v16;
	[tilespmem:s15+$0xFFFFFD60] =	vst v5;
	v5 =	vshll.u32 v13, $0x10;
	v11 =	vand.u32 $0xFFFF0000, v13;
	v13 =	vld [tilespmem:s16+$0xFFFFFFA0]  }
0x197: {  	v3 =	vadd.f32 v3, v8;
	[tilespmem:s15+$0xFFFFFC20] =	vst v7;
	v7 =	vld [tilespmem:s21+$0xFFFFFE70];
	v8 =	vshll.u32 v14, $0x10;
	v14 =	vand.u32 $0xFFFF0000, v14  }
0x198: {  	v4 =	vadd.f32 v4, v9;
	[tilespmem:s15+$0xFFFFFC60] =	vst v0;
	v16 =	vld [tilespmem:s16+$0xFFFFFE70];
	v9 =	vshll.u32 v17, $0x10;
	v17 =	vand.u32 $0xFFFF0000, v17  }
0x199: {  	v2 =	vadd.f32 v2, v12;
	v18 =	vld [tilespmem:s21+$0xFFFFFE30];
	[tilespmem:s15+$0xFFFFFDA0] =	vst v3;
	v3 =	vadd.f32 v10, v15;
	v0 =	vshll.u32 v6, $0x10  }
0x19a: {  	v10 =	vld [tilespmem:s16+$0xFFFFFE30];
	[tilespmem:s15+$0xFFFFFDE0] =	vst v4;
	v4 =	vadd.f32 v8, v5;
	v5 =	vand.u32 $0xFFFF0000, v6;
	v6 =	vand.u32 $0xFFFF0000, v1  }
0x19b: {  	v8 =	vld [tilespmem:s21+$0xFFFFFEB0];
	[tilespmem:s15+$0xFFFFFE20] =	vst v2;
	v2 =	vshll.u32 v13, $0x10;
	v12 =	vand.u32 $0xFFFF0000, v13;
	v5 =	vadd.f32 v6, v5  }
0x19c: {  	v6 =	vshll.u32 v7, $0x10;
	v13 =	vld [tilespmem:s16+$0xFFFFFEB0];
	[tilespmem:s15+$0xFFFFFE60] =	vst v3;
	v3 =	vadd.f32 v14, v11;
	v2 =	vadd.f32 v2, v9  }
0x19d: {  	v7 =	vand.u32 $0xFFFF0000, v7;
	v12 =	vadd.f32 v12, v17;
	v9 =	vshll.u32 v16, $0x10;
	v11 =	vld [tilespmem:s21+$0xFFFFFEF0];
	[tilespmem:s15+$0x0] =	vst v5  }
0x19e: {  	v15 =	vand.u32 $0xFFFF0000, v16;
	v5 =	vshll.u32 v18, $0x10;
	v14 =	vand.u32 $0xFFFF0000, v18;
	v16 =	vld [tilespmem:s16+$0xFFFFFEF0];
	[tilespmem:s15+$0xFFFFFEA0] =	vst v4  }
0x19f: {  	v6 =	vadd.f32 v9, v6;
	v4 =	vshll.u32 v10, $0x10;
	v10 =	vand.u32 $0xFFFF0000, v10;
	v9 =	vld [tilespmem:s21+$0xFFFFFF30];
	[tilespmem:s15+$0xFFFFFEE0] =	vst v3  }
0x1a0: {  	v3 =	vadd.f32 v4, v5;
	v4 =	vshll.u32 v8, $0x10;
	v5 =	vand.u32 $0xFFFF0000, v8;
	v8 =	vld [tilespmem:s16+$0xFFFFFF30];
	[tilespmem:s15+$0xFFFFFF20] =	vst v2  }
0x1a1: {  	v2 =	vadd.f32 v10, v14;
	v10 =	vshll.u32 v13, $0x10;
	v13 =	vand.u32 $0xFFFF0000, v13;
	v14 =	vld [tilespmem:s21+$0xFFFFFF70];
	[tilespmem:s15+$0xFFFFFF60] =	vst v12  }
0x1a2: {  	[tilespmem:s15+$0xFFFFFC30] =	vst v3;
	v3 =	vadd.f32 v15, v7;
	v7 =	vshll.u32 v11, $0x10;
	v11 =	vand.u32 $0xFFFF0000, v11;
	v12 =	vld [tilespmem:s16+$0xFFFFFF70]  }
0x1a3: {  	[tilespmem:s15+$0xFFFFFC70] =	vst v2;
	v2 =	vadd.f32 v10, v4;
	v4 =	vshll.u32 v16, $0x10;
	v10 =	vand.u32 $0xFFFF0000, v16;
	v15 =	vld [tilespmem:s21+$0xFFFFFFB0]  }
0x1a4: {  	v5 =	vadd.f32 v13, v5;
	[tilespmem:s15+$0xFFFFFCB0] =	vst v6;
	v6 =	vshll.u32 v9, $0x10;
	v9 =	vand.u32 $0xFFFF0000, v9;
	v13 =	vld [tilespmem:s16+$0xFFFFFFB0]  }
0x1a5: {  	v16 =	vld [tilespmem:s21+$0xFFFFFE40];
	[tilespmem:s15+$0xFFFFFCF0] =	vst v3;
	v3 =	vadd.f32 v4, v7;
	v4 =	vshll.u32 v8, $0x10;
	v7 =	vand.u32 $0xFFFF0000, v8  }
0x1a6: {  	v8 =	vld [tilespmem:s16+$0xFFFFFE40];
	[tilespmem:s15+$0xFFFFFD30] =	vst v2;
	v2 =	vadd.f32 v10, v11;
	v10 =	vshll.u32 v14, $0x10;
	v11 =	vand.u32 $0xFFFF0000, v14  }
0x1a7: {  	v4 =	vadd.f32 v4, v6;
	v14 =	vld [tilespmem:s21+$0xFFFFFE80];
	[tilespmem:s15+$0xFFFFFD70] =	vst v5;
	v5 =	vshll.u32 v12, $0x10;
	v6 =	vand.u32 $0xFFFF0000, v12  }
0x1a8: {  	v12 =	vld [tilespmem:s16+$0xFFFFFE80];
	[tilespmem:s15+$0xFFFFFDB0] =	vst v3;
	v3 =	vadd.f32 v7, v9;
	v7 =	vshll.u32 v15, $0x10;
	v9 =	vand.u32 $0xFFFF0000, v15  }
0x1a9: {  	v15 =	vld [tilespmem:s21+$0xFFFFFEC0];
	[tilespmem:s15+$0xFFFFFDF0] =	vst v2;
	v2 =	vadd.f32 v5, v10;
	v5 =	vshll.u32 v13, $0x10;
	v10 =	vand.u32 $0xFFFF0000, v13  }
0x1aa: {  	v13 =	vshll.u32 v16, $0x10;
	v17 =	vld [tilespmem:s16+$0xFFFFFEC0];
	[tilespmem:s15+$0xFFFFFE30] =	vst v4;
	v4 =	vadd.f32 v6, v11;
	v5 =	vadd.f32 v5, v7  }
0x1ab: {  	v6 =	vand.u32 $0xFFFF0000, v16;
	v7 =	vshll.u32 v8, $0x10;
	v11 =	vld [tilespmem:s21+$0xFFFFFF00];
	[tilespmem:s15+$0xFFFFFE70] =	vst v3;
	v3 =	vadd.f32 v10, v9  }
0x1ac: {  	v8 =	vand.u32 $0xFFFF0000, v8;
	v9 =	vshll.u32 v14, $0x10;
	v10 =	vand.u32 $0xFFFF0000, v14;
	v14 =	vld [tilespmem:s16+$0xFFFFFF00];
	[tilespmem:s15+$0xFFFFFEB0] =	vst v2  }
0x1ad: {  	v1 =	vshll.u32 v1, $0x10;
	v16 =	vshll.u32 v12, $0x10;
	v12 =	vand.u32 $0xFFFF0000, v12;
	v18 =	vld [tilespmem:s21+$0xFFFFFF40];
	[tilespmem:s15+$0xFFFFFEF0] =	vst v4  }
0x1ae: {  	v4 =	vadd.f32 v7, v13;
	v7 =	vshll.u32 v15, $0x10;
	v13 =	vand.u32 $0xFFFF0000, v15;
	v19 =	vld [tilespmem:s16+$0xFFFFFF40];
	[tilespmem:s15+$0xFFFFFF30] =	vst v5  }
.Ltmp2:
0x1af: {  	v5 =	vadd.f32 v8, v6;
	v15 =	vshll.u32 v17, $0x10;
	v17 =	vand.u32 $0xFFFF0000, v17;
	v2 =	vld [tilespmem:s21+$0xFFFFFF80];
	[tilespmem:s15+$0xFFFFFF70] =	vst v3;
	(pc) =	sbr.rel @p0 .LBB2_7-.Ltmp2, $4  }
0x1b0: {  	v16 =	vadd.f32 v16, v9;
	[tilespmem:s15+$0xFFFFFC40] =	vst v4;
	v8 =	vshll.u32 v11, $0x10;
	v6 =	vand.u32 $0xFFFF0000, v11;
	v4 =	vld [tilespmem:s16+$0xFFFFFF80]  }
0x1b1: {  	v11 =	vadd.f32 v12, v10;
	[tilespmem:s15+$0xFFFFFC80] =	vst v5;
	v12 =	vshll.u32 v14, $0x10;
	v9 =	vand.u32 $0xFFFF0000, v14;
	v3 =	vld [tilespmem:s21+$0xFFFFFFC0]  }
0x1b2: {  	v14 =	vadd.f32 v15, v7;
	[tilespmem:s15+$0xFFFFFCC0] =	vst v16;
	v10 =	vshll.u32 v18, $0x10;
	v7 =	vand.u32 $0xFFFF0000, v18;
	v5 =	vld [tilespmem:s16+$0xFFFFFFC0]  }
0x1b3: {  	v15 =	vadd.f32 v17, v13;
	s21 =	sadd.s32 $0x200, s21;
	[tilespmem:s15+$0xFFFFFD00] =	vst v11;
	v13 =	vshll.u32 v19, $0x10;
	v11 =	vand.u32 $0xFFFF0000, v19  }
0x1b4: {  	[tilespmem:s15+$0xFFFFFD40] =	vst v14;
	v8 =	vadd.f32 v12, v8  }
0x1b5: {  	v6 =	vadd.f32 v9, v6;
	[tilespmem:s15+$0xFFFFFD80] =	vst v15  }
0x1b6: {  	v52 =	vadd.f32 v13, v10;
	[tilespmem:s15+$0xFFFFFDC0] =	vst v8  }
0x1b7: {  	v55 =	vadd.f32 v11, v7;
	[tilespmem:s15+$0xFFFFFE00] =	vst v6  }
0x1b8: {  	v53 =	vshll.u32 v2, $0x10;
	v0 =	vadd.f32 v1, v0;
	v54 =	vshll.u32 v4, $0x10;
	[tilespmem:s15+$0xFFFFFE40] =	vst v52  }
0x1b9: {  	v56 =	vand.u32 $0xFFFF0000, v2;
	s11 =	sadd.s32 $0x1, s11;
	v57 =	vand.u32 $0xFFFF0000, v4;
	v58 =	vadd.f32 v54, v53;
	[tilespmem:s15+$0xFFFFFE80] =	vst v55  }
0x1ba: {  	p0 =	sne.s32 s11, $0x64;
	v59 =	vshll.u32 v3, $0x10;
	v2 =	vadd.f32 v57, v56;
	[tilespmem:s17+$0xFFFFFFC0] =	vst v0;
	v60 =	vshll.u32 v5, $0x10  }
.Ltmp3:
0x1bb: {  	v61 =	vand.u32 $0xFFFF0000, v3;
	v62 =	vand.u32 $0xFFFF0000, v5;
	v63 =	vadd.f32 v60, v59;
	[tilespmem:s15+$0xFFFFFEC0] =	vst v58;
	(pc) =	sbr.rel @p0 .LBB2_2-.Ltmp3, $4  }
0x1bc: {  	s12 =	sshll.u32 s12, $0x4;
	v3 =	vadd.f32 v62, v61;
	[tilespmem:s15+$0xFFFFFF00] =	vst v2  }
0x1bd: {  	s12 =	sand.u32 $0x1FFFF800, s12;
	[tilespmem:s17+$0xFFFFFF40] =	vst v63  }
0x1be: {  	s12 =	sadd.s32 s2, s12;
	[tilespmem:s17+$0xFFFFFF80] =	vst v3  }
0x1bf: {  	[hbm4b:s12+s3] =	stream.linear.scatter [tilespmem:s10], [sflag:$0x7], $0x4000, $0x38;
	[tilespmem:$0x10400] =	vst v63  }
0x1c0: {  	s11 =	simm.s32 $0x6  }
0x1c1: {  	_ =	swait.ge [sflag:s11], $0x4000  }
0x1c2: {  	[sflag:s11] =	ssyncset.done $0x0  }
0x1c3: {  	s12 =	simm.s32 $0x7;
	[sflag:s11] =	ssyncadd.s32 $0xFFFFC000  }
0x1c4: {  	_ =	swait.ge [sflag:s12], $0x4000  }
0x1c5: {  	s15 =	rddreg [dreg:$0x7]  }
0x1c6: {  	s22 =	rddreg [dreg:$0x6];
	s15 =	sadd.s32 $0x1, s15  }
0x1c7: {  	p0 =	sne.s32 s15, s22  }
.Ltmp4:
0x1c8: {  	_ = 	snop;
	(pc) =	sbr.rel @p0 .LBB2_1-.Ltmp4, $3  }
0x1c9: {  	_ =	sdelay $0x1  }
0x1ca: {  	[sflag:s12] =	ssyncset.done $0x0  }
0x1cb: {  	[sflag:s12] =	ssyncadd.s32 $0xFFFFC000  }
0x1cc: {  	_ =	sfence.sel $0x180000  }
0x1cd: {  	[bflag:$0x0] =	sbarrier.arrive $0xFFFF  }
0x1ce: {  	_ =	strace $0x90000047  }
0x1cf: {  	s0 =	stileid.u32;
	[bflag:$0x2] =	sbarrier.arrive $0xFFFF  }
0x1d0: {  	p0 =	sne.s32 s0, $0x0;
	s0 =	rddreg [dreg:$0x2]  }
0x1d1: {  	s0 =	sadd.s32 @!p0 $0x100000, s0  }
0x1d2: {  	[sflag:s0] =	ssyncadd.tile.s32 @!p0 $0x1;
	_ =	shalt  }
.Lfunc_end2:
_tile_overlayer_lowered:
.L_overlay_start_2:
0x1d3: {  	(tag) =	ssettag $0x2  }
0x1d4: {  	s0 =	rddreg [dreg:$0x0];
	s2 =	stileid.u32  }
0x1d5: {  	s1 =	rddreg [dreg:$0x1];
	p0 =	sne.s32 s2, $0x0  }
0x1d6: {  	s3 =	rddreg [dreg:$0x2];
	[bflag:$0x3] =	sbarrier.arrive $0xFFFF;
	s2 =	simm.s32 @!p0 $0x1C08  }
0x1d7: {  	[timem:s3], [sflag:s2] =	dma.local @!p0 [hbm:s0], s1  }
0x1d8: {  	s0 =	simm.s32 @!p0 $0x8  }
0x1d9: {  	_ =	swait.ge @!p0 [sflag:s0], s1  }
0x1da: {  	s1 =	ssub.s32 @!p0 $0x0, s1;
	[sflag:s0] =	ssyncset.done @!p0 $0x0  }
0x1db: {  	[sflag:s0] =	ssyncadd.s32 @!p0 s1  }
0x1dc: {  	[bflag:$0x3] =	sbarrier.arrive $0xFFFF  }
0x1dd: {  	_ =	shalt  }

</sc_bundles>
